<compile_context>
chip_gen: v7x
topology: tpu7x:2x2x1
jax: 0.10.2.dev20260603
libtpu: 0.0.44.dev20260713+nightly
codegen_flags: <defaults>
</compile_context>

<pallas_src>
import functools

import jax
import jax.numpy as jnp
from jax import lax
from jax.experimental import pallas as pl
from jax.experimental.pallas import tpu as pltpu
from jax.experimental.pallas import tpu_sc as plsc

N = 10000
D = 128
H = 16
E = 320000

NC = 2
NS = 16
NW = NC * NS
CHUNK = 128
CPW = 80
EPW = CPW * CHUNK
E_PAD = NW * EPW
NPAD = 10240
RPT = NPAD // NS
DUMMY = 10008
NBUF = 8

_mesh = plsc.VectorSubcoreMesh(core_axis_name="c", subcore_axis_name="s")
_params = pltpu.CompilerParams(use_tc_tiling_on_sc=False,
                               needs_layout_passes=False)


def _rsqrt_newton(d):
    i = lax.bitcast_convert_type(d, jnp.int32)
    i = 0x5F3759DF - lax.shift_right_arithmetic(i, 1)
    y = lax.bitcast_convert_type(i, jnp.float32)
    for _ in range(3):
        y = y * (1.5 - 0.5 * d * y * y)
    return y


def _edge_scatter(q_sh, agg_sh, src_v, dst_v, rows, gsems, ssems):
    for b in range(NBUF):
        pltpu.async_copy(q_sh.at[src_v.at[b]], rows[b], gsems[b])

    def body(i, carry):
        for b in range(NBUF):
            j = NBUF * i + b
            pltpu.make_async_copy(q_sh.at[src_v.at[0]], rows[b],
                                  gsems[b]).wait()
            pltpu.async_copy(rows[b], agg_sh.at[dst_v.at[j]], ssems[b],
                             add=True)
        for b in range(NBUF):
            @pl.when(i < CPW // NBUF - 1)
            def _():
                pltpu.make_async_copy(rows[b], agg_sh.at[dst_v.at[0]],
                                      ssems[b]).wait()
                pltpu.async_copy(q_sh.at[src_v.at[NBUF * i + NBUF + b]],
                                 rows[b], gsems[b])
        return carry

    lax.fori_loop(0, CPW // NBUF, body, 0)
    for b in range(NBUF):
        pltpu.make_async_copy(rows[b], agg_sh.at[dst_v.at[0]], ssems[b]).wait()


_SC_SCRATCH_COMMON = [
    pltpu.VMEM_SHARED((NPAD, H), jnp.float32),
    pltpu.VMEM_SHARED((NPAD, H), jnp.float32),
    pltpu.VMEM((CPW, CHUNK), jnp.int32),
    pltpu.VMEM((RPT, H), jnp.float32),
    pltpu.VMEM((RPT,), jnp.float32),
    *( [pltpu.VMEM((CHUNK, H), jnp.float32)] * NBUF ),
    *( [pltpu.SemaphoreType.DMA] * (2 * NBUF) ),
    pltpu.SemaphoreType.DMA,
]


@functools.partial(
    pl.kernel,
    out_type=(jax.ShapeDtypeStruct((NC, NPAD, H), jnp.float32),
              jax.ShapeDtypeStruct((NPAD, H), jnp.float32),
              jax.ShapeDtypeStruct((NPAD,), jnp.float32)),
    mesh=_mesh,
    scratch_types=[
        pltpu.VMEM_SHARED((NPAD,), jnp.float32),
        pltpu.VMEM((2, CPW, CHUNK), jnp.int32),
        pltpu.VMEM((CHUNK,), jnp.float32),
        pltpu.VMEM((RPT,), jnp.float32),
        *_SC_SCRATCH_COMMON,
    ],
    compiler_params=_params,
)
def _layer1_kernel(h_hbm, src_hbm, dst_hbm, part_out, q1_out, dinv_out,
                   deg_sh, dst2_v, ones_v, deg_v,
                   agg_sh, q_sh, src_v, slab_v, dinv_v, *bufs):
    rows = list(bufs[:NBUF])
    gsems = list(bufs[NBUF:2 * NBUF])
    ssems = list(bufs[2 * NBUF:3 * NBUF])
    hsem = bufs[3 * NBUF]
    c = lax.axis_index("c")
    s = lax.axis_index("s")
    w = s * NC + c
    one = jnp.ones((16,), jnp.float32)
    zero = jnp.zeros((16,), jnp.float32)
    for k in range(CHUNK // 16):
        ones_v[pl.ds(k * 16, 16)] = one
    for k in range(RPT // 16):
        deg_v[pl.ds(k * 16, 16)] = zero
    pltpu.async_copy(h_hbm.at[pl.ds(s * RPT, RPT)], slab_v, hsem)
    pltpu.sync_copy(src_hbm.at[w], src_v)
    pltpu.sync_copy(dst_hbm.at[pl.ds(2 * s, 2)], dst2_v)
    pltpu.sync_copy(deg_v, deg_sh.at[pl.ds(s * RPT, RPT)])
    plsc.subcore_barrier()

    def deg_body(i, carry):
        for k in range(4):
            blk = k // 2
            col = 2 * i + (k % 2)
            @pl.when(i > 0)
            def _():
                pltpu.make_async_copy(ones_v, deg_sh.at[dst2_v.at[0, 0]],
                                      ssems[k]).wait()
            pltpu.async_copy(ones_v, deg_sh.at[dst2_v.at[blk, col]],
                             ssems[k], add=True)
        return carry

    lax.fori_loop(0, CPW // 2, deg_body, 0)
    for k in range(4):
        pltpu.make_async_copy(ones_v, deg_sh.at[dst2_v.at[0, 0]],
                              ssems[k]).wait()
    plsc.subcore_barrier()

    pltpu.sync_copy(deg_sh.at[pl.ds(s * RPT, RPT)], deg_v)
    def dinv_body(i, carry):
        d = deg_v[pl.ds(i * 16, 16)] + 1.0
        dinv_v[pl.ds(i * 16, 16)] = _rsqrt_newton(d)
        return carry
    lax.fori_loop(0, RPT // 16, dinv_body, 0)
    pltpu.make_async_copy(h_hbm.at[pl.ds(s * RPT, RPT)], slab_v, hsem).wait()

    def scale_body(n, carry):
        dn = plsc.load_gather(dinv_v, [jnp.full((16,), n, jnp.int32)])
        slab_v[n, :] = slab_v[n, :] * dn
        return carry
    lax.fori_loop(0, RPT, scale_body, 0)

    pltpu.sync_copy(slab_v, q_sh.at[pl.ds(s * RPT, RPT)])
    pltpu.sync_copy(slab_v, agg_sh.at[pl.ds(s * RPT, RPT)])

    @pl.when(c == 0)
    def _():
        pltpu.sync_copy(slab_v, q1_out.at[pl.ds(s * RPT, RPT)])
        pltpu.sync_copy(dinv_v, dinv_out.at[pl.ds(s * RPT, RPT)])
    plsc.subcore_barrier()

    _edge_scatter(q_sh, agg_sh, src_v, dst2_v.at[c], rows, gsems, ssems)
    plsc.subcore_barrier()
    pltpu.sync_copy(agg_sh.at[pl.ds(s * RPT, RPT)],
                    part_out.at[c, pl.ds(s * RPT, RPT)])


@functools.partial(
    pl.kernel,
    out_type=(jax.ShapeDtypeStruct((NC, NPAD, H), jnp.float32),
              jax.ShapeDtypeStruct((NPAD, H), jnp.float32)),
    mesh=_mesh,
    scratch_types=[
        pltpu.VMEM((CPW, CHUNK), jnp.int32),
        pltpu.VMEM((RPT, H), jnp.float32),
        pltpu.VMEM((RPT, H), jnp.float32),
        pltpu.VMEM((16,), jnp.float32),
        pltpu.SemaphoreType.DMA,
        pltpu.SemaphoreType.DMA,
        pltpu.SemaphoreType.DMA,
        *_SC_SCRATCH_COMMON,
    ],
    compiler_params=_params,
)
def _layer2_kernel(part1_hbm, q1_hbm, dinv_hbm, b1_hbm, src_hbm, dst_hbm,
                   part_out, q2_out,
                   dst_v, p1_v, q1_v, b1_v, sem_a, sem_b, sem_c,
                   agg_sh, q_sh, src_v, slab_v, dinv_v, *bufs):
    rows = list(bufs[:NBUF])
    gsems = list(bufs[NBUF:2 * NBUF])
    ssems = list(bufs[2 * NBUF:3 * NBUF])
    dsem = bufs[3 * NBUF]
    c = lax.axis_index("c")
    s = lax.axis_index("s")
    w = s * NC + c
    pltpu.async_copy(part1_hbm.at[0, pl.ds(s * RPT, RPT)], slab_v, sem_a)
    pltpu.async_copy(part1_hbm.at[1, pl.ds(s * RPT, RPT)], p1_v, sem_b)
    pltpu.async_copy(q1_hbm.at[pl.ds(s * RPT, RPT)], q1_v, sem_c)
    pltpu.async_copy(dinv_hbm.at[pl.ds(s * RPT, RPT)], dinv_v, dsem)
    pltpu.sync_copy(b1_hbm, b1_v)
    pltpu.sync_copy(src_hbm.at[w], src_v)
    pltpu.sync_copy(dst_hbm.at[w], dst_v)
    pltpu.make_async_copy(part1_hbm.at[0, pl.ds(s * RPT, RPT)], slab_v,
                          sem_a).wait()
    pltpu.make_async_copy(part1_hbm.at[1, pl.ds(s * RPT, RPT)], p1_v,
                          sem_b).wait()
    pltpu.make_async_copy(q1_hbm.at[pl.ds(s * RPT, RPT)], q1_v, sem_c).wait()
    pltpu.make_async_copy(dinv_hbm.at[pl.ds(s * RPT, RPT)], dinv_v,
                          dsem).wait()
    b1r = b1_v[...]

    def mid_body(n, carry):
        dn = plsc.load_gather(dinv_v, [jnp.full((16,), n, jnp.int32)])
        agg = slab_v[n, :] + p1_v[n, :] - q1_v[n, :]
        r = jnp.maximum(dn * agg + b1r, 0.0)
        slab_v[n, :] = dn * r
        return carry
    lax.fori_loop(0, RPT, mid_body, 0)

    pltpu.sync_copy(slab_v, q_sh.at[pl.ds(s * RPT, RPT)])
    pltpu.sync_copy(slab_v, agg_sh.at[pl.ds(s * RPT, RPT)])

    @pl.when(c == 0)
    def _():
        pltpu.sync_copy(slab_v, q2_out.at[pl.ds(s * RPT, RPT)])
    plsc.subcore_barrier()

    _edge_scatter(q_sh, agg_sh, src_v, dst_v, rows, gsems, ssems)
    plsc.subcore_barrier()
    pltpu.sync_copy(agg_sh.at[pl.ds(s * RPT, RPT)],
                    part_out.at[c, pl.ds(s * RPT, RPT)])



def _mm_body(x_ref, w_ref, o_ref):
    o_ref[...] = jnp.dot(x_ref[...], w_ref[...],
                         preferred_element_type=jnp.float32)


def _final_body(part_ref, q2_ref, dinv_ref, w2_ref, b2_ref, o_ref):
    agg = part_ref[0] + part_ref[1] - q2_ref[...]
    g = dinv_ref[...] * agg
    z = jnp.dot(g, w2_ref[...], preferred_element_type=jnp.float32)
    z = z + b2_ref[...]
    m = jnp.max(z, axis=1, keepdims=True)
    lse = jnp.log(jnp.sum(jnp.exp(z - m), axis=1, keepdims=True)) + m
    o_ref[...] = z - lse



def kernel(x, edge_index, W1, b1, W2, b2):
    src = edge_index[0].astype(jnp.int32)
    dst = edge_index[1].astype(jnp.int32)
    pad = jnp.full((E_PAD - E,), DUMMY, jnp.int32)
    src3 = jnp.concatenate([src, pad]).reshape(NW, CPW, CHUNK)
    dst3 = jnp.concatenate([dst, pad]).reshape(NW, CPW, CHUNK)
    x_p = jnp.pad(x, ((0, NPAD - N), (0, 0)))

    h = pl.pallas_call(
        _mm_body, out_shape=jax.ShapeDtypeStruct((NPAD, H), jnp.float32))(
            x_p, W1)

    part1, q1, dinv = _layer1_kernel(h, src3, dst3)
    part2, q2 = _layer2_kernel(part1, q1, dinv, b1, src3, dst3)

    out = pl.pallas_call(
        _final_body, out_shape=jax.ShapeDtypeStruct((NPAD, H), jnp.float32))(
            part2, q2, dinv.reshape(NPAD, 1), W2, b2.reshape(1, H))

    return out[:N]

# --- scband reference (transcript-rebuilt; emitter-appended) ---
"""Pipeline reference for scband-gcn-ancestor-63909113364524 (READ-ONLY COPY).

The authoritative reference and input builder live on the scoring server;
editing this copy changes nothing except your own understanding.
"""

import jax, jax.numpy as jnp
import numpy as np

N_NODES = 10000
D_FEAT = 128
HIDDEN = 16
N_CLASSES = 16
N_EDGES = 320000


def gcn_conv(x, src, dst, W, b, num_nodes):
    # GCNConv with added self-loops and symmetric normalization (PyG default)
    loop = jnp.arange(num_nodes, dtype=src.dtype)
    src_f = jnp.concatenate([src, loop])
    dst_f = jnp.concatenate([dst, loop])
    deg = jnp.zeros((num_nodes,), dtype=x.dtype).at[dst_f].add(1.0)
    dinv = jnp.where(deg > 0, jax.lax.rsqrt(deg), 0.0)
    norm = dinv[src_f] * dinv[dst_f]
    h = x @ W  # transform first (out_dim small)
    msg = h[src_f] * norm[:, None]
    out = jnp.zeros((num_nodes, W.shape[1]), dtype=x.dtype).at[dst_f].add(msg)
    return out + b


def setup_inputs(seed: int = 0) -> dict:
    key = jax.random.key(seed)
    k1, k2, k3, k4, k5, k6 = jax.random.split(key, 6)
    x = jax.random.normal(k1, (N_NODES, D_FEAT), dtype=jnp.float32)
    edge_index = jax.random.randint(k2, (2, N_EDGES), 0, N_NODES, dtype=jnp.int64)
    # glorot-style init for GCN weights
    W1 = jax.random.normal(k3, (D_FEAT, HIDDEN), dtype=jnp.float32) * (1.0 / np.sqrt(D_FEAT))
    b1 = jnp.zeros((HIDDEN,), dtype=jnp.float32)
    W2 = jax.random.normal(k4, (HIDDEN, N_CLASSES), dtype=jnp.float32) * (1.0 / np.sqrt(HIDDEN))
    b2 = jnp.zeros((N_CLASSES,), dtype=jnp.float32)
    return {"x": x, "edge_index": edge_index, "W1": W1, "b1": b1, "W2": W2, "b2": b2}


def reference(x, edge_index, W1, b1, W2, b2):
    # Effective forward of GCN_ancestor (intermediate layer outputs are discarded
    # in the original loop; only the last graph's pass matters):
    #   h = dropout(relu(conv1(x, ei)))   [dropout identity in eval]
    #   out = log_softmax(conv_end(h, ei))
    num_nodes = x.shape[0]
    src, dst = edge_index[0], edge_index[1]
    h = gcn_conv(x, src, dst, W1, b1, num_nodes)
    h = jax.nn.relu(h)
    out = gcn_conv(h, src, dst, W2, b2, num_nodes)
    return jax.nn.log_softmax(out, axis=1)

if __name__ == "__main__":
    import jax
    _d = setup_inputs()
    print(jax.jit(kernel)(*tuple(_d.values())))

</pallas_src>

<mosaic_0001>
#map = affine_map<(d0, d1) -> (0, 0, 0)>
#map1 = affine_map<(d0, d1) -> (0, 0)>
#map2 = affine_map<(d0, d1) -> (0)>
module attributes {stable_mosaic.version = 14 : i64} {
  func.func @_layer2_kernel(%arg0: i32, %arg1: i32, %arg2: memref<2x10240x16xf32, #tpu.memory_space<hbm>>, %arg3: memref<10240x16xf32, #tpu.memory_space<hbm>>, %arg4: memref<10240xf32, #tpu.memory_space<hbm>>, %arg5: memref<16xf32, #tpu.memory_space<hbm>>, %arg6: memref<32x80x128xi32, #tpu.memory_space<hbm>>, %arg7: memref<32x80x128xi32, #tpu.memory_space<hbm>>, %arg8: memref<2x10240x16xf32, #tpu.memory_space<hbm>>, %arg9: memref<10240x16xf32, #tpu.memory_space<hbm>>, %arg10: memref<80x128xi32, #tpu.memory_space<vmem>>, %arg11: memref<640x16xf32, #tpu.memory_space<vmem>>, %arg12: memref<640x16xf32, #tpu.memory_space<vmem>>, %arg13: memref<16xf32, #tpu.memory_space<vmem>>, %arg14: memref<!tpu.dma_semaphore, #tpu.memory_space<semaphore_mem>>, %arg15: memref<!tpu.dma_semaphore, #tpu.memory_space<semaphore_mem>>, %arg16: memref<!tpu.dma_semaphore, #tpu.memory_space<semaphore_mem>>, %arg17: memref<10240x16xf32, #tpu.memory_space<vmem_shared>>, %arg18: memref<10240x16xf32, #tpu.memory_space<vmem_shared>>, %arg19: memref<80x128xi32, #tpu.memory_space<vmem>>, %arg20: memref<640x16xf32, #tpu.memory_space<vmem>>, %arg21: memref<640xf32, #tpu.memory_space<vmem>>, %arg22: memref<128x16xf32, #tpu.memory_space<vmem>>, %arg23: memref<128x16xf32, #tpu.memory_space<vmem>>, %arg24: memref<128x16xf32, #tpu.memory_space<vmem>>, %arg25: memref<128x16xf32, #tpu.memory_space<vmem>>, %arg26: memref<128x16xf32, #tpu.memory_space<vmem>>, %arg27: memref<128x16xf32, #tpu.memory_space<vmem>>, %arg28: memref<128x16xf32, #tpu.memory_space<vmem>>, %arg29: memref<128x16xf32, #tpu.memory_space<vmem>>, %arg30: memref<!tpu.dma_semaphore, #tpu.memory_space<semaphore_mem>>, %arg31: memref<!tpu.dma_semaphore, #tpu.memory_space<semaphore_mem>>, %arg32: memref<!tpu.dma_semaphore, #tpu.memory_space<semaphore_mem>>, %arg33: memref<!tpu.dma_semaphore, #tpu.memory_space<semaphore_mem>>, %arg34: memref<!tpu.dma_semaphore, #tpu.memory_space<semaphore_mem>>, %arg35: memref<!tpu.dma_semaphore, #tpu.memory_space<semaphore_mem>>, %arg36: memref<!tpu.dma_semaphore, #tpu.memory_space<semaphore_mem>>, %arg37: memref<!tpu.dma_semaphore, #tpu.memory_space<semaphore_mem>>, %arg38: memref<!tpu.dma_semaphore, #tpu.memory_space<semaphore_mem>>, %arg39: memref<!tpu.dma_semaphore, #tpu.memory_space<semaphore_mem>>, %arg40: memref<!tpu.dma_semaphore, #tpu.memory_space<semaphore_mem>>, %arg41: memref<!tpu.dma_semaphore, #tpu.memory_space<semaphore_mem>>, %arg42: memref<!tpu.dma_semaphore, #tpu.memory_space<semaphore_mem>>, %arg43: memref<!tpu.dma_semaphore, #tpu.memory_space<semaphore_mem>>, %arg44: memref<!tpu.dma_semaphore, #tpu.memory_space<semaphore_mem>>, %arg45: memref<!tpu.dma_semaphore, #tpu.memory_space<semaphore_mem>>, %arg46: memref<!tpu.dma_semaphore, #tpu.memory_space<semaphore_mem>>) attributes {dimension_semantics = [#tpu.dimension_semantics<core_parallel>, #tpu.dimension_semantics<subcore_parallel>], iteration_bounds = array<i64: 2, 16>, scalar_prefetch = 0 : i64, scratch_operands = 37 : i64, tpu.core_type = #tpu.core_type<sc_vector_subcore>, window_params = [{transform_indices = #map}, {transform_indices = #map1}, {transform_indices = #map2}, {transform_indices = #map2}, {transform_indices = #map}, {transform_indices = #map}, {transform_indices = #map}, {transform_indices = #map1}]} {
    %mul3A = arith.constant 2 : i32
    %mul3A_0 = arith.muli %arg1, %mul3A : i32
    %add3A = arith.addi %mul3A_0, %arg0 : i32
    %mul3A_1 = arith.constant 640 : i32
    %mul3A_2 = arith.muli %arg1, %mul3A_1 : i32
    %dma_start3A = arith.constant 0 : i32
    %dma_start3A_3 = arith.constant 0 : i32
    %dma_start3A_4 = tpu.memref_slice %arg2[%dma_start3A, %mul3A_2, %dma_start3A_3] : memref<2x10240x16xf32, #tpu.memory_space<hbm>> -> memref<1x640x16xf32, #tpu.memory_space<hbm>>
    %dma_start3A_5 = tpu.memref_squeeze %dma_start3A_4 : memref<1x640x16xf32, #tpu.memory_space<hbm>> -> memref<640x16xf32, #tpu.memory_space<hbm>>
    %dma_start3A_6 = arith.constant 0 : i32
    %dma_start3A_7 = tpu.memref_slice %arg2[%dma_start3A, %mul3A_2, %dma_start3A_6] : memref<2x10240x16xf32, #tpu.memory_space<hbm>> -> memref<1x640x16xf32, #tpu.memory_space<hbm>>
    %dma_start3A_8 = tpu.memref_squeeze %dma_start3A_7 : memref<1x640x16xf32, #tpu.memory_space<hbm>> -> memref<640x16xf32, #tpu.memory_space<hbm>>
    tpu.enqueue_dma source(%dma_start3A_8 : memref<640x16xf32, #tpu.memory_space<hbm>>) target(%arg20 : memref<640x16xf32, #tpu.memory_space<vmem>>) target_semaphore(%arg14 : memref<!tpu.dma_semaphore, #tpu.memory_space<semaphore_mem>>)
    %mul3A_9 = arith.constant 640 : i32
    %mul3A_10 = arith.muli %arg1, %mul3A_9 : i32
    %dma_start3A_11 = arith.constant 1 : i32
    %dma_start3A_12 = arith.constant 0 : i32
    %dma_start3A_13 = tpu.memref_slice %arg2[%dma_start3A_11, %mul3A_10, %dma_start3A_12] : memref<2x10240x16xf32, #tpu.memory_space<hbm>> -> memref<1x640x16xf32, #tpu.memory_space<hbm>>
    %dma_start3A_14 = tpu.memref_squeeze %dma_start3A_13 : memref<1x640x16xf32, #tpu.memory_space<hbm>> -> memref<640x16xf32, #tpu.memory_space<hbm>>
    %dma_start3A_15 = arith.constant 0 : i32
    %dma_start3A_16 = tpu.memref_slice %arg2[%dma_start3A_11, %mul3A_10, %dma_start3A_15] : memref<2x10240x16xf32, #tpu.memory_space<hbm>> -> memref<1x640x16xf32, #tpu.memory_space<hbm>>
    %dma_start3A_17 = tpu.memref_squeeze %dma_start3A_16 : memref<1x640x16xf32, #tpu.memory_space<hbm>> -> memref<640x16xf32, #tpu.memory_space<hbm>>
    tpu.enqueue_dma source(%dma_start3A_17 : memref<640x16xf32, #tpu.memory_space<hbm>>) target(%arg11 : memref<640x16xf32, #tpu.memory_space<vmem>>) target_semaphore(%arg15 : memref<!tpu.dma_semaphore, #tpu.memory_space<semaphore_mem>>)
    %mul3A_18 = arith.constant 640 : i32
    %mul3A_19 = arith.muli %arg1, %mul3A_18 : i32
    %dma_start3A_20 = arith.constant 0 : i32
    %dma_start3A_21 = tpu.memref_slice %arg3[%mul3A_19, %dma_start3A_20] : memref<10240x16xf32, #tpu.memory_space<hbm>> -> memref<640x16xf32, #tpu.memory_space<hbm>>
    %dma_start3A_22 = arith.constant 0 : i32
    %dma_start3A_23 = tpu.memref_slice %arg3[%mul3A_19, %dma_start3A_22] : memref<10240x16xf32, #tpu.memory_space<hbm>> -> memref<640x16xf32, #tpu.memory_space<hbm>>
    tpu.enqueue_dma source(%dma_start3A_23 : memref<640x16xf32, #tpu.memory_space<hbm>>) target(%arg12 : memref<640x16xf32, #tpu.memory_space<vmem>>) target_semaphore(%arg16 : memref<!tpu.dma_semaphore, #tpu.memory_space<semaphore_mem>>)
    %mul3A_24 = arith.constant 640 : i32
    %mul3A_25 = arith.muli %arg1, %mul3A_24 : i32
    %dma_start3A_26 = tpu.memref_slice %arg4[%mul3A_25] : memref<10240xf32, #tpu.memory_space<hbm>> -> memref<640xf32, #tpu.memory_space<hbm>>
    %dma_start3A_27 = tpu.memref_slice %arg4[%mul3A_25] : memref<10240xf32, #tpu.memory_space<hbm>> -> memref<640xf32, #tpu.memory_space<hbm>>
    tpu.enqueue_dma source(%dma_start3A_27 : memref<640xf32, #tpu.memory_space<hbm>>) target(%arg21 : memref<640xf32, #tpu.memory_space<vmem>>) target_semaphore(%arg46 : memref<!tpu.dma_semaphore, #tpu.memory_space<semaphore_mem>>)
    "tpu.region"() ({
      %run_scoped3A = tpu.sem_alloc : memref<!tpu.dma_semaphore, #tpu.memory_space<semaphore_mem>>
      tpu.enqueue_dma source(%arg5 : memref<16xf32, #tpu.memory_space<hbm>>) target(%arg13 : memref<16xf32, #tpu.memory_space<vmem>>) target_semaphore(%run_scoped3A : memref<!tpu.dma_semaphore, #tpu.memory_space<semaphore_mem>>)
      tpu.wait_dma2 semaphore(%run_scoped3A : memref<!tpu.dma_semaphore, #tpu.memory_space<semaphore_mem>>) src(%arg5 : memref<16xf32, #tpu.memory_space<hbm>>) dst(%arg13 : memref<16xf32, #tpu.memory_space<vmem>>)
      tpu.yield
    }) : () -> ()
    "tpu.region"() ({
      %run_scoped3A = tpu.sem_alloc : memref<!tpu.dma_semaphore, #tpu.memory_space<semaphore_mem>>
      %dma_start3A_190 = arith.constant 0 : i32
      %dma_start3A_191 = arith.constant 0 : i32
      %dma_start3A_192 = tpu.memref_slice %arg6[%add3A, %dma_start3A_190, %dma_start3A_191] : memref<32x80x128xi32, #tpu.memory_space<hbm>> -> memref<1x80x128xi32, #tpu.memory_space<hbm>>
      %dma_start3A_193 = tpu.memref_squeeze %dma_start3A_192 : memref<1x80x128xi32, #tpu.memory_space<hbm>> -> memref<80x128xi32, #tpu.memory_space<hbm>>
      %dma_start3A_194 = arith.constant 0 : i32
      %dma_start3A_195 = arith.constant 0 : i32
      %dma_start3A_196 = tpu.memref_slice %arg6[%add3A, %dma_start3A_194, %dma_start3A_195] : memref<32x80x128xi32, #tpu.memory_space<hbm>> -> memref<1x80x128xi32, #tpu.memory_space<hbm>>
      %dma_start3A_197 = tpu.memref_squeeze %dma_start3A_196 : memref<1x80x128xi32, #tpu.memory_space<hbm>> -> memref<80x128xi32, #tpu.memory_space<hbm>>
      tpu.enqueue_dma source(%dma_start3A_197 : memref<80x128xi32, #tpu.memory_space<hbm>>) target(%arg19 : memref<80x128xi32, #tpu.memory_space<vmem>>) target_semaphore(%run_scoped3A : memref<!tpu.dma_semaphore, #tpu.memory_space<semaphore_mem>>)
      %dma_wait3A_198 = arith.constant 0 : i32
      %dma_wait3A_199 = arith.constant 0 : i32
      %dma_wait3A_200 = tpu.memref_slice %arg6[%add3A, %dma_wait3A_198, %dma_wait3A_199] : memref<32x80x128xi32, #tpu.memory_space<hbm>> -> memref<1x80x128xi32, #tpu.memory_space<hbm>>
      %dma_wait3A_201 = tpu.memref_squeeze %dma_wait3A_200 : memref<1x80x128xi32, #tpu.memory_space<hbm>> -> memref<80x128xi32, #tpu.memory_space<hbm>>
      %dma_wait3A_202 = arith.constant 0 : i32
      %dma_wait3A_203 = arith.constant 0 : i32
      %dma_wait3A_204 = tpu.memref_slice %arg6[%add3A, %dma_wait3A_202, %dma_wait3A_203] : memref<32x80x128xi32, #tpu.memory_space<hbm>> -> memref<1x80x128xi32, #tpu.memory_space<hbm>>
      %dma_wait3A_205 = tpu.memref_squeeze %dma_wait3A_204 : memref<1x80x128xi32, #tpu.memory_space<hbm>> -> memref<80x128xi32, #tpu.memory_space<hbm>>
      tpu.wait_dma2 semaphore(%run_scoped3A : memref<!tpu.dma_semaphore, #tpu.memory_space<semaphore_mem>>) src(%dma_wait3A_205 : memref<80x128xi32, #tpu.memory_space<hbm>>) dst(%arg19 : memref<80x128xi32, #tpu.memory_space<vmem>>)
      tpu.yield
    }) : () -> ()
    "tpu.region"() ({
      %run_scoped3A = tpu.sem_alloc : memref<!tpu.dma_semaphore, #tpu.memory_space<semaphore_mem>>
      %dma_start3A_190 = arith.constant 0 : i32
      %dma_start3A_191 = arith.constant 0 : i32
      %dma_start3A_192 = tpu.memref_slice %arg7[%add3A, %dma_start3A_190, %dma_start3A_191] : memref<32x80x128xi32, #tpu.memory_space<hbm>> -> memref<1x80x128xi32, #tpu.memory_space<hbm>>
      %dma_start3A_193 = tpu.memref_squeeze %dma_start3A_192 : memref<1x80x128xi32, #tpu.memory_space<hbm>> -> memref<80x128xi32, #tpu.memory_space<hbm>>
      %dma_start3A_194 = arith.constant 0 : i32
      %dma_start3A_195 = arith.constant 0 : i32
      %dma_start3A_196 = tpu.memref_slice %arg7[%add3A, %dma_start3A_194, %dma_start3A_195] : memref<32x80x128xi32, #tpu.memory_space<hbm>> -> memref<1x80x128xi32, #tpu.memory_space<hbm>>
      %dma_start3A_197 = tpu.memref_squeeze %dma_start3A_196 : memref<1x80x128xi32, #tpu.memory_space<hbm>> -> memref<80x128xi32, #tpu.memory_space<hbm>>
      tpu.enqueue_dma source(%dma_start3A_197 : memref<80x128xi32, #tpu.memory_space<hbm>>) target(%arg10 : memref<80x128xi32, #tpu.memory_space<vmem>>) target_semaphore(%run_scoped3A : memref<!tpu.dma_semaphore, #tpu.memory_space<semaphore_mem>>)
      %dma_wait3A_198 = arith.constant 0 : i32
      %dma_wait3A_199 = arith.constant 0 : i32
      %dma_wait3A_200 = tpu.memref_slice %arg7[%add3A, %dma_wait3A_198, %dma_wait3A_199] : memref<32x80x128xi32, #tpu.memory_space<hbm>> -> memref<1x80x128xi32, #tpu.memory_space<hbm>>
      %dma_wait3A_201 = tpu.memref_squeeze %dma_wait3A_200 : memref<1x80x128xi32, #tpu.memory_space<hbm>> -> memref<80x128xi32, #tpu.memory_space<hbm>>
      %dma_wait3A_202 = arith.constant 0 : i32
      %dma_wait3A_203 = arith.constant 0 : i32
      %dma_wait3A_204 = tpu.memref_slice %arg7[%add3A, %dma_wait3A_202, %dma_wait3A_203] : memref<32x80x128xi32, #tpu.memory_space<hbm>> -> memref<1x80x128xi32, #tpu.memory_space<hbm>>
      %dma_wait3A_205 = tpu.memref_squeeze %dma_wait3A_204 : memref<1x80x128xi32, #tpu.memory_space<hbm>> -> memref<80x128xi32, #tpu.memory_space<hbm>>
      tpu.wait_dma2 semaphore(%run_scoped3A : memref<!tpu.dma_semaphore, #tpu.memory_space<semaphore_mem>>) src(%dma_wait3A_205 : memref<80x128xi32, #tpu.memory_space<hbm>>) dst(%arg10 : memref<80x128xi32, #tpu.memory_space<vmem>>)
      tpu.yield
    }) : () -> ()
    %mul3A_28 = arith.constant 640 : i32
    %mul3A_29 = arith.muli %arg1, %mul3A_28 : i32
    %dma_wait3A = arith.constant 0 : i32
    %dma_wait3A_30 = arith.constant 0 : i32
    %dma_wait3A_31 = tpu.memref_slice %arg2[%dma_wait3A, %mul3A_29, %dma_wait3A_30] : memref<2x10240x16xf32, #tpu.memory_space<hbm>> -> memref<1x640x16xf32, #tpu.memory_space<hbm>>
    %dma_wait3A_32 = tpu.memref_squeeze %dma_wait3A_31 : memref<1x640x16xf32, #tpu.memory_space<hbm>> -> memref<640x16xf32, #tpu.memory_space<hbm>>
    %dma_wait3A_33 = arith.constant 0 : i32
    %dma_wait3A_34 = tpu.memref_slice %arg2[%dma_wait3A, %mul3A_29, %dma_wait3A_33] : memref<2x10240x16xf32, #tpu.memory_space<hbm>> -> memref<1x640x16xf32, #tpu.memory_space<hbm>>
    %dma_wait3A_35 = tpu.memref_squeeze %dma_wait3A_34 : memref<1x640x16xf32, #tpu.memory_space<hbm>> -> memref<640x16xf32, #tpu.memory_space<hbm>>
    tpu.wait_dma2 semaphore(%arg14 : memref<!tpu.dma_semaphore, #tpu.memory_space<semaphore_mem>>) src(%dma_wait3A_35 : memref<640x16xf32, #tpu.memory_space<hbm>>) dst(%arg20 : memref<640x16xf32, #tpu.memory_space<vmem>>)
    %mul3A_36 = arith.constant 640 : i32
    %mul3A_37 = arith.muli %arg1, %mul3A_36 : i32
    %dma_wait3A_38 = arith.constant 1 : i32
    %dma_wait3A_39 = arith.constant 0 : i32
    %dma_wait3A_40 = tpu.memref_slice %arg2[%dma_wait3A_38, %mul3A_37, %dma_wait3A_39] : memref<2x10240x16xf32, #tpu.memory_space<hbm>> -> memref<1x640x16xf32, #tpu.memory_space<hbm>>
    %dma_wait3A_41 = tpu.memref_squeeze %dma_wait3A_40 : memref<1x640x16xf32, #tpu.memory_space<hbm>> -> memref<640x16xf32, #tpu.memory_space<hbm>>
    %dma_wait3A_42 = arith.constant 0 : i32
    %dma_wait3A_43 = tpu.memref_slice %arg2[%dma_wait3A_38, %mul3A_37, %dma_wait3A_42] : memref<2x10240x16xf32, #tpu.memory_space<hbm>> -> memref<1x640x16xf32, #tpu.memory_space<hbm>>
    %dma_wait3A_44 = tpu.memref_squeeze %dma_wait3A_43 : memref<1x640x16xf32, #tpu.memory_space<hbm>> -> memref<640x16xf32, #tpu.memory_space<hbm>>
    tpu.wait_dma2 semaphore(%arg15 : memref<!tpu.dma_semaphore, #tpu.memory_space<semaphore_mem>>) src(%dma_wait3A_44 : memref<640x16xf32, #tpu.memory_space<hbm>>) dst(%arg11 : memref<640x16xf32, #tpu.memory_space<vmem>>)
    %mul3A_45 = arith.constant 640 : i32
    %mul3A_46 = arith.muli %arg1, %mul3A_45 : i32
    %dma_wait3A_47 = arith.constant 0 : i32
    %dma_wait3A_48 = tpu.memref_slice %arg3[%mul3A_46, %dma_wait3A_47] : memref<10240x16xf32, #tpu.memory_space<hbm>> -> memref<640x16xf32, #tpu.memory_space<hbm>>
    %dma_wait3A_49 = arith.constant 0 : i32
    %dma_wait3A_50 = tpu.memref_slice %arg3[%mul3A_46, %dma_wait3A_49] : memref<10240x16xf32, #tpu.memory_space<hbm>> -> memref<640x16xf32, #tpu.memory_space<hbm>>
    tpu.wait_dma2 semaphore(%arg16 : memref<!tpu.dma_semaphore, #tpu.memory_space<semaphore_mem>>) src(%dma_wait3A_50 : memref<640x16xf32, #tpu.memory_space<hbm>>) dst(%arg12 : memref<640x16xf32, #tpu.memory_space<vmem>>)
    %mul3A_51 = arith.constant 640 : i32
    %mul3A_52 = arith.muli %arg1, %mul3A_51 : i32
    %dma_wait3A_53 = tpu.memref_slice %arg4[%mul3A_52] : memref<10240xf32, #tpu.memory_space<hbm>> -> memref<640xf32, #tpu.memory_space<hbm>>
    %dma_wait3A_54 = tpu.memref_slice %arg4[%mul3A_52] : memref<10240xf32, #tpu.memory_space<hbm>> -> memref<640xf32, #tpu.memory_space<hbm>>
    tpu.wait_dma2 semaphore(%arg46 : memref<!tpu.dma_semaphore, #tpu.memory_space<semaphore_mem>>) src(%dma_wait3A_54 : memref<640xf32, #tpu.memory_space<hbm>>) dst(%arg21 : memref<640xf32, #tpu.memory_space<vmem>>)
    %get3A = arith.constant 0 : index
    %get3A_55 = tpu.vector_load %arg13[%get3A] {strides = array<i32>} : memref<16xf32, #tpu.memory_space<vmem>>, vector<16xf32>,
    %scan3A = arith.constant 0 : i32
    %scan3A_56 = arith.constant 0 : i32
    %scan3A_57 = arith.constant 640 : i32
    %scan3A_58 = arith.addi %scan3A_56, %scan3A_57 : i32
    %scan3A_59 = arith.constant 1 : i32
    scf.for %scan3A_190 = %scan3A_56 to %scan3A_58 step %scan3A_59  : i32 {
      %broadcast_in_dim3A = vector.broadcast %scan3A_190 : i32 to vector<16xi32>
      %gather3A = tpu.vector_load_idx %arg21[%broadcast_in_dim3A] : memref<640xf32, #tpu.memory_space<vmem>>[vector<16xi32>], vector<16xf32>,
      %get3A_191 = arith.index_cast %scan3A_190 : i32 to index
      %get3A_192 = arith.constant 0 : index
      %get3A_193 = tpu.vector_load %arg20[%get3A_191, %get3A_192] {strides = array<i32>} : memref<640x16xf32, #tpu.memory_space<vmem>>, vector<16xf32>,
      %get3A_194 = arith.index_cast %scan3A_190 : i32 to index
      %get3A_195 = arith.constant 0 : index
      %get3A_196 = tpu.vector_load %arg11[%get3A_194, %get3A_195] {strides = array<i32>} : memref<640x16xf32, #tpu.memory_space<vmem>>, vector<16xf32>,
      %add3A_197 = arith.addf %get3A_193, %get3A_196 : vector<16xf32>
      %get3A_198 = arith.index_cast %scan3A_190 : i32 to index
      %get3A_199 = arith.constant 0 : index
      %get3A_200 = tpu.vector_load %arg12[%get3A_198, %get3A_199] {strides = array<i32>} : memref<640x16xf32, #tpu.memory_space<vmem>>, vector<16xf32>,
      %sub3A = arith.subf %add3A_197, %get3A_200 : vector<16xf32>
      %mul3A_201 = arith.mulf %gather3A, %sub3A : vector<16xf32>
      %add3A_202 = arith.addf %mul3A_201, %get3A_55 : vector<16xf32>
      %max3A = arith.constant 0.000000e+00 : f32
      %max3A_203 = vector.broadcast %max3A : f32 to vector<16xf32>
      %max3A_204 = arith.maximumf %add3A_202, %max3A_203 : vector<16xf32>
      %mul3A_205 = arith.mulf %gather3A, %max3A_204 : vector<16xf32>
      %swap3A = arith.index_cast %scan3A_190 : i32 to index
      %swap3A_206 = arith.constant 0 : index
      %swap3A_207 = tpu.vector_load %arg20[%swap3A, %swap3A_206] {strides = array<i32>} : memref<640x16xf32, #tpu.memory_space<vmem>>, vector<16xf32>,
      tpu.vector_store %arg20[%swap3A, %swap3A_206], %mul3A_205 {strides = array<i32>} : memref<640x16xf32, #tpu.memory_space<vmem>>, vector<16xf32>,
    }
    %scan3A_60 = arith.constant 640 : i32
    %mul3A_61 = arith.constant 640 : i32
    %mul3A_62 = arith.muli %arg1, %mul3A_61 : i32
    "tpu.region"() ({
      %run_scoped3A = tpu.sem_alloc : memref<!tpu.dma_semaphore, #tpu.memory_space<semaphore_mem>>
      %dma_start3A_190 = arith.constant 0 : i32
      %dma_start3A_191 = tpu.memref_slice %arg18[%mul3A_62, %dma_start3A_190] : memref<10240x16xf32, #tpu.memory_space<vmem_shared>> -> memref<640x16xf32, #tpu.memory_space<vmem_shared>>
      %dma_start3A_192 = arith.constant 0 : i32
      %dma_start3A_193 = tpu.memref_slice %arg18[%mul3A_62, %dma_start3A_192] : memref<10240x16xf32, #tpu.memory_space<vmem_shared>> -> memref<640x16xf32, #tpu.memory_space<vmem_shared>>
      tpu.enqueue_dma source(%arg20 : memref<640x16xf32, #tpu.memory_space<vmem>>) target(%dma_start3A_193 : memref<640x16xf32, #tpu.memory_space<vmem_shared>>) target_semaphore(%run_scoped3A : memref<!tpu.dma_semaphore, #tpu.memory_space<semaphore_mem>>)
      %dma_wait3A_194 = arith.constant 0 : i32
      %dma_wait3A_195 = tpu.memref_slice %arg18[%mul3A_62, %dma_wait3A_194] : memref<10240x16xf32, #tpu.memory_space<vmem_shared>> -> memref<640x16xf32, #tpu.memory_space<vmem_shared>>
      %dma_wait3A_196 = arith.constant 0 : i32
      %dma_wait3A_197 = tpu.memref_slice %arg18[%mul3A_62, %dma_wait3A_196] : memref<10240x16xf32, #tpu.memory_space<vmem_shared>> -> memref<640x16xf32, #tpu.memory_space<vmem_shared>>
      tpu.wait_dma2 semaphore(%run_scoped3A : memref<!tpu.dma_semaphore, #tpu.memory_space<semaphore_mem>>) src(%arg20 : memref<640x16xf32, #tpu.memory_space<vmem>>) dst(%dma_wait3A_197 : memref<640x16xf32, #tpu.memory_space<vmem_shared>>)
      tpu.yield
    }) : () -> ()
    %mul3A_63 = arith.constant 640 : i32
    %mul3A_64 = arith.muli %arg1, %mul3A_63 : i32
    "tpu.region"() ({
      %run_scoped3A = tpu.sem_alloc : memref<!tpu.dma_semaphore, #tpu.memory_space<semaphore_mem>>
      %dma_start3A_190 = arith.constant 0 : i32
      %dma_start3A_191 = tpu.memref_slice %arg17[%mul3A_64, %dma_start3A_190] : memref<10240x16xf32, #tpu.memory_space<vmem_shared>> -> memref<640x16xf32, #tpu.memory_space<vmem_shared>>
      %dma_start3A_192 = arith.constant 0 : i32
      %dma_start3A_193 = tpu.memref_slice %arg17[%mul3A_64, %dma_start3A_192] : memref<10240x16xf32, #tpu.memory_space<vmem_shared>> -> memref<640x16xf32, #tpu.memory_space<vmem_shared>>
      tpu.enqueue_dma source(%arg20 : memref<640x16xf32, #tpu.memory_space<vmem>>) target(%dma_start3A_193 : memref<640x16xf32, #tpu.memory_space<vmem_shared>>) target_semaphore(%run_scoped3A : memref<!tpu.dma_semaphore, #tpu.memory_space<semaphore_mem>>)
      %dma_wait3A_194 = arith.constant 0 : i32
      %dma_wait3A_195 = tpu.memref_slice %arg17[%mul3A_64, %dma_wait3A_194] : memref<10240x16xf32, #tpu.memory_space<vmem_shared>> -> memref<640x16xf32, #tpu.memory_space<vmem_shared>>
      %dma_wait3A_196 = arith.constant 0 : i32
      %dma_wait3A_197 = tpu.memref_slice %arg17[%mul3A_64, %dma_wait3A_196] : memref<10240x16xf32, #tpu.memory_space<vmem_shared>> -> memref<640x16xf32, #tpu.memory_space<vmem_shared>>
      tpu.wait_dma2 semaphore(%run_scoped3A : memref<!tpu.dma_semaphore, #tpu.memory_space<semaphore_mem>>) src(%arg20 : memref<640x16xf32, #tpu.memory_space<vmem>>) dst(%dma_wait3A_197 : memref<640x16xf32, #tpu.memory_space<vmem_shared>>)
      tpu.yield
    }) : () -> ()
    %eq3A = arith.constant 0 : i32
    %eq3A_65 = arith.cmpi eq, %arg0, %eq3A : i32
    %convert_element_type3A = arith.extui %eq3A_65 : i1 to i32
    %cond3A = arith.constant 0 : i32
    %cond3A_66 = arith.cmpi ne, %convert_element_type3A, %cond3A : i32
    scf.if %cond3A_66 {
      %mul3A_190 = arith.constant 640 : i32
      %mul3A_191 = arith.muli %arg1, %mul3A_190 : i32
      "tpu.region"() ({
        %run_scoped3A = tpu.sem_alloc : memref<!tpu.dma_semaphore, #tpu.memory_space<semaphore_mem>>
        %dma_start3A_192 = arith.constant 0 : i32
        %dma_start3A_193 = tpu.memref_slice %arg9[%mul3A_191, %dma_start3A_192] : memref<10240x16xf32, #tpu.memory_space<hbm>> -> memref<640x16xf32, #tpu.memory_space<hbm>>
        %dma_start3A_194 = arith.constant 0 : i32
        %dma_start3A_195 = tpu.memref_slice %arg9[%mul3A_191, %dma_start3A_194] : memref<10240x16xf32, #tpu.memory_space<hbm>> -> memref<640x16xf32, #tpu.memory_space<hbm>>
        tpu.enqueue_dma source(%arg20 : memref<640x16xf32, #tpu.memory_space<vmem>>) target(%dma_start3A_195 : memref<640x16xf32, #tpu.memory_space<hbm>>) target_semaphore(%run_scoped3A : memref<!tpu.dma_semaphore, #tpu.memory_space<semaphore_mem>>)
        %dma_wait3A_196 = arith.constant 0 : i32
        %dma_wait3A_197 = tpu.memref_slice %arg9[%mul3A_191, %dma_wait3A_196] : memref<10240x16xf32, #tpu.memory_space<hbm>> -> memref<640x16xf32, #tpu.memory_space<hbm>>
        %dma_wait3A_198 = arith.constant 0 : i32
        %dma_wait3A_199 = tpu.memref_slice %arg9[%mul3A_191, %dma_wait3A_198] : memref<10240x16xf32, #tpu.memory_space<hbm>> -> memref<640x16xf32, #tpu.memory_space<hbm>>
        tpu.wait_dma2 semaphore(%run_scoped3A : memref<!tpu.dma_semaphore, #tpu.memory_space<semaphore_mem>>) src(%arg20 : memref<640x16xf32, #tpu.memory_space<vmem>>) dst(%dma_wait3A_199 : memref<640x16xf32, #tpu.memory_space<hbm>>)
        tpu.yield
      }) : () -> ()
    } else {
    }
    %barrier3A = arith.constant 0 : index
    tpu.barrier barrier_id(%barrier3A)
    %dma_start3A_67 = arith.constant 0 : i32
    %dma_start3A_68 = arith.constant 0 : i32
    %dma_start3A_69 = tpu.memref_slice %arg19[%dma_start3A_67, %dma_start3A_68] : memref<80x128xi32, #tpu.memory_space<vmem>> -> memref<1x128xi32, #tpu.memory_space<vmem>>
    %dma_start3A_70 = tpu.memref_squeeze %dma_start3A_69 : memref<1x128xi32, #tpu.memory_space<vmem>> -> memref<128xi32, #tpu.memory_space<vmem>>
    %dma_start3A_71 = arith.constant 0 : i32
    %dma_start3A_72 = arith.constant 0 : i32
    %dma_start3A_73 = tpu.memref_slice %arg18[%dma_start3A_71, %dma_start3A_72] : memref<10240x16xf32, #tpu.memory_space<vmem_shared>> -> memref<10240x16xf32, #tpu.memory_space<vmem_shared>>
    tpu.enqueue_indirect_dma source(%dma_start3A_73 : memref<10240x16xf32, #tpu.memory_space<vmem_shared>>) target(%arg22 : memref<128x16xf32, #tpu.memory_space<vmem>>) offsets(%dma_start3A_70 : memref<128xi32, #tpu.memory_space<vmem>>) semaphore(%arg30 : memref<!tpu.dma_semaphore, #tpu.memory_space<semaphore_mem>>)
    %dma_start3A_74 = arith.constant 1 : i32
    %dma_start3A_75 = arith.constant 0 : i32
    %dma_start3A_76 = tpu.memref_slice %arg19[%dma_start3A_74, %dma_start3A_75] : memref<80x128xi32, #tpu.memory_space<vmem>> -> memref<1x128xi32, #tpu.memory_space<vmem>>
    %dma_start3A_77 = tpu.memref_squeeze %dma_start3A_76 : memref<1x128xi32, #tpu.memory_space<vmem>> -> memref<128xi32, #tpu.memory_space<vmem>>
    %dma_start3A_78 = arith.constant 0 : i32
    %dma_start3A_79 = arith.constant 0 : i32
    %dma_start3A_80 = tpu.memref_slice %arg18[%dma_start3A_78, %dma_start3A_79] : memref<10240x16xf32, #tpu.memory_space<vmem_shared>> -> memref<10240x16xf32, #tpu.memory_space<vmem_shared>>
    tpu.enqueue_indirect_dma source(%dma_start3A_80 : memref<10240x16xf32, #tpu.memory_space<vmem_shared>>) target(%arg23 : memref<128x16xf32, #tpu.memory_space<vmem>>) offsets(%dma_start3A_77 : memref<128xi32, #tpu.memory_space<vmem>>) semaphore(%arg31 : memref<!tpu.dma_semaphore, #tpu.memory_space<semaphore_mem>>)
    %dma_start3A_81 = arith.constant 2 : i32
    %dma_start3A_82 = arith.constant 0 : i32
    %dma_start3A_83 = tpu.memref_slice %arg19[%dma_start3A_81, %dma_start3A_82] : memref<80x128xi32, #tpu.memory_space<vmem>> -> memref<1x128xi32, #tpu.memory_space<vmem>>
    %dma_start3A_84 = tpu.memref_squeeze %dma_start3A_83 : memref<1x128xi32, #tpu.memory_space<vmem>> -> memref<128xi32, #tpu.memory_space<vmem>>
    %dma_start3A_85 = arith.constant 0 : i32
    %dma_start3A_86 = arith.constant 0 : i32
    %dma_start3A_87 = tpu.memref_slice %arg18[%dma_start3A_85, %dma_start3A_86] : memref<10240x16xf32, #tpu.memory_space<vmem_shared>> -> memref<10240x16xf32, #tpu.memory_space<vmem_shared>>
    tpu.enqueue_indirect_dma source(%dma_start3A_87 : memref<10240x16xf32, #tpu.memory_space<vmem_shared>>) target(%arg24 : memref<128x16xf32, #tpu.memory_space<vmem>>) offsets(%dma_start3A_84 : memref<128xi32, #tpu.memory_space<vmem>>) semaphore(%arg32 : memref<!tpu.dma_semaphore, #tpu.memory_space<semaphore_mem>>)
    %dma_start3A_88 = arith.constant 3 : i32
    %dma_start3A_89 = arith.constant 0 : i32
    %dma_start3A_90 = tpu.memref_slice %arg19[%dma_start3A_88, %dma_start3A_89] : memref<80x128xi32, #tpu.memory_space<vmem>> -> memref<1x128xi32, #tpu.memory_space<vmem>>
    %dma_start3A_91 = tpu.memref_squeeze %dma_start3A_90 : memref<1x128xi32, #tpu.memory_space<vmem>> -> memref<128xi32, #tpu.memory_space<vmem>>
    %dma_start3A_92 = arith.constant 0 : i32
    %dma_start3A_93 = arith.constant 0 : i32
    %dma_start3A_94 = tpu.memref_slice %arg18[%dma_start3A_92, %dma_start3A_93] : memref<10240x16xf32, #tpu.memory_space<vmem_shared>> -> memref<10240x16xf32, #tpu.memory_space<vmem_shared>>
    tpu.enqueue_indirect_dma source(%dma_start3A_94 : memref<10240x16xf32, #tpu.memory_space<vmem_shared>>) target(%arg25 : memref<128x16xf32, #tpu.memory_space<vmem>>) offsets(%dma_start3A_91 : memref<128xi32, #tpu.memory_space<vmem>>) semaphore(%arg33 : memref<!tpu.dma_semaphore, #tpu.memory_space<semaphore_mem>>)
    %dma_start3A_95 = arith.constant 4 : i32
    %dma_start3A_96 = arith.constant 0 : i32
    %dma_start3A_97 = tpu.memref_slice %arg19[%dma_start3A_95, %dma_start3A_96] : memref<80x128xi32, #tpu.memory_space<vmem>> -> memref<1x128xi32, #tpu.memory_space<vmem>>
    %dma_start3A_98 = tpu.memref_squeeze %dma_start3A_97 : memref<1x128xi32, #tpu.memory_space<vmem>> -> memref<128xi32, #tpu.memory_space<vmem>>
    %dma_start3A_99 = arith.constant 0 : i32
    %dma_start3A_100 = arith.constant 0 : i32
    %dma_start3A_101 = tpu.memref_slice %arg18[%dma_start3A_99, %dma_start3A_100] : memref<10240x16xf32, #tpu.memory_space<vmem_shared>> -> memref<10240x16xf32, #tpu.memory_space<vmem_shared>>
    tpu.enqueue_indirect_dma source(%dma_start3A_101 : memref<10240x16xf32, #tpu.memory_space<vmem_shared>>) target(%arg26 : memref<128x16xf32, #tpu.memory_space<vmem>>) offsets(%dma_start3A_98 : memref<128xi32, #tpu.memory_space<vmem>>) semaphore(%arg34 : memref<!tpu.dma_semaphore, #tpu.memory_space<semaphore_mem>>)
    %dma_start3A_102 = arith.constant 5 : i32
    %dma_start3A_103 = arith.constant 0 : i32
    %dma_start3A_104 = tpu.memref_slice %arg19[%dma_start3A_102, %dma_start3A_103] : memref<80x128xi32, #tpu.memory_space<vmem>> -> memref<1x128xi32, #tpu.memory_space<vmem>>
    %dma_start3A_105 = tpu.memref_squeeze %dma_start3A_104 : memref<1x128xi32, #tpu.memory_space<vmem>> -> memref<128xi32, #tpu.memory_space<vmem>>
    %dma_start3A_106 = arith.constant 0 : i32
    %dma_start3A_107 = arith.constant 0 : i32
    %dma_start3A_108 = tpu.memref_slice %arg18[%dma_start3A_106, %dma_start3A_107] : memref<10240x16xf32, #tpu.memory_space<vmem_shared>> -> memref<10240x16xf32, #tpu.memory_space<vmem_shared>>
    tpu.enqueue_indirect_dma source(%dma_start3A_108 : memref<10240x16xf32, #tpu.memory_space<vmem_shared>>) target(%arg27 : memref<128x16xf32, #tpu.memory_space<vmem>>) offsets(%dma_start3A_105 : memref<128xi32, #tpu.memory_space<vmem>>) semaphore(%arg35 : memref<!tpu.dma_semaphore, #tpu.memory_space<semaphore_mem>>)
    %dma_start3A_109 = arith.constant 6 : i32
    %dma_start3A_110 = arith.constant 0 : i32
    %dma_start3A_111 = tpu.memref_slice %arg19[%dma_start3A_109, %dma_start3A_110] : memref<80x128xi32, #tpu.memory_space<vmem>> -> memref<1x128xi32, #tpu.memory_space<vmem>>
    %dma_start3A_112 = tpu.memref_squeeze %dma_start3A_111 : memref<1x128xi32, #tpu.memory_space<vmem>> -> memref<128xi32, #tpu.memory_space<vmem>>
    %dma_start3A_113 = arith.constant 0 : i32
    %dma_start3A_114 = arith.constant 0 : i32
    %dma_start3A_115 = tpu.memref_slice %arg18[%dma_start3A_113, %dma_start3A_114] : memref<10240x16xf32, #tpu.memory_space<vmem_shared>> -> memref<10240x16xf32, #tpu.memory_space<vmem_shared>>
    tpu.enqueue_indirect_dma source(%dma_start3A_115 : memref<10240x16xf32, #tpu.memory_space<vmem_shared>>) target(%arg28 : memref<128x16xf32, #tpu.memory_space<vmem>>) offsets(%dma_start3A_112 : memref<128xi32, #tpu.memory_space<vmem>>) semaphore(%arg36 : memref<!tpu.dma_semaphore, #tpu.memory_space<semaphore_mem>>)
    %dma_start3A_116 = arith.constant 7 : i32
    %dma_start3A_117 = arith.constant 0 : i32
    %dma_start3A_118 = tpu.memref_slice %arg19[%dma_start3A_116, %dma_start3A_117] : memref<80x128xi32, #tpu.memory_space<vmem>> -> memref<1x128xi32, #tpu.memory_space<vmem>>
    %dma_start3A_119 = tpu.memref_squeeze %dma_start3A_118 : memref<1x128xi32, #tpu.memory_space<vmem>> -> memref<128xi32, #tpu.memory_space<vmem>>
    %dma_start3A_120 = arith.constant 0 : i32
    %dma_start3A_121 = arith.constant 0 : i32
    %dma_start3A_122 = tpu.memref_slice %arg18[%dma_start3A_120, %dma_start3A_121] : memref<10240x16xf32, #tpu.memory_space<vmem_shared>> -> memref<10240x16xf32, #tpu.memory_space<vmem_shared>>
    tpu.enqueue_indirect_dma source(%dma_start3A_122 : memref<10240x16xf32, #tpu.memory_space<vmem_shared>>) target(%arg29 : memref<128x16xf32, #tpu.memory_space<vmem>>) offsets(%dma_start3A_119 : memref<128xi32, #tpu.memory_space<vmem>>) semaphore(%arg37 : memref<!tpu.dma_semaphore, #tpu.memory_space<semaphore_mem>>)
    %scan3A_123 = arith.constant 0 : i32
    %scan3A_124 = arith.constant 0 : i32
    %scan3A_125 = arith.constant 10 : i32
    %scan3A_126 = arith.addi %scan3A_124, %scan3A_125 : i32
    %scan3A_127 = arith.constant 1 : i32
    scf.for %scan3A_190 = %scan3A_124 to %scan3A_126 step %scan3A_127  : i32 {
      %mul3A_191 = arith.constant 8 : i32
      %mul3A_192 = arith.muli %mul3A_191, %scan3A_190 : i32
      %add3A_193 = arith.constant 0 : i32
      %add3A_194 = arith.addi %mul3A_192, %add3A_193 : i32
      %dma_wait3A_195 = arith.constant 0 : i32
      %dma_wait3A_196 = arith.constant 0 : i32
      %dma_wait3A_197 = tpu.memref_slice %arg19[%dma_wait3A_195, %dma_wait3A_196] : memref<80x128xi32, #tpu.memory_space<vmem>> -> memref<1x128xi32, #tpu.memory_space<vmem>>
      %dma_wait3A_198 = tpu.memref_squeeze %dma_wait3A_197 : memref<1x128xi32, #tpu.memory_space<vmem>> -> memref<128xi32, #tpu.memory_space<vmem>>
      %dma_wait3A_199 = arith.constant 0 : i32
      %dma_wait3A_200 = arith.constant 0 : i32
      %dma_wait3A_201 = tpu.memref_slice %arg18[%dma_wait3A_199, %dma_wait3A_200] : memref<10240x16xf32, #tpu.memory_space<vmem_shared>> -> memref<10240x16xf32, #tpu.memory_space<vmem_shared>>
      tpu.wait_indirect_dma semaphore(%arg30 : memref<!tpu.dma_semaphore, #tpu.memory_space<semaphore_mem>>) src(%dma_wait3A_201 : memref<10240x16xf32, #tpu.memory_space<vmem_shared>>) dst(%arg22 : memref<128x16xf32, #tpu.memory_space<vmem>>)
      %dma_start3A_202 = arith.constant 0 : i32
      %dma_start3A_203 = tpu.memref_slice %arg10[%add3A_194, %dma_start3A_202] : memref<80x128xi32, #tpu.memory_space<vmem>> -> memref<1x128xi32, #tpu.memory_space<vmem>>
      %dma_start3A_204 = tpu.memref_squeeze %dma_start3A_203 : memref<1x128xi32, #tpu.memory_space<vmem>> -> memref<128xi32, #tpu.memory_space<vmem>>
      %dma_start3A_205 = arith.constant 0 : i32
      %dma_start3A_206 = arith.constant 0 : i32
      %dma_start3A_207 = tpu.memref_slice %arg17[%dma_start3A_205, %dma_start3A_206] : memref<10240x16xf32, #tpu.memory_space<vmem_shared>> -> memref<10240x16xf32, #tpu.memory_space<vmem_shared>>
      tpu.enqueue_indirect_dma source(%arg22 : memref<128x16xf32, #tpu.memory_space<vmem>>) target(%dma_start3A_207 : memref<10240x16xf32, #tpu.memory_space<vmem_shared>>) offsets(%dma_start3A_204 : memref<128xi32, #tpu.memory_space<vmem>>) semaphore(%arg38 : memref<!tpu.dma_semaphore, #tpu.memory_space<semaphore_mem>>) {add = true}
      %mul3A_208 = arith.constant 8 : i32
      %mul3A_209 = arith.muli %mul3A_208, %scan3A_190 : i32
      %add3A_210 = arith.constant 1 : i32
      %add3A_211 = arith.addi %mul3A_209, %add3A_210 : i32
      %dma_wait3A_212 = arith.constant 0 : i32
      %dma_wait3A_213 = arith.constant 0 : i32
      %dma_wait3A_214 = tpu.memref_slice %arg19[%dma_wait3A_212, %dma_wait3A_213] : memref<80x128xi32, #tpu.memory_space<vmem>> -> memref<1x128xi32, #tpu.memory_space<vmem>>
      %dma_wait3A_215 = tpu.memref_squeeze %dma_wait3A_214 : memref<1x128xi32, #tpu.memory_space<vmem>> -> memref<128xi32, #tpu.memory_space<vmem>>
      %dma_wait3A_216 = arith.constant 0 : i32
      %dma_wait3A_217 = arith.constant 0 : i32
      %dma_wait3A_218 = tpu.memref_slice %arg18[%dma_wait3A_216, %dma_wait3A_217] : memref<10240x16xf32, #tpu.memory_space<vmem_shared>> -> memref<10240x16xf32, #tpu.memory_space<vmem_shared>>
      tpu.wait_indirect_dma semaphore(%arg31 : memref<!tpu.dma_semaphore, #tpu.memory_space<semaphore_mem>>) src(%dma_wait3A_218 : memref<10240x16xf32, #tpu.memory_space<vmem_shared>>) dst(%arg23 : memref<128x16xf32, #tpu.memory_space<vmem>>)
      %dma_start3A_219 = arith.constant 0 : i32
      %dma_start3A_220 = tpu.memref_slice %arg10[%add3A_211, %dma_start3A_219] : memref<80x128xi32, #tpu.memory_space<vmem>> -> memref<1x128xi32, #tpu.memory_space<vmem>>
      %dma_start3A_221 = tpu.memref_squeeze %dma_start3A_220 : memref<1x128xi32, #tpu.memory_space<vmem>> -> memref<128xi32, #tpu.memory_space<vmem>>
      %dma_start3A_222 = arith.constant 0 : i32
      %dma_start3A_223 = arith.constant 0 : i32
      %dma_start3A_224 = tpu.memref_slice %arg17[%dma_start3A_222, %dma_start3A_223] : memref<10240x16xf32, #tpu.memory_space<vmem_shared>> -> memref<10240x16xf32, #tpu.memory_space<vmem_shared>>
      tpu.enqueue_indirect_dma source(%arg23 : memref<128x16xf32, #tpu.memory_space<vmem>>) target(%dma_start3A_224 : memref<10240x16xf32, #tpu.memory_space<vmem_shared>>) offsets(%dma_start3A_221 : memref<128xi32, #tpu.memory_space<vmem>>) semaphore(%arg39 : memref<!tpu.dma_semaphore, #tpu.memory_space<semaphore_mem>>) {add = true}
      %mul3A_225 = arith.constant 8 : i32
      %mul3A_226 = arith.muli %mul3A_225, %scan3A_190 : i32
      %add3A_227 = arith.constant 2 : i32
      %add3A_228 = arith.addi %mul3A_226, %add3A_227 : i32
      %dma_wait3A_229 = arith.constant 0 : i32
      %dma_wait3A_230 = arith.constant 0 : i32
      %dma_wait3A_231 = tpu.memref_slice %arg19[%dma_wait3A_229, %dma_wait3A_230] : memref<80x128xi32, #tpu.memory_space<vmem>> -> memref<1x128xi32, #tpu.memory_space<vmem>>
      %dma_wait3A_232 = tpu.memref_squeeze %dma_wait3A_231 : memref<1x128xi32, #tpu.memory_space<vmem>> -> memref<128xi32, #tpu.memory_space<vmem>>
      %dma_wait3A_233 = arith.constant 0 : i32
      %dma_wait3A_234 = arith.constant 0 : i32
      %dma_wait3A_235 = tpu.memref_slice %arg18[%dma_wait3A_233, %dma_wait3A_234] : memref<10240x16xf32, #tpu.memory_space<vmem_shared>> -> memref<10240x16xf32, #tpu.memory_space<vmem_shared>>
      tpu.wait_indirect_dma semaphore(%arg32 : memref<!tpu.dma_semaphore, #tpu.memory_space<semaphore_mem>>) src(%dma_wait3A_235 : memref<10240x16xf32, #tpu.memory_space<vmem_shared>>) dst(%arg24 : memref<128x16xf32, #tpu.memory_space<vmem>>)
      %dma_start3A_236 = arith.constant 0 : i32
      %dma_start3A_237 = tpu.memref_slice %arg10[%add3A_228, %dma_start3A_236] : memref<80x128xi32, #tpu.memory_space<vmem>> -> memref<1x128xi32, #tpu.memory_space<vmem>>
      %dma_start3A_238 = tpu.memref_squeeze %dma_start3A_237 : memref<1x128xi32, #tpu.memory_space<vmem>> -> memref<128xi32, #tpu.memory_space<vmem>>
      %dma_start3A_239 = arith.constant 0 : i32
      %dma_start3A_240 = arith.constant 0 : i32
      %dma_start3A_241 = tpu.memref_slice %arg17[%dma_start3A_239, %dma_start3A_240] : memref<10240x16xf32, #tpu.memory_space<vmem_shared>> -> memref<10240x16xf32, #tpu.memory_space<vmem_shared>>
      tpu.enqueue_indirect_dma source(%arg24 : memref<128x16xf32, #tpu.memory_space<vmem>>) target(%dma_start3A_241 : memref<10240x16xf32, #tpu.memory_space<vmem_shared>>) offsets(%dma_start3A_238 : memref<128xi32, #tpu.memory_space<vmem>>) semaphore(%arg40 : memref<!tpu.dma_semaphore, #tpu.memory_space<semaphore_mem>>) {add = true}
      %mul3A_242 = arith.constant 8 : i32
      %mul3A_243 = arith.muli %mul3A_242, %scan3A_190 : i32
      %add3A_244 = arith.constant 3 : i32
      %add3A_245 = arith.addi %mul3A_243, %add3A_244 : i32
      %dma_wait3A_246 = arith.constant 0 : i32
      %dma_wait3A_247 = arith.constant 0 : i32
      %dma_wait3A_248 = tpu.memref_slice %arg19[%dma_wait3A_246, %dma_wait3A_247] : memref<80x128xi32, #tpu.memory_space<vmem>> -> memref<1x128xi32, #tpu.memory_space<vmem>>
      %dma_wait3A_249 = tpu.memref_squeeze %dma_wait3A_248 : memref<1x128xi32, #tpu.memory_space<vmem>> -> memref<128xi32, #tpu.memory_space<vmem>>
      %dma_wait3A_250 = arith.constant 0 : i32
      %dma_wait3A_251 = arith.constant 0 : i32
      %dma_wait3A_252 = tpu.memref_slice %arg18[%dma_wait3A_250, %dma_wait3A_251] : memref<10240x16xf32, #tpu.memory_space<vmem_shared>> -> memref<10240x16xf32, #tpu.memory_space<vmem_shared>>
      tpu.wait_indirect_dma semaphore(%arg33 : memref<!tpu.dma_semaphore, #tpu.memory_space<semaphore_mem>>) src(%dma_wait3A_252 : memref<10240x16xf32, #tpu.memory_space<vmem_shared>>) dst(%arg25 : memref<128x16xf32, #tpu.memory_space<vmem>>)
      %dma_start3A_253 = arith.constant 0 : i32
      %dma_start3A_254 = tpu.memref_slice %arg10[%add3A_245, %dma_start3A_253] : memref<80x128xi32, #tpu.memory_space<vmem>> -> memref<1x128xi32, #tpu.memory_space<vmem>>
      %dma_start3A_255 = tpu.memref_squeeze %dma_start3A_254 : memref<1x128xi32, #tpu.memory_space<vmem>> -> memref<128xi32, #tpu.memory_space<vmem>>
      %dma_start3A_256 = arith.constant 0 : i32
      %dma_start3A_257 = arith.constant 0 : i32
      %dma_start3A_258 = tpu.memref_slice %arg17[%dma_start3A_256, %dma_start3A_257] : memref<10240x16xf32, #tpu.memory_space<vmem_shared>> -> memref<10240x16xf32, #tpu.memory_space<vmem_shared>>
      tpu.enqueue_indirect_dma source(%arg25 : memref<128x16xf32, #tpu.memory_space<vmem>>) target(%dma_start3A_258 : memref<10240x16xf32, #tpu.memory_space<vmem_shared>>) offsets(%dma_start3A_255 : memref<128xi32, #tpu.memory_space<vmem>>) semaphore(%arg41 : memref<!tpu.dma_semaphore, #tpu.memory_space<semaphore_mem>>) {add = true}
      %mul3A_259 = arith.constant 8 : i32
      %mul3A_260 = arith.muli %mul3A_259, %scan3A_190 : i32
      %add3A_261 = arith.constant 4 : i32
      %add3A_262 = arith.addi %mul3A_260, %add3A_261 : i32
      %dma_wait3A_263 = arith.constant 0 : i32
      %dma_wait3A_264 = arith.constant 0 : i32
      %dma_wait3A_265 = tpu.memref_slice %arg19[%dma_wait3A_263, %dma_wait3A_264] : memref<80x128xi32, #tpu.memory_space<vmem>> -> memref<1x128xi32, #tpu.memory_space<vmem>>
      %dma_wait3A_266 = tpu.memref_squeeze %dma_wait3A_265 : memref<1x128xi32, #tpu.memory_space<vmem>> -> memref<128xi32, #tpu.memory_space<vmem>>
      %dma_wait3A_267 = arith.constant 0 : i32
      %dma_wait3A_268 = arith.constant 0 : i32
      %dma_wait3A_269 = tpu.memref_slice %arg18[%dma_wait3A_267, %dma_wait3A_268] : memref<10240x16xf32, #tpu.memory_space<vmem_shared>> -> memref<10240x16xf32, #tpu.memory_space<vmem_shared>>
      tpu.wait_indirect_dma semaphore(%arg34 : memref<!tpu.dma_semaphore, #tpu.memory_space<semaphore_mem>>) src(%dma_wait3A_269 : memref<10240x16xf32, #tpu.memory_space<vmem_shared>>) dst(%arg26 : memref<128x16xf32, #tpu.memory_space<vmem>>)
      %dma_start3A_270 = arith.constant 0 : i32
      %dma_start3A_271 = tpu.memref_slice %arg10[%add3A_262, %dma_start3A_270] : memref<80x128xi32, #tpu.memory_space<vmem>> -> memref<1x128xi32, #tpu.memory_space<vmem>>
      %dma_start3A_272 = tpu.memref_squeeze %dma_start3A_271 : memref<1x128xi32, #tpu.memory_space<vmem>> -> memref<128xi32, #tpu.memory_space<vmem>>
      %dma_start3A_273 = arith.constant 0 : i32
      %dma_start3A_274 = arith.constant 0 : i32
      %dma_start3A_275 = tpu.memref_slice %arg17[%dma_start3A_273, %dma_start3A_274] : memref<10240x16xf32, #tpu.memory_space<vmem_shared>> -> memref<10240x16xf32, #tpu.memory_space<vmem_shared>>
      tpu.enqueue_indirect_dma source(%arg26 : memref<128x16xf32, #tpu.memory_space<vmem>>) target(%dma_start3A_275 : memref<10240x16xf32, #tpu.memory_space<vmem_shared>>) offsets(%dma_start3A_272 : memref<128xi32, #tpu.memory_space<vmem>>) semaphore(%arg42 : memref<!tpu.dma_semaphore, #tpu.memory_space<semaphore_mem>>) {add = true}
      %mul3A_276 = arith.constant 8 : i32
      %mul3A_277 = arith.muli %mul3A_276, %scan3A_190 : i32
      %add3A_278 = arith.constant 5 : i32
      %add3A_279 = arith.addi %mul3A_277, %add3A_278 : i32
      %dma_wait3A_280 = arith.constant 0 : i32
      %dma_wait3A_281 = arith.constant 0 : i32
      %dma_wait3A_282 = tpu.memref_slice %arg19[%dma_wait3A_280, %dma_wait3A_281] : memref<80x128xi32, #tpu.memory_space<vmem>> -> memref<1x128xi32, #tpu.memory_space<vmem>>
      %dma_wait3A_283 = tpu.memref_squeeze %dma_wait3A_282 : memref<1x128xi32, #tpu.memory_space<vmem>> -> memref<128xi32, #tpu.memory_space<vmem>>
      %dma_wait3A_284 = arith.constant 0 : i32
      %dma_wait3A_285 = arith.constant 0 : i32
      %dma_wait3A_286 = tpu.memref_slice %arg18[%dma_wait3A_284, %dma_wait3A_285] : memref<10240x16xf32, #tpu.memory_space<vmem_shared>> -> memref<10240x16xf32, #tpu.memory_space<vmem_shared>>
      tpu.wait_indirect_dma semaphore(%arg35 : memref<!tpu.dma_semaphore, #tpu.memory_space<semaphore_mem>>) src(%dma_wait3A_286 : memref<10240x16xf32, #tpu.memory_space<vmem_shared>>) dst(%arg27 : memref<128x16xf32, #tpu.memory_space<vmem>>)
      %dma_start3A_287 = arith.constant 0 : i32
      %dma_start3A_288 = tpu.memref_slice %arg10[%add3A_279, %dma_start3A_287] : memref<80x128xi32, #tpu.memory_space<vmem>> -> memref<1x128xi32, #tpu.memory_space<vmem>>
      %dma_start3A_289 = tpu.memref_squeeze %dma_start3A_288 : memref<1x128xi32, #tpu.memory_space<vmem>> -> memref<128xi32, #tpu.memory_space<vmem>>
      %dma_start3A_290 = arith.constant 0 : i32
      %dma_start3A_291 = arith.constant 0 : i32
      %dma_start3A_292 = tpu.memref_slice %arg17[%dma_start3A_290, %dma_start3A_291] : memref<10240x16xf32, #tpu.memory_space<vmem_shared>> -> memref<10240x16xf32, #tpu.memory_space<vmem_shared>>
      tpu.enqueue_indirect_dma source(%arg27 : memref<128x16xf32, #tpu.memory_space<vmem>>) target(%dma_start3A_292 : memref<10240x16xf32, #tpu.memory_space<vmem_shared>>) offsets(%dma_start3A_289 : memref<128xi32, #tpu.memory_space<vmem>>) semaphore(%arg43 : memref<!tpu.dma_semaphore, #tpu.memory_space<semaphore_mem>>) {add = true}
      %mul3A_293 = arith.constant 8 : i32
      %mul3A_294 = arith.muli %mul3A_293, %scan3A_190 : i32
      %add3A_295 = arith.constant 6 : i32
      %add3A_296 = arith.addi %mul3A_294, %add3A_295 : i32
      %dma_wait3A_297 = arith.constant 0 : i32
      %dma_wait3A_298 = arith.constant 0 : i32
      %dma_wait3A_299 = tpu.memref_slice %arg19[%dma_wait3A_297, %dma_wait3A_298] : memref<80x128xi32, #tpu.memory_space<vmem>> -> memref<1x128xi32, #tpu.memory_space<vmem>>
      %dma_wait3A_300 = tpu.memref_squeeze %dma_wait3A_299 : memref<1x128xi32, #tpu.memory_space<vmem>> -> memref<128xi32, #tpu.memory_space<vmem>>
      %dma_wait3A_301 = arith.constant 0 : i32
      %dma_wait3A_302 = arith.constant 0 : i32
      %dma_wait3A_303 = tpu.memref_slice %arg18[%dma_wait3A_301, %dma_wait3A_302] : memref<10240x16xf32, #tpu.memory_space<vmem_shared>> -> memref<10240x16xf32, #tpu.memory_space<vmem_shared>>
      tpu.wait_indirect_dma semaphore(%arg36 : memref<!tpu.dma_semaphore, #tpu.memory_space<semaphore_mem>>) src(%dma_wait3A_303 : memref<10240x16xf32, #tpu.memory_space<vmem_shared>>) dst(%arg28 : memref<128x16xf32, #tpu.memory_space<vmem>>)
      %dma_start3A_304 = arith.constant 0 : i32
      %dma_start3A_305 = tpu.memref_slice %arg10[%add3A_296, %dma_start3A_304] : memref<80x128xi32, #tpu.memory_space<vmem>> -> memref<1x128xi32, #tpu.memory_space<vmem>>
      %dma_start3A_306 = tpu.memref_squeeze %dma_start3A_305 : memref<1x128xi32, #tpu.memory_space<vmem>> -> memref<128xi32, #tpu.memory_space<vmem>>
      %dma_start3A_307 = arith.constant 0 : i32
      %dma_start3A_308 = arith.constant 0 : i32
      %dma_start3A_309 = tpu.memref_slice %arg17[%dma_start3A_307, %dma_start3A_308] : memref<10240x16xf32, #tpu.memory_space<vmem_shared>> -> memref<10240x16xf32, #tpu.memory_space<vmem_shared>>
      tpu.enqueue_indirect_dma source(%arg28 : memref<128x16xf32, #tpu.memory_space<vmem>>) target(%dma_start3A_309 : memref<10240x16xf32, #tpu.memory_space<vmem_shared>>) offsets(%dma_start3A_306 : memref<128xi32, #tpu.memory_space<vmem>>) semaphore(%arg44 : memref<!tpu.dma_semaphore, #tpu.memory_space<semaphore_mem>>) {add = true}
      %mul3A_310 = arith.constant 8 : i32
      %mul3A_311 = arith.muli %mul3A_310, %scan3A_190 : i32
      %add3A_312 = arith.constant 7 : i32
      %add3A_313 = arith.addi %mul3A_311, %add3A_312 : i32
      %dma_wait3A_314 = arith.constant 0 : i32
      %dma_wait3A_315 = arith.constant 0 : i32
      %dma_wait3A_316 = tpu.memref_slice %arg19[%dma_wait3A_314, %dma_wait3A_315] : memref<80x128xi32, #tpu.memory_space<vmem>> -> memref<1x128xi32, #tpu.memory_space<vmem>>
      %dma_wait3A_317 = tpu.memref_squeeze %dma_wait3A_316 : memref<1x128xi32, #tpu.memory_space<vmem>> -> memref<128xi32, #tpu.memory_space<vmem>>
      %dma_wait3A_318 = arith.constant 0 : i32
      %dma_wait3A_319 = arith.constant 0 : i32
      %dma_wait3A_320 = tpu.memref_slice %arg18[%dma_wait3A_318, %dma_wait3A_319] : memref<10240x16xf32, #tpu.memory_space<vmem_shared>> -> memref<10240x16xf32, #tpu.memory_space<vmem_shared>>
      tpu.wait_indirect_dma semaphore(%arg37 : memref<!tpu.dma_semaphore, #tpu.memory_space<semaphore_mem>>) src(%dma_wait3A_320 : memref<10240x16xf32, #tpu.memory_space<vmem_shared>>) dst(%arg29 : memref<128x16xf32, #tpu.memory_space<vmem>>)
      %dma_start3A_321 = arith.constant 0 : i32
      %dma_start3A_322 = tpu.memref_slice %arg10[%add3A_313, %dma_start3A_321] : memref<80x128xi32, #tpu.memory_space<vmem>> -> memref<1x128xi32, #tpu.memory_space<vmem>>
      %dma_start3A_323 = tpu.memref_squeeze %dma_start3A_322 : memref<1x128xi32, #tpu.memory_space<vmem>> -> memref<128xi32, #tpu.memory_space<vmem>>
      %dma_start3A_324 = arith.constant 0 : i32
      %dma_start3A_325 = arith.constant 0 : i32
      %dma_start3A_326 = tpu.memref_slice %arg17[%dma_start3A_324, %dma_start3A_325] : memref<10240x16xf32, #tpu.memory_space<vmem_shared>> -> memref<10240x16xf32, #tpu.memory_space<vmem_shared>>
      tpu.enqueue_indirect_dma source(%arg29 : memref<128x16xf32, #tpu.memory_space<vmem>>) target(%dma_start3A_326 : memref<10240x16xf32, #tpu.memory_space<vmem_shared>>) offsets(%dma_start3A_323 : memref<128xi32, #tpu.memory_space<vmem>>) semaphore(%arg45 : memref<!tpu.dma_semaphore, #tpu.memory_space<semaphore_mem>>) {add = true}
      %lt3A = arith.constant 9 : i32
      %lt3A_327 = arith.cmpi slt, %scan3A_190, %lt3A : i32
      %convert_element_type3A_328 = arith.extui %lt3A_327 : i1 to i32
      %cond3A_329 = arith.constant 0 : i32
      %cond3A_330 = arith.cmpi ne, %convert_element_type3A_328, %cond3A_329 : i32
      scf.if %cond3A_330 {
        %dma_wait3A_366 = arith.constant 0 : i32
        %dma_wait3A_367 = arith.constant 0 : i32
        %dma_wait3A_368 = tpu.memref_slice %arg10[%dma_wait3A_366, %dma_wait3A_367] : memref<80x128xi32, #tpu.memory_space<vmem>> -> memref<1x128xi32, #tpu.memory_space<vmem>>
        %dma_wait3A_369 = tpu.memref_squeeze %dma_wait3A_368 : memref<1x128xi32, #tpu.memory_space<vmem>> -> memref<128xi32, #tpu.memory_space<vmem>>
        %dma_wait3A_370 = arith.constant 0 : i32
        %dma_wait3A_371 = arith.constant 0 : i32
        %dma_wait3A_372 = tpu.memref_slice %arg17[%dma_wait3A_370, %dma_wait3A_371] : memref<10240x16xf32, #tpu.memory_space<vmem_shared>> -> memref<10240x16xf32, #tpu.memory_space<vmem_shared>>
        tpu.wait_indirect_dma semaphore(%arg38 : memref<!tpu.dma_semaphore, #tpu.memory_space<semaphore_mem>>) src(%arg22 : memref<128x16xf32, #tpu.memory_space<vmem>>) dst(%dma_wait3A_372 : memref<10240x16xf32, #tpu.memory_space<vmem_shared>>)
        %mul3A_373 = arith.constant 8 : i32
        %mul3A_374 = arith.muli %mul3A_373, %scan3A_190 : i32
        %add3A_375 = arith.constant 8 : i32
        %add3A_376 = arith.addi %mul3A_374, %add3A_375 : i32
        %add3A_377 = arith.constant 0 : i32
        %add3A_378 = arith.addi %add3A_376, %add3A_377 : i32
        %dma_start3A_379 = arith.constant 0 : i32
        %dma_start3A_380 = tpu.memref_slice %arg19[%add3A_378, %dma_start3A_379] : memref<80x128xi32, #tpu.memory_space<vmem>> -> memref<1x128xi32, #tpu.memory_space<vmem>>
        %dma_start3A_381 = tpu.memref_squeeze %dma_start3A_380 : memref<1x128xi32, #tpu.memory_space<vmem>> -> memref<128xi32, #tpu.memory_space<vmem>>
        %dma_start3A_382 = arith.constant 0 : i32
        %dma_start3A_383 = arith.constant 0 : i32
        %dma_start3A_384 = tpu.memref_slice %arg18[%dma_start3A_382, %dma_start3A_383] : memref<10240x16xf32, #tpu.memory_space<vmem_shared>> -> memref<10240x16xf32, #tpu.memory_space<vmem_shared>>
        tpu.enqueue_indirect_dma source(%dma_start3A_384 : memref<10240x16xf32, #tpu.memory_space<vmem_shared>>) target(%arg22 : memref<128x16xf32, #tpu.memory_space<vmem>>) offsets(%dma_start3A_381 : memref<128xi32, #tpu.memory_space<vmem>>) semaphore(%arg30 : memref<!tpu.dma_semaphore, #tpu.memory_space<semaphore_mem>>)
      } else {
      }
      %lt3A_331 = arith.constant 9 : i32
      %lt3A_332 = arith.cmpi slt, %scan3A_190, %lt3A_331 : i32
      %convert_element_type3A_333 = arith.extui %lt3A_332 : i1 to i32
      %cond3A_334 = arith.constant 0 : i32
      %cond3A_335 = arith.cmpi ne, %convert_element_type3A_333, %cond3A_334 : i32
      scf.if %cond3A_335 {
        %dma_wait3A_366 = arith.constant 0 : i32
        %dma_wait3A_367 = arith.constant 0 : i32
        %dma_wait3A_368 = tpu.memref_slice %arg10[%dma_wait3A_366, %dma_wait3A_367] : memref<80x128xi32, #tpu.memory_space<vmem>> -> memref<1x128xi32, #tpu.memory_space<vmem>>
        %dma_wait3A_369 = tpu.memref_squeeze %dma_wait3A_368 : memref<1x128xi32, #tpu.memory_space<vmem>> -> memref<128xi32, #tpu.memory_space<vmem>>
        %dma_wait3A_370 = arith.constant 0 : i32
        %dma_wait3A_371 = arith.constant 0 : i32
        %dma_wait3A_372 = tpu.memref_slice %arg17[%dma_wait3A_370, %dma_wait3A_371] : memref<10240x16xf32, #tpu.memory_space<vmem_shared>> -> memref<10240x16xf32, #tpu.memory_space<vmem_shared>>
        tpu.wait_indirect_dma semaphore(%arg39 : memref<!tpu.dma_semaphore, #tpu.memory_space<semaphore_mem>>) src(%arg23 : memref<128x16xf32, #tpu.memory_space<vmem>>) dst(%dma_wait3A_372 : memref<10240x16xf32, #tpu.memory_space<vmem_shared>>)
        %mul3A_373 = arith.constant 8 : i32
        %mul3A_374 = arith.muli %mul3A_373, %scan3A_190 : i32
        %add3A_375 = arith.constant 8 : i32
        %add3A_376 = arith.addi %mul3A_374, %add3A_375 : i32
        %add3A_377 = arith.constant 1 : i32
        %add3A_378 = arith.addi %add3A_376, %add3A_377 : i32
        %dma_start3A_379 = arith.constant 0 : i32
        %dma_start3A_380 = tpu.memref_slice %arg19[%add3A_378, %dma_start3A_379] : memref<80x128xi32, #tpu.memory_space<vmem>> -> memref<1x128xi32, #tpu.memory_space<vmem>>
        %dma_start3A_381 = tpu.memref_squeeze %dma_start3A_380 : memref<1x128xi32, #tpu.memory_space<vmem>> -> memref<128xi32, #tpu.memory_space<vmem>>
        %dma_start3A_382 = arith.constant 0 : i32
        %dma_start3A_383 = arith.constant 0 : i32
        %dma_start3A_384 = tpu.memref_slice %arg18[%dma_start3A_382, %dma_start3A_383] : memref<10240x16xf32, #tpu.memory_space<vmem_shared>> -> memref<10240x16xf32, #tpu.memory_space<vmem_shared>>
        tpu.enqueue_indirect_dma source(%dma_start3A_384 : memref<10240x16xf32, #tpu.memory_space<vmem_shared>>) target(%arg23 : memref<128x16xf32, #tpu.memory_space<vmem>>) offsets(%dma_start3A_381 : memref<128xi32, #tpu.memory_space<vmem>>) semaphore(%arg31 : memref<!tpu.dma_semaphore, #tpu.memory_space<semaphore_mem>>)
      } else {
      }
      %lt3A_336 = arith.constant 9 : i32
      %lt3A_337 = arith.cmpi slt, %scan3A_190, %lt3A_336 : i32
      %convert_element_type3A_338 = arith.extui %lt3A_337 : i1 to i32
      %cond3A_339 = arith.constant 0 : i32
      %cond3A_340 = arith.cmpi ne, %convert_element_type3A_338, %cond3A_339 : i32
      scf.if %cond3A_340 {
        %dma_wait3A_366 = arith.constant 0 : i32
        %dma_wait3A_367 = arith.constant 0 : i32
        %dma_wait3A_368 = tpu.memref_slice %arg10[%dma_wait3A_366, %dma_wait3A_367] : memref<80x128xi32, #tpu.memory_space<vmem>> -> memref<1x128xi32, #tpu.memory_space<vmem>>
        %dma_wait3A_369 = tpu.memref_squeeze %dma_wait3A_368 : memref<1x128xi32, #tpu.memory_space<vmem>> -> memref<128xi32, #tpu.memory_space<vmem>>
        %dma_wait3A_370 = arith.constant 0 : i32
        %dma_wait3A_371 = arith.constant 0 : i32
        %dma_wait3A_372 = tpu.memref_slice %arg17[%dma_wait3A_370, %dma_wait3A_371] : memref<10240x16xf32, #tpu.memory_space<vmem_shared>> -> memref<10240x16xf32, #tpu.memory_space<vmem_shared>>
        tpu.wait_indirect_dma semaphore(%arg40 : memref<!tpu.dma_semaphore, #tpu.memory_space<semaphore_mem>>) src(%arg24 : memref<128x16xf32, #tpu.memory_space<vmem>>) dst(%dma_wait3A_372 : memref<10240x16xf32, #tpu.memory_space<vmem_shared>>)
        %mul3A_373 = arith.constant 8 : i32
        %mul3A_374 = arith.muli %mul3A_373, %scan3A_190 : i32
        %add3A_375 = arith.constant 8 : i32
        %add3A_376 = arith.addi %mul3A_374, %add3A_375 : i32
        %add3A_377 = arith.constant 2 : i32
        %add3A_378 = arith.addi %add3A_376, %add3A_377 : i32
        %dma_start3A_379 = arith.constant 0 : i32
        %dma_start3A_380 = tpu.memref_slice %arg19[%add3A_378, %dma_start3A_379] : memref<80x128xi32, #tpu.memory_space<vmem>> -> memref<1x128xi32, #tpu.memory_space<vmem>>
        %dma_start3A_381 = tpu.memref_squeeze %dma_start3A_380 : memref<1x128xi32, #tpu.memory_space<vmem>> -> memref<128xi32, #tpu.memory_space<vmem>>
        %dma_start3A_382 = arith.constant 0 : i32
        %dma_start3A_383 = arith.constant 0 : i32
        %dma_start3A_384 = tpu.memref_slice %arg18[%dma_start3A_382, %dma_start3A_383] : memref<10240x16xf32, #tpu.memory_space<vmem_shared>> -> memref<10240x16xf32, #tpu.memory_space<vmem_shared>>
        tpu.enqueue_indirect_dma source(%dma_start3A_384 : memref<10240x16xf32, #tpu.memory_space<vmem_shared>>) target(%arg24 : memref<128x16xf32, #tpu.memory_space<vmem>>) offsets(%dma_start3A_381 : memref<128xi32, #tpu.memory_space<vmem>>) semaphore(%arg32 : memref<!tpu.dma_semaphore, #tpu.memory_space<semaphore_mem>>)
      } else {
      }
      %lt3A_341 = arith.constant 9 : i32
      %lt3A_342 = arith.cmpi slt, %scan3A_190, %lt3A_341 : i32
      %convert_element_type3A_343 = arith.extui %lt3A_342 : i1 to i32
      %cond3A_344 = arith.constant 0 : i32
      %cond3A_345 = arith.cmpi ne, %convert_element_type3A_343, %cond3A_344 : i32
      scf.if %cond3A_345 {
        %dma_wait3A_366 = arith.constant 0 : i32
        %dma_wait3A_367 = arith.constant 0 : i32
        %dma_wait3A_368 = tpu.memref_slice %arg10[%dma_wait3A_366, %dma_wait3A_367] : memref<80x128xi32, #tpu.memory_space<vmem>> -> memref<1x128xi32, #tpu.memory_space<vmem>>
        %dma_wait3A_369 = tpu.memref_squeeze %dma_wait3A_368 : memref<1x128xi32, #tpu.memory_space<vmem>> -> memref<128xi32, #tpu.memory_space<vmem>>
        %dma_wait3A_370 = arith.constant 0 : i32
        %dma_wait3A_371 = arith.constant 0 : i32
        %dma_wait3A_372 = tpu.memref_slice %arg17[%dma_wait3A_370, %dma_wait3A_371] : memref<10240x16xf32, #tpu.memory_space<vmem_shared>> -> memref<10240x16xf32, #tpu.memory_space<vmem_shared>>
        tpu.wait_indirect_dma semaphore(%arg41 : memref<!tpu.dma_semaphore, #tpu.memory_space<semaphore_mem>>) src(%arg25 : memref<128x16xf32, #tpu.memory_space<vmem>>) dst(%dma_wait3A_372 : memref<10240x16xf32, #tpu.memory_space<vmem_shared>>)
        %mul3A_373 = arith.constant 8 : i32
        %mul3A_374 = arith.muli %mul3A_373, %scan3A_190 : i32
        %add3A_375 = arith.constant 8 : i32
        %add3A_376 = arith.addi %mul3A_374, %add3A_375 : i32
        %add3A_377 = arith.constant 3 : i32
        %add3A_378 = arith.addi %add3A_376, %add3A_377 : i32
        %dma_start3A_379 = arith.constant 0 : i32
        %dma_start3A_380 = tpu.memref_slice %arg19[%add3A_378, %dma_start3A_379] : memref<80x128xi32, #tpu.memory_space<vmem>> -> memref<1x128xi32, #tpu.memory_space<vmem>>
        %dma_start3A_381 = tpu.memref_squeeze %dma_start3A_380 : memref<1x128xi32, #tpu.memory_space<vmem>> -> memref<128xi32, #tpu.memory_space<vmem>>
        %dma_start3A_382 = arith.constant 0 : i32
        %dma_start3A_383 = arith.constant 0 : i32
        %dma_start3A_384 = tpu.memref_slice %arg18[%dma_start3A_382, %dma_start3A_383] : memref<10240x16xf32, #tpu.memory_space<vmem_shared>> -> memref<10240x16xf32, #tpu.memory_space<vmem_shared>>
        tpu.enqueue_indirect_dma source(%dma_start3A_384 : memref<10240x16xf32, #tpu.memory_space<vmem_shared>>) target(%arg25 : memref<128x16xf32, #tpu.memory_space<vmem>>) offsets(%dma_start3A_381 : memref<128xi32, #tpu.memory_space<vmem>>) semaphore(%arg33 : memref<!tpu.dma_semaphore, #tpu.memory_space<semaphore_mem>>)
      } else {
      }
      %lt3A_346 = arith.constant 9 : i32
      %lt3A_347 = arith.cmpi slt, %scan3A_190, %lt3A_346 : i32
      %convert_element_type3A_348 = arith.extui %lt3A_347 : i1 to i32
      %cond3A_349 = arith.constant 0 : i32
      %cond3A_350 = arith.cmpi ne, %convert_element_type3A_348, %cond3A_349 : i32
      scf.if %cond3A_350 {
        %dma_wait3A_366 = arith.constant 0 : i32
        %dma_wait3A_367 = arith.constant 0 : i32
        %dma_wait3A_368 = tpu.memref_slice %arg10[%dma_wait3A_366, %dma_wait3A_367] : memref<80x128xi32, #tpu.memory_space<vmem>> -> memref<1x128xi32, #tpu.memory_space<vmem>>
        %dma_wait3A_369 = tpu.memref_squeeze %dma_wait3A_368 : memref<1x128xi32, #tpu.memory_space<vmem>> -> memref<128xi32, #tpu.memory_space<vmem>>
        %dma_wait3A_370 = arith.constant 0 : i32
        %dma_wait3A_371 = arith.constant 0 : i32
        %dma_wait3A_372 = tpu.memref_slice %arg17[%dma_wait3A_370, %dma_wait3A_371] : memref<10240x16xf32, #tpu.memory_space<vmem_shared>> -> memref<10240x16xf32, #tpu.memory_space<vmem_shared>>
        tpu.wait_indirect_dma semaphore(%arg42 : memref<!tpu.dma_semaphore, #tpu.memory_space<semaphore_mem>>) src(%arg26 : memref<128x16xf32, #tpu.memory_space<vmem>>) dst(%dma_wait3A_372 : memref<10240x16xf32, #tpu.memory_space<vmem_shared>>)
        %mul3A_373 = arith.constant 8 : i32
        %mul3A_374 = arith.muli %mul3A_373, %scan3A_190 : i32
        %add3A_375 = arith.constant 8 : i32
        %add3A_376 = arith.addi %mul3A_374, %add3A_375 : i32
        %add3A_377 = arith.constant 4 : i32
        %add3A_378 = arith.addi %add3A_376, %add3A_377 : i32
        %dma_start3A_379 = arith.constant 0 : i32
        %dma_start3A_380 = tpu.memref_slice %arg19[%add3A_378, %dma_start3A_379] : memref<80x128xi32, #tpu.memory_space<vmem>> -> memref<1x128xi32, #tpu.memory_space<vmem>>
        %dma_start3A_381 = tpu.memref_squeeze %dma_start3A_380 : memref<1x128xi32, #tpu.memory_space<vmem>> -> memref<128xi32, #tpu.memory_space<vmem>>
        %dma_start3A_382 = arith.constant 0 : i32
        %dma_start3A_383 = arith.constant 0 : i32
        %dma_start3A_384 = tpu.memref_slice %arg18[%dma_start3A_382, %dma_start3A_383] : memref<10240x16xf32, #tpu.memory_space<vmem_shared>> -> memref<10240x16xf32, #tpu.memory_space<vmem_shared>>
        tpu.enqueue_indirect_dma source(%dma_start3A_384 : memref<10240x16xf32, #tpu.memory_space<vmem_shared>>) target(%arg26 : memref<128x16xf32, #tpu.memory_space<vmem>>) offsets(%dma_start3A_381 : memref<128xi32, #tpu.memory_space<vmem>>) semaphore(%arg34 : memref<!tpu.dma_semaphore, #tpu.memory_space<semaphore_mem>>)
      } else {
      }
      %lt3A_351 = arith.constant 9 : i32
      %lt3A_352 = arith.cmpi slt, %scan3A_190, %lt3A_351 : i32
      %convert_element_type3A_353 = arith.extui %lt3A_352 : i1 to i32
      %cond3A_354 = arith.constant 0 : i32
      %cond3A_355 = arith.cmpi ne, %convert_element_type3A_353, %cond3A_354 : i32
      scf.if %cond3A_355 {
        %dma_wait3A_366 = arith.constant 0 : i32
        %dma_wait3A_367 = arith.constant 0 : i32
        %dma_wait3A_368 = tpu.memref_slice %arg10[%dma_wait3A_366, %dma_wait3A_367] : memref<80x128xi32, #tpu.memory_space<vmem>> -> memref<1x128xi32, #tpu.memory_space<vmem>>
        %dma_wait3A_369 = tpu.memref_squeeze %dma_wait3A_368 : memref<1x128xi32, #tpu.memory_space<vmem>> -> memref<128xi32, #tpu.memory_space<vmem>>
        %dma_wait3A_370 = arith.constant 0 : i32
        %dma_wait3A_371 = arith.constant 0 : i32
        %dma_wait3A_372 = tpu.memref_slice %arg17[%dma_wait3A_370, %dma_wait3A_371] : memref<10240x16xf32, #tpu.memory_space<vmem_shared>> -> memref<10240x16xf32, #tpu.memory_space<vmem_shared>>
        tpu.wait_indirect_dma semaphore(%arg43 : memref<!tpu.dma_semaphore, #tpu.memory_space<semaphore_mem>>) src(%arg27 : memref<128x16xf32, #tpu.memory_space<vmem>>) dst(%dma_wait3A_372 : memref<10240x16xf32, #tpu.memory_space<vmem_shared>>)
        %mul3A_373 = arith.constant 8 : i32
        %mul3A_374 = arith.muli %mul3A_373, %scan3A_190 : i32
        %add3A_375 = arith.constant 8 : i32
        %add3A_376 = arith.addi %mul3A_374, %add3A_375 : i32
        %add3A_377 = arith.constant 5 : i32
        %add3A_378 = arith.addi %add3A_376, %add3A_377 : i32
        %dma_start3A_379 = arith.constant 0 : i32
        %dma_start3A_380 = tpu.memref_slice %arg19[%add3A_378, %dma_start3A_379] : memref<80x128xi32, #tpu.memory_space<vmem>> -> memref<1x128xi32, #tpu.memory_space<vmem>>
        %dma_start3A_381 = tpu.memref_squeeze %dma_start3A_380 : memref<1x128xi32, #tpu.memory_space<vmem>> -> memref<128xi32, #tpu.memory_space<vmem>>
        %dma_start3A_382 = arith.constant 0 : i32
        %dma_start3A_383 = arith.constant 0 : i32
        %dma_start3A_384 = tpu.memref_slice %arg18[%dma_start3A_382, %dma_start3A_383] : memref<10240x16xf32, #tpu.memory_space<vmem_shared>> -> memref<10240x16xf32, #tpu.memory_space<vmem_shared>>
        tpu.enqueue_indirect_dma source(%dma_start3A_384 : memref<10240x16xf32, #tpu.memory_space<vmem_shared>>) target(%arg27 : memref<128x16xf32, #tpu.memory_space<vmem>>) offsets(%dma_start3A_381 : memref<128xi32, #tpu.memory_space<vmem>>) semaphore(%arg35 : memref<!tpu.dma_semaphore, #tpu.memory_space<semaphore_mem>>)
      } else {
      }
      %lt3A_356 = arith.constant 9 : i32
      %lt3A_357 = arith.cmpi slt, %scan3A_190, %lt3A_356 : i32
      %convert_element_type3A_358 = arith.extui %lt3A_357 : i1 to i32
      %cond3A_359 = arith.constant 0 : i32
      %cond3A_360 = arith.cmpi ne, %convert_element_type3A_358, %cond3A_359 : i32
      scf.if %cond3A_360 {
        %dma_wait3A_366 = arith.constant 0 : i32
        %dma_wait3A_367 = arith.constant 0 : i32
        %dma_wait3A_368 = tpu.memref_slice %arg10[%dma_wait3A_366, %dma_wait3A_367] : memref<80x128xi32, #tpu.memory_space<vmem>> -> memref<1x128xi32, #tpu.memory_space<vmem>>
        %dma_wait3A_369 = tpu.memref_squeeze %dma_wait3A_368 : memref<1x128xi32, #tpu.memory_space<vmem>> -> memref<128xi32, #tpu.memory_space<vmem>>
        %dma_wait3A_370 = arith.constant 0 : i32
        %dma_wait3A_371 = arith.constant 0 : i32
        %dma_wait3A_372 = tpu.memref_slice %arg17[%dma_wait3A_370, %dma_wait3A_371] : memref<10240x16xf32, #tpu.memory_space<vmem_shared>> -> memref<10240x16xf32, #tpu.memory_space<vmem_shared>>
        tpu.wait_indirect_dma semaphore(%arg44 : memref<!tpu.dma_semaphore, #tpu.memory_space<semaphore_mem>>) src(%arg28 : memref<128x16xf32, #tpu.memory_space<vmem>>) dst(%dma_wait3A_372 : memref<10240x16xf32, #tpu.memory_space<vmem_shared>>)
        %mul3A_373 = arith.constant 8 : i32
        %mul3A_374 = arith.muli %mul3A_373, %scan3A_190 : i32
        %add3A_375 = arith.constant 8 : i32
        %add3A_376 = arith.addi %mul3A_374, %add3A_375 : i32
        %add3A_377 = arith.constant 6 : i32
        %add3A_378 = arith.addi %add3A_376, %add3A_377 : i32
        %dma_start3A_379 = arith.constant 0 : i32
        %dma_start3A_380 = tpu.memref_slice %arg19[%add3A_378, %dma_start3A_379] : memref<80x128xi32, #tpu.memory_space<vmem>> -> memref<1x128xi32, #tpu.memory_space<vmem>>
        %dma_start3A_381 = tpu.memref_squeeze %dma_start3A_380 : memref<1x128xi32, #tpu.memory_space<vmem>> -> memref<128xi32, #tpu.memory_space<vmem>>
        %dma_start3A_382 = arith.constant 0 : i32
        %dma_start3A_383 = arith.constant 0 : i32
        %dma_start3A_384 = tpu.memref_slice %arg18[%dma_start3A_382, %dma_start3A_383] : memref<10240x16xf32, #tpu.memory_space<vmem_shared>> -> memref<10240x16xf32, #tpu.memory_space<vmem_shared>>
        tpu.enqueue_indirect_dma source(%dma_start3A_384 : memref<10240x16xf32, #tpu.memory_space<vmem_shared>>) target(%arg28 : memref<128x16xf32, #tpu.memory_space<vmem>>) offsets(%dma_start3A_381 : memref<128xi32, #tpu.memory_space<vmem>>) semaphore(%arg36 : memref<!tpu.dma_semaphore, #tpu.memory_space<semaphore_mem>>)
      } else {
      }
      %lt3A_361 = arith.constant 9 : i32
      %lt3A_362 = arith.cmpi slt, %scan3A_190, %lt3A_361 : i32
      %convert_element_type3A_363 = arith.extui %lt3A_362 : i1 to i32
      %cond3A_364 = arith.constant 0 : i32
      %cond3A_365 = arith.cmpi ne, %convert_element_type3A_363, %cond3A_364 : i32
      scf.if %cond3A_365 {
        %dma_wait3A_366 = arith.constant 0 : i32
        %dma_wait3A_367 = arith.constant 0 : i32
        %dma_wait3A_368 = tpu.memref_slice %arg10[%dma_wait3A_366, %dma_wait3A_367] : memref<80x128xi32, #tpu.memory_space<vmem>> -> memref<1x128xi32, #tpu.memory_space<vmem>>
        %dma_wait3A_369 = tpu.memref_squeeze %dma_wait3A_368 : memref<1x128xi32, #tpu.memory_space<vmem>> -> memref<128xi32, #tpu.memory_space<vmem>>
        %dma_wait3A_370 = arith.constant 0 : i32
        %dma_wait3A_371 = arith.constant 0 : i32
        %dma_wait3A_372 = tpu.memref_slice %arg17[%dma_wait3A_370, %dma_wait3A_371] : memref<10240x16xf32, #tpu.memory_space<vmem_shared>> -> memref<10240x16xf32, #tpu.memory_space<vmem_shared>>
        tpu.wait_indirect_dma semaphore(%arg45 : memref<!tpu.dma_semaphore, #tpu.memory_space<semaphore_mem>>) src(%arg29 : memref<128x16xf32, #tpu.memory_space<vmem>>) dst(%dma_wait3A_372 : memref<10240x16xf32, #tpu.memory_space<vmem_shared>>)
        %mul3A_373 = arith.constant 8 : i32
        %mul3A_374 = arith.muli %mul3A_373, %scan3A_190 : i32
        %add3A_375 = arith.constant 8 : i32
        %add3A_376 = arith.addi %mul3A_374, %add3A_375 : i32
        %add3A_377 = arith.constant 7 : i32
        %add3A_378 = arith.addi %add3A_376, %add3A_377 : i32
        %dma_start3A_379 = arith.constant 0 : i32
        %dma_start3A_380 = tpu.memref_slice %arg19[%add3A_378, %dma_start3A_379] : memref<80x128xi32, #tpu.memory_space<vmem>> -> memref<1x128xi32, #tpu.memory_space<vmem>>
        %dma_start3A_381 = tpu.memref_squeeze %dma_start3A_380 : memref<1x128xi32, #tpu.memory_space<vmem>> -> memref<128xi32, #tpu.memory_space<vmem>>
        %dma_start3A_382 = arith.constant 0 : i32
        %dma_start3A_383 = arith.constant 0 : i32
        %dma_start3A_384 = tpu.memref_slice %arg18[%dma_start3A_382, %dma_start3A_383] : memref<10240x16xf32, #tpu.memory_space<vmem_shared>> -> memref<10240x16xf32, #tpu.memory_space<vmem_shared>>
        tpu.enqueue_indirect_dma source(%dma_start3A_384 : memref<10240x16xf32, #tpu.memory_space<vmem_shared>>) target(%arg29 : memref<128x16xf32, #tpu.memory_space<vmem>>) offsets(%dma_start3A_381 : memref<128xi32, #tpu.memory_space<vmem>>) semaphore(%arg37 : memref<!tpu.dma_semaphore, #tpu.memory_space<semaphore_mem>>)
      } else {
      }
    }
    %scan3A_128 = arith.constant 10 : i32
    %dma_wait3A_129 = arith.constant 0 : i32
    %dma_wait3A_130 = arith.constant 0 : i32
    %dma_wait3A_131 = tpu.memref_slice %arg10[%dma_wait3A_129, %dma_wait3A_130] : memref<80x128xi32, #tpu.memory_space<vmem>> -> memref<1x128xi32, #tpu.memory_space<vmem>>
    %dma_wait3A_132 = tpu.memref_squeeze %dma_wait3A_131 : memref<1x128xi32, #tpu.memory_space<vmem>> -> memref<128xi32, #tpu.memory_space<vmem>>
    %dma_wait3A_133 = arith.constant 0 : i32
    %dma_wait3A_134 = arith.constant 0 : i32
    %dma_wait3A_135 = tpu.memref_slice %arg17[%dma_wait3A_133, %dma_wait3A_134] : memref<10240x16xf32, #tpu.memory_space<vmem_shared>> -> memref<10240x16xf32, #tpu.memory_space<vmem_shared>>
    tpu.wait_indirect_dma semaphore(%arg38 : memref<!tpu.dma_semaphore, #tpu.memory_space<semaphore_mem>>) src(%arg22 : memref<128x16xf32, #tpu.memory_space<vmem>>) dst(%dma_wait3A_135 : memref<10240x16xf32, #tpu.memory_space<vmem_shared>>)
    %dma_wait3A_136 = arith.constant 0 : i32
    %dma_wait3A_137 = arith.constant 0 : i32
    %dma_wait3A_138 = tpu.memref_slice %arg10[%dma_wait3A_136, %dma_wait3A_137] : memref<80x128xi32, #tpu.memory_space<vmem>> -> memref<1x128xi32, #tpu.memory_space<vmem>>
    %dma_wait3A_139 = tpu.memref_squeeze %dma_wait3A_138 : memref<1x128xi32, #tpu.memory_space<vmem>> -> memref<128xi32, #tpu.memory_space<vmem>>
    %dma_wait3A_140 = arith.constant 0 : i32
    %dma_wait3A_141 = arith.constant 0 : i32
    %dma_wait3A_142 = tpu.memref_slice %arg17[%dma_wait3A_140, %dma_wait3A_141] : memref<10240x16xf32, #tpu.memory_space<vmem_shared>> -> memref<10240x16xf32, #tpu.memory_space<vmem_shared>>
    tpu.wait_indirect_dma semaphore(%arg39 : memref<!tpu.dma_semaphore, #tpu.memory_space<semaphore_mem>>) src(%arg23 : memref<128x16xf32, #tpu.memory_space<vmem>>) dst(%dma_wait3A_142 : memref<10240x16xf32, #tpu.memory_space<vmem_shared>>)
    %dma_wait3A_143 = arith.constant 0 : i32
    %dma_wait3A_144 = arith.constant 0 : i32
    %dma_wait3A_145 = tpu.memref_slice %arg10[%dma_wait3A_143, %dma_wait3A_144] : memref<80x128xi32, #tpu.memory_space<vmem>> -> memref<1x128xi32, #tpu.memory_space<vmem>>
    %dma_wait3A_146 = tpu.memref_squeeze %dma_wait3A_145 : memref<1x128xi32, #tpu.memory_space<vmem>> -> memref<128xi32, #tpu.memory_space<vmem>>
    %dma_wait3A_147 = arith.constant 0 : i32
    %dma_wait3A_148 = arith.constant 0 : i32
    %dma_wait3A_149 = tpu.memref_slice %arg17[%dma_wait3A_147, %dma_wait3A_148] : memref<10240x16xf32, #tpu.memory_space<vmem_shared>> -> memref<10240x16xf32, #tpu.memory_space<vmem_shared>>
    tpu.wait_indirect_dma semaphore(%arg40 : memref<!tpu.dma_semaphore, #tpu.memory_space<semaphore_mem>>) src(%arg24 : memref<128x16xf32, #tpu.memory_space<vmem>>) dst(%dma_wait3A_149 : memref<10240x16xf32, #tpu.memory_space<vmem_shared>>)
    %dma_wait3A_150 = arith.constant 0 : i32
    %dma_wait3A_151 = arith.constant 0 : i32
    %dma_wait3A_152 = tpu.memref_slice %arg10[%dma_wait3A_150, %dma_wait3A_151] : memref<80x128xi32, #tpu.memory_space<vmem>> -> memref<1x128xi32, #tpu.memory_space<vmem>>
    %dma_wait3A_153 = tpu.memref_squeeze %dma_wait3A_152 : memref<1x128xi32, #tpu.memory_space<vmem>> -> memref<128xi32, #tpu.memory_space<vmem>>
    %dma_wait3A_154 = arith.constant 0 : i32
    %dma_wait3A_155 = arith.constant 0 : i32
    %dma_wait3A_156 = tpu.memref_slice %arg17[%dma_wait3A_154, %dma_wait3A_155] : memref<10240x16xf32, #tpu.memory_space<vmem_shared>> -> memref<10240x16xf32, #tpu.memory_space<vmem_shared>>
    tpu.wait_indirect_dma semaphore(%arg41 : memref<!tpu.dma_semaphore, #tpu.memory_space<semaphore_mem>>) src(%arg25 : memref<128x16xf32, #tpu.memory_space<vmem>>) dst(%dma_wait3A_156 : memref<10240x16xf32, #tpu.memory_space<vmem_shared>>)
    %dma_wait3A_157 = arith.constant 0 : i32
    %dma_wait3A_158 = arith.constant 0 : i32
    %dma_wait3A_159 = tpu.memref_slice %arg10[%dma_wait3A_157, %dma_wait3A_158] : memref<80x128xi32, #tpu.memory_space<vmem>> -> memref<1x128xi32, #tpu.memory_space<vmem>>
    %dma_wait3A_160 = tpu.memref_squeeze %dma_wait3A_159 : memref<1x128xi32, #tpu.memory_space<vmem>> -> memref<128xi32, #tpu.memory_space<vmem>>
    %dma_wait3A_161 = arith.constant 0 : i32
    %dma_wait3A_162 = arith.constant 0 : i32
    %dma_wait3A_163 = tpu.memref_slice %arg17[%dma_wait3A_161, %dma_wait3A_162] : memref<10240x16xf32, #tpu.memory_space<vmem_shared>> -> memref<10240x16xf32, #tpu.memory_space<vmem_shared>>
    tpu.wait_indirect_dma semaphore(%arg42 : memref<!tpu.dma_semaphore, #tpu.memory_space<semaphore_mem>>) src(%arg26 : memref<128x16xf32, #tpu.memory_space<vmem>>) dst(%dma_wait3A_163 : memref<10240x16xf32, #tpu.memory_space<vmem_shared>>)
    %dma_wait3A_164 = arith.constant 0 : i32
    %dma_wait3A_165 = arith.constant 0 : i32
    %dma_wait3A_166 = tpu.memref_slice %arg10[%dma_wait3A_164, %dma_wait3A_165] : memref<80x128xi32, #tpu.memory_space<vmem>> -> memref<1x128xi32, #tpu.memory_space<vmem>>
    %dma_wait3A_167 = tpu.memref_squeeze %dma_wait3A_166 : memref<1x128xi32, #tpu.memory_space<vmem>> -> memref<128xi32, #tpu.memory_space<vmem>>
    %dma_wait3A_168 = arith.constant 0 : i32
    %dma_wait3A_169 = arith.constant 0 : i32
    %dma_wait3A_170 = tpu.memref_slice %arg17[%dma_wait3A_168, %dma_wait3A_169] : memref<10240x16xf32, #tpu.memory_space<vmem_shared>> -> memref<10240x16xf32, #tpu.memory_space<vmem_shared>>
    tpu.wait_indirect_dma semaphore(%arg43 : memref<!tpu.dma_semaphore, #tpu.memory_space<semaphore_mem>>) src(%arg27 : memref<128x16xf32, #tpu.memory_space<vmem>>) dst(%dma_wait3A_170 : memref<10240x16xf32, #tpu.memory_space<vmem_shared>>)
    %dma_wait3A_171 = arith.constant 0 : i32
    %dma_wait3A_172 = arith.constant 0 : i32
    %dma_wait3A_173 = tpu.memref_slice %arg10[%dma_wait3A_171, %dma_wait3A_172] : memref<80x128xi32, #tpu.memory_space<vmem>> -> memref<1x128xi32, #tpu.memory_space<vmem>>
    %dma_wait3A_174 = tpu.memref_squeeze %dma_wait3A_173 : memref<1x128xi32, #tpu.memory_space<vmem>> -> memref<128xi32, #tpu.memory_space<vmem>>
    %dma_wait3A_175 = arith.constant 0 : i32
    %dma_wait3A_176 = arith.constant 0 : i32
    %dma_wait3A_177 = tpu.memref_slice %arg17[%dma_wait3A_175, %dma_wait3A_176] : memref<10240x16xf32, #tpu.memory_space<vmem_shared>> -> memref<10240x16xf32, #tpu.memory_space<vmem_shared>>
    tpu.wait_indirect_dma semaphore(%arg44 : memref<!tpu.dma_semaphore, #tpu.memory_space<semaphore_mem>>) src(%arg28 : memref<128x16xf32, #tpu.memory_space<vmem>>) dst(%dma_wait3A_177 : memref<10240x16xf32, #tpu.memory_space<vmem_shared>>)
    %dma_wait3A_178 = arith.constant 0 : i32
    %dma_wait3A_179 = arith.constant 0 : i32
    %dma_wait3A_180 = tpu.memref_slice %arg10[%dma_wait3A_178, %dma_wait3A_179] : memref<80x128xi32, #tpu.memory_space<vmem>> -> memref<1x128xi32, #tpu.memory_space<vmem>>
    %dma_wait3A_181 = tpu.memref_squeeze %dma_wait3A_180 : memref<1x128xi32, #tpu.memory_space<vmem>> -> memref<128xi32, #tpu.memory_space<vmem>>
    %dma_wait3A_182 = arith.constant 0 : i32
    %dma_wait3A_183 = arith.constant 0 : i32
    %dma_wait3A_184 = tpu.memref_slice %arg17[%dma_wait3A_182, %dma_wait3A_183] : memref<10240x16xf32, #tpu.memory_space<vmem_shared>> -> memref<10240x16xf32, #tpu.memory_space<vmem_shared>>
    tpu.wait_indirect_dma semaphore(%arg45 : memref<!tpu.dma_semaphore, #tpu.memory_space<semaphore_mem>>) src(%arg29 : memref<128x16xf32, #tpu.memory_space<vmem>>) dst(%dma_wait3A_184 : memref<10240x16xf32, #tpu.memory_space<vmem_shared>>)
    %barrier3A_185 = arith.constant 0 : index
    tpu.barrier barrier_id(%barrier3A_185)
    %mul3A_186 = arith.constant 640 : i32
    %mul3A_187 = arith.muli %arg1, %mul3A_186 : i32
    %mul3A_188 = arith.constant 640 : i32
    %mul3A_189 = arith.muli %arg1, %mul3A_188 : i32
    "tpu.region"() ({
      %run_scoped3A = tpu.sem_alloc : memref<!tpu.dma_semaphore, #tpu.memory_space<semaphore_mem>>
      %dma_start3A_190 = arith.constant 0 : i32
      %dma_start3A_191 = tpu.memref_slice %arg8[%arg0, %mul3A_189, %dma_start3A_190] : memref<2x10240x16xf32, #tpu.memory_space<hbm>> -> memref<1x640x16xf32, #tpu.memory_space<hbm>>
      %dma_start3A_192 = tpu.memref_squeeze %dma_start3A_191 : memref<1x640x16xf32, #tpu.memory_space<hbm>> -> memref<640x16xf32, #tpu.memory_space<hbm>>
      %dma_start3A_193 = arith.constant 0 : i32
      %dma_start3A_194 = tpu.memref_slice %arg17[%mul3A_187, %dma_start3A_193] : memref<10240x16xf32, #tpu.memory_space<vmem_shared>> -> memref<640x16xf32, #tpu.memory_space<vmem_shared>>
      tpu.enqueue_dma source(%dma_start3A_194 : memref<640x16xf32, #tpu.memory_space<vmem_shared>>) target(%dma_start3A_192 : memref<640x16xf32, #tpu.memory_space<hbm>>) target_semaphore(%run_scoped3A : memref<!tpu.dma_semaphore, #tpu.memory_space<semaphore_mem>>)
      %dma_wait3A_195 = arith.constant 0 : i32
      %dma_wait3A_196 = tpu.memref_slice %arg8[%arg0, %mul3A_189, %dma_wait3A_195] : memref<2x10240x16xf32, #tpu.memory_space<hbm>> -> memref<1x640x16xf32, #tpu.memory_space<hbm>>
      %dma_wait3A_197 = tpu.memref_squeeze %dma_wait3A_196 : memref<1x640x16xf32, #tpu.memory_space<hbm>> -> memref<640x16xf32, #tpu.memory_space<hbm>>
      %dma_wait3A_198 = arith.constant 0 : i32
      %dma_wait3A_199 = tpu.memref_slice %arg17[%mul3A_187, %dma_wait3A_198] : memref<10240x16xf32, #tpu.memory_space<vmem_shared>> -> memref<640x16xf32, #tpu.memory_space<vmem_shared>>
      tpu.wait_dma2 semaphore(%run_scoped3A : memref<!tpu.dma_semaphore, #tpu.memory_space<semaphore_mem>>) src(%dma_wait3A_199 : memref<640x16xf32, #tpu.memory_space<vmem_shared>>) dst(%dma_wait3A_197 : memref<640x16xf32, #tpu.memory_space<hbm>>)
      tpu.yield
    }) : () -> ()
    return
  }
}

#map = affine_map<(d0, d1) -> (0, 0)>
#map1 = affine_map<(d0, d1) -> (0, 0, 0)>
#map2 = affine_map<(d0, d1) -> (0)>
module attributes {stable_mosaic.version = 14 : i64} {
  func.func @_layer1_kernel(%arg0: i32, %arg1: i32, %arg2: memref<10240x16xf32, #tpu.memory_space<hbm>>, %arg3: memref<32x80x128xi32, #tpu.memory_space<hbm>>, %arg4: memref<32x80x128xi32, #tpu.memory_space<hbm>>, %arg5: memref<2x10240x16xf32, #tpu.memory_space<hbm>>, %arg6: memref<10240x16xf32, #tpu.memory_space<hbm>>, %arg7: memref<10240xf32, #tpu.memory_space<hbm>>, %arg8: memref<10240xf32, #tpu.memory_space<vmem_shared>>, %arg9: memref<2x80x128xi32, #tpu.memory_space<vmem>>, %arg10: memref<128xf32, #tpu.memory_space<vmem>>, %arg11: memref<640xf32, #tpu.memory_space<vmem>>, %arg12: memref<10240x16xf32, #tpu.memory_space<vmem_shared>>, %arg13: memref<10240x16xf32, #tpu.memory_space<vmem_shared>>, %arg14: memref<80x128xi32, #tpu.memory_space<vmem>>, %arg15: memref<640x16xf32, #tpu.memory_space<vmem>>, %arg16: memref<640xf32, #tpu.memory_space<vmem>>, %arg17: memref<128x16xf32, #tpu.memory_space<vmem>>, %arg18: memref<128x16xf32, #tpu.memory_space<vmem>>, %arg19: memref<128x16xf32, #tpu.memory_space<vmem>>, %arg20: memref<128x16xf32, #tpu.memory_space<vmem>>, %arg21: memref<128x16xf32, #tpu.memory_space<vmem>>, %arg22: memref<128x16xf32, #tpu.memory_space<vmem>>, %arg23: memref<128x16xf32, #tpu.memory_space<vmem>>, %arg24: memref<128x16xf32, #tpu.memory_space<vmem>>, %arg25: memref<!tpu.dma_semaphore, #tpu.memory_space<semaphore_mem>>, %arg26: memref<!tpu.dma_semaphore, #tpu.memory_space<semaphore_mem>>, %arg27: memref<!tpu.dma_semaphore, #tpu.memory_space<semaphore_mem>>, %arg28: memref<!tpu.dma_semaphore, #tpu.memory_space<semaphore_mem>>, %arg29: memref<!tpu.dma_semaphore, #tpu.memory_space<semaphore_mem>>, %arg30: memref<!tpu.dma_semaphore, #tpu.memory_space<semaphore_mem>>, %arg31: memref<!tpu.dma_semaphore, #tpu.memory_space<semaphore_mem>>, %arg32: memref<!tpu.dma_semaphore, #tpu.memory_space<semaphore_mem>>, %arg33: memref<!tpu.dma_semaphore, #tpu.memory_space<semaphore_mem>>, %arg34: memref<!tpu.dma_semaphore, #tpu.memory_space<semaphore_mem>>, %arg35: memref<!tpu.dma_semaphore, #tpu.memory_space<semaphore_mem>>, %arg36: memref<!tpu.dma_semaphore, #tpu.memory_space<semaphore_mem>>, %arg37: memref<!tpu.dma_semaphore, #tpu.memory_space<semaphore_mem>>, %arg38: memref<!tpu.dma_semaphore, #tpu.memory_space<semaphore_mem>>, %arg39: memref<!tpu.dma_semaphore, #tpu.memory_space<semaphore_mem>>, %arg40: memref<!tpu.dma_semaphore, #tpu.memory_space<semaphore_mem>>, %arg41: memref<!tpu.dma_semaphore, #tpu.memory_space<semaphore_mem>>) attributes {dimension_semantics = [#tpu.dimension_semantics<core_parallel>, #tpu.dimension_semantics<subcore_parallel>], iteration_bounds = array<i64: 2, 16>, scalar_prefetch = 0 : i64, scratch_operands = 34 : i64, tpu.core_type = #tpu.core_type<sc_vector_subcore>, window_params = [{transform_indices = #map}, {transform_indices = #map1}, {transform_indices = #map1}, {transform_indices = #map1}, {transform_indices = #map}, {transform_indices = #map2}]} {
    %mul3A = arith.constant 2 : i32
    %mul3A_0 = arith.muli %arg1, %mul3A : i32
    %add3A = arith.addi %mul3A_0, %arg0 : i32
    %broadcast_in_dim3A = arith.constant 1.000000e+00 : f32
    %broadcast_in_dim3A_1 = vector.broadcast %broadcast_in_dim3A : f32 to vector<16xf32>
    %broadcast_in_dim3A_2 = arith.constant 0.000000e+00 : f32
    %broadcast_in_dim3A_3 = vector.broadcast %broadcast_in_dim3A_2 : f32 to vector<16xf32>
    %swap3A = arith.constant 0 : index
    %swap3A_4 = tpu.vector_load %arg10[%swap3A] {strides = array<i32>} : memref<128xf32, #tpu.memory_space<vmem>>, vector<16xf32>,
    tpu.vector_store %arg10[%swap3A], %broadcast_in_dim3A_1 {strides = array<i32>} : memref<128xf32, #tpu.memory_space<vmem>>, vector<16xf32>,
    %swap3A_5 = arith.constant 16 : index
    %swap3A_6 = tpu.vector_load %arg10[%swap3A_5] {strides = array<i32>} : memref<128xf32, #tpu.memory_space<vmem>>, vector<16xf32>,
    tpu.vector_store %arg10[%swap3A_5], %broadcast_in_dim3A_1 {strides = array<i32>} : memref<128xf32, #tpu.memory_space<vmem>>, vector<16xf32>,
    %swap3A_7 = arith.constant 32 : index
    %swap3A_8 = tpu.vector_load %arg10[%swap3A_7] {strides = array<i32>} : memref<128xf32, #tpu.memory_space<vmem>>, vector<16xf32>,
    tpu.vector_store %arg10[%swap3A_7], %broadcast_in_dim3A_1 {strides = array<i32>} : memref<128xf32, #tpu.memory_space<vmem>>, vector<16xf32>,
    %swap3A_9 = arith.constant 48 : index
    %swap3A_10 = tpu.vector_load %arg10[%swap3A_9] {strides = array<i32>} : memref<128xf32, #tpu.memory_space<vmem>>, vector<16xf32>,
    tpu.vector_store %arg10[%swap3A_9], %broadcast_in_dim3A_1 {strides = array<i32>} : memref<128xf32, #tpu.memory_space<vmem>>, vector<16xf32>,
    %swap3A_11 = arith.constant 64 : index
    %swap3A_12 = tpu.vector_load %arg10[%swap3A_11] {strides = array<i32>} : memref<128xf32, #tpu.memory_space<vmem>>, vector<16xf32>,
    tpu.vector_store %arg10[%swap3A_11], %broadcast_in_dim3A_1 {strides = array<i32>} : memref<128xf32, #tpu.memory_space<vmem>>, vector<16xf32>,
    %swap3A_13 = arith.constant 80 : index
    %swap3A_14 = tpu.vector_load %arg10[%swap3A_13] {strides = array<i32>} : memref<128xf32, #tpu.memory_space<vmem>>, vector<16xf32>,
    tpu.vector_store %arg10[%swap3A_13], %broadcast_in_dim3A_1 {strides = array<i32>} : memref<128xf32, #tpu.memory_space<vmem>>, vector<16xf32>,
    %swap3A_15 = arith.constant 96 : index
    %swap3A_16 = tpu.vector_load %arg10[%swap3A_15] {strides = array<i32>} : memref<128xf32, #tpu.memory_space<vmem>>, vector<16xf32>,
    tpu.vector_store %arg10[%swap3A_15], %broadcast_in_dim3A_1 {strides = array<i32>} : memref<128xf32, #tpu.memory_space<vmem>>, vector<16xf32>,
    %swap3A_17 = arith.constant 112 : index
    %swap3A_18 = tpu.vector_load %arg10[%swap3A_17] {strides = array<i32>} : memref<128xf32, #tpu.memory_space<vmem>>, vector<16xf32>,
    tpu.vector_store %arg10[%swap3A_17], %broadcast_in_dim3A_1 {strides = array<i32>} : memref<128xf32, #tpu.memory_space<vmem>>, vector<16xf32>,
    %swap3A_19 = arith.constant 0 : index
    %swap3A_20 = tpu.vector_load %arg11[%swap3A_19] {strides = array<i32>} : memref<640xf32, #tpu.memory_space<vmem>>, vector<16xf32>,
    tpu.vector_store %arg11[%swap3A_19], %broadcast_in_dim3A_3 {strides = array<i32>} : memref<640xf32, #tpu.memory_space<vmem>>, vector<16xf32>,
    %swap3A_21 = arith.constant 16 : index
    %swap3A_22 = tpu.vector_load %arg11[%swap3A_21] {strides = array<i32>} : memref<640xf32, #tpu.memory_space<vmem>>, vector<16xf32>,
    tpu.vector_store %arg11[%swap3A_21], %broadcast_in_dim3A_3 {strides = array<i32>} : memref<640xf32, #tpu.memory_space<vmem>>, vector<16xf32>,
    %swap3A_23 = arith.constant 32 : index
    %swap3A_24 = tpu.vector_load %arg11[%swap3A_23] {strides = array<i32>} : memref<640xf32, #tpu.memory_space<vmem>>, vector<16xf32>,
    tpu.vector_store %arg11[%swap3A_23], %broadcast_in_dim3A_3 {strides = array<i32>} : memref<640xf32, #tpu.memory_space<vmem>>, vector<16xf32>,
    %swap3A_25 = arith.constant 48 : index
    %swap3A_26 = tpu.vector_load %arg11[%swap3A_25] {strides = array<i32>} : memref<640xf32, #tpu.memory_space<vmem>>, vector<16xf32>,
    tpu.vector_store %arg11[%swap3A_25], %broadcast_in_dim3A_3 {strides = array<i32>} : memref<640xf32, #tpu.memory_space<vmem>>, vector<16xf32>,
    %swap3A_27 = arith.constant 64 : index
    %swap3A_28 = tpu.vector_load %arg11[%swap3A_27] {strides = array<i32>} : memref<640xf32, #tpu.memory_space<vmem>>, vector<16xf32>,
    tpu.vector_store %arg11[%swap3A_27], %broadcast_in_dim3A_3 {strides = array<i32>} : memref<640xf32, #tpu.memory_space<vmem>>, vector<16xf32>,
    %swap3A_29 = arith.constant 80 : index
    %swap3A_30 = tpu.vector_load %arg11[%swap3A_29] {strides = array<i32>} : memref<640xf32, #tpu.memory_space<vmem>>, vector<16xf32>,
    tpu.vector_store %arg11[%swap3A_29], %broadcast_in_dim3A_3 {strides = array<i32>} : memref<640xf32, #tpu.memory_space<vmem>>, vector<16xf32>,
    %swap3A_31 = arith.constant 96 : index
    %swap3A_32 = tpu.vector_load %arg11[%swap3A_31] {strides = array<i32>} : memref<640xf32, #tpu.memory_space<vmem>>, vector<16xf32>,
    tpu.vector_store %arg11[%swap3A_31], %broadcast_in_dim3A_3 {strides = array<i32>} : memref<640xf32, #tpu.memory_space<vmem>>, vector<16xf32>,
    %swap3A_33 = arith.constant 112 : index
    %swap3A_34 = tpu.vector_load %arg11[%swap3A_33] {strides = array<i32>} : memref<640xf32, #tpu.memory_space<vmem>>, vector<16xf32>,
    tpu.vector_store %arg11[%swap3A_33], %broadcast_in_dim3A_3 {strides = array<i32>} : memref<640xf32, #tpu.memory_space<vmem>>, vector<16xf32>,
    %swap3A_35 = arith.constant 128 : index
    %swap3A_36 = tpu.vector_load %arg11[%swap3A_35] {strides = array<i32>} : memref<640xf32, #tpu.memory_space<vmem>>, vector<16xf32>,
    tpu.vector_store %arg11[%swap3A_35], %broadcast_in_dim3A_3 {strides = array<i32>} : memref<640xf32, #tpu.memory_space<vmem>>, vector<16xf32>,
    %swap3A_37 = arith.constant 144 : index
    %swap3A_38 = tpu.vector_load %arg11[%swap3A_37] {strides = array<i32>} : memref<640xf32, #tpu.memory_space<vmem>>, vector<16xf32>,
    tpu.vector_store %arg11[%swap3A_37], %broadcast_in_dim3A_3 {strides = array<i32>} : memref<640xf32, #tpu.memory_space<vmem>>, vector<16xf32>,
    %swap3A_39 = arith.constant 160 : index
    %swap3A_40 = tpu.vector_load %arg11[%swap3A_39] {strides = array<i32>} : memref<640xf32, #tpu.memory_space<vmem>>, vector<16xf32>,
    tpu.vector_store %arg11[%swap3A_39], %broadcast_in_dim3A_3 {strides = array<i32>} : memref<640xf32, #tpu.memory_space<vmem>>, vector<16xf32>,
    %swap3A_41 = arith.constant 176 : index
    %swap3A_42 = tpu.vector_load %arg11[%swap3A_41] {strides = array<i32>} : memref<640xf32, #tpu.memory_space<vmem>>, vector<16xf32>,
    tpu.vector_store %arg11[%swap3A_41], %broadcast_in_dim3A_3 {strides = array<i32>} : memref<640xf32, #tpu.memory_space<vmem>>, vector<16xf32>,
    %swap3A_43 = arith.constant 192 : index
    %swap3A_44 = tpu.vector_load %arg11[%swap3A_43] {strides = array<i32>} : memref<640xf32, #tpu.memory_space<vmem>>, vector<16xf32>,
    tpu.vector_store %arg11[%swap3A_43], %broadcast_in_dim3A_3 {strides = array<i32>} : memref<640xf32, #tpu.memory_space<vmem>>, vector<16xf32>,
    %swap3A_45 = arith.constant 208 : index
    %swap3A_46 = tpu.vector_load %arg11[%swap3A_45] {strides = array<i32>} : memref<640xf32, #tpu.memory_space<vmem>>, vector<16xf32>,
    tpu.vector_store %arg11[%swap3A_45], %broadcast_in_dim3A_3 {strides = array<i32>} : memref<640xf32, #tpu.memory_space<vmem>>, vector<16xf32>,
    %swap3A_47 = arith.constant 224 : index
    %swap3A_48 = tpu.vector_load %arg11[%swap3A_47] {strides = array<i32>} : memref<640xf32, #tpu.memory_space<vmem>>, vector<16xf32>,
    tpu.vector_store %arg11[%swap3A_47], %broadcast_in_dim3A_3 {strides = array<i32>} : memref<640xf32, #tpu.memory_space<vmem>>, vector<16xf32>,
    %swap3A_49 = arith.constant 240 : index
    %swap3A_50 = tpu.vector_load %arg11[%swap3A_49] {strides = array<i32>} : memref<640xf32, #tpu.memory_space<vmem>>, vector<16xf32>,
    tpu.vector_store %arg11[%swap3A_49], %broadcast_in_dim3A_3 {strides = array<i32>} : memref<640xf32, #tpu.memory_space<vmem>>, vector<16xf32>,
    %swap3A_51 = arith.constant 256 : index
    %swap3A_52 = tpu.vector_load %arg11[%swap3A_51] {strides = array<i32>} : memref<640xf32, #tpu.memory_space<vmem>>, vector<16xf32>,
    tpu.vector_store %arg11[%swap3A_51], %broadcast_in_dim3A_3 {strides = array<i32>} : memref<640xf32, #tpu.memory_space<vmem>>, vector<16xf32>,
    %swap3A_53 = arith.constant 272 : index
    %swap3A_54 = tpu.vector_load %arg11[%swap3A_53] {strides = array<i32>} : memref<640xf32, #tpu.memory_space<vmem>>, vector<16xf32>,
    tpu.vector_store %arg11[%swap3A_53], %broadcast_in_dim3A_3 {strides = array<i32>} : memref<640xf32, #tpu.memory_space<vmem>>, vector<16xf32>,
    %swap3A_55 = arith.constant 288 : index
    %swap3A_56 = tpu.vector_load %arg11[%swap3A_55] {strides = array<i32>} : memref<640xf32, #tpu.memory_space<vmem>>, vector<16xf32>,
    tpu.vector_store %arg11[%swap3A_55], %broadcast_in_dim3A_3 {strides = array<i32>} : memref<640xf32, #tpu.memory_space<vmem>>, vector<16xf32>,
    %swap3A_57 = arith.constant 304 : index
    %swap3A_58 = tpu.vector_load %arg11[%swap3A_57] {strides = array<i32>} : memref<640xf32, #tpu.memory_space<vmem>>, vector<16xf32>,
    tpu.vector_store %arg11[%swap3A_57], %broadcast_in_dim3A_3 {strides = array<i32>} : memref<640xf32, #tpu.memory_space<vmem>>, vector<16xf32>,
    %swap3A_59 = arith.constant 320 : index
    %swap3A_60 = tpu.vector_load %arg11[%swap3A_59] {strides = array<i32>} : memref<640xf32, #tpu.memory_space<vmem>>, vector<16xf32>,
    tpu.vector_store %arg11[%swap3A_59], %broadcast_in_dim3A_3 {strides = array<i32>} : memref<640xf32, #tpu.memory_space<vmem>>, vector<16xf32>,
    %swap3A_61 = arith.constant 336 : index
    %swap3A_62 = tpu.vector_load %arg11[%swap3A_61] {strides = array<i32>} : memref<640xf32, #tpu.memory_space<vmem>>, vector<16xf32>,
    tpu.vector_store %arg11[%swap3A_61], %broadcast_in_dim3A_3 {strides = array<i32>} : memref<640xf32, #tpu.memory_space<vmem>>, vector<16xf32>,
    %swap3A_63 = arith.constant 352 : index
    %swap3A_64 = tpu.vector_load %arg11[%swap3A_63] {strides = array<i32>} : memref<640xf32, #tpu.memory_space<vmem>>, vector<16xf32>,
    tpu.vector_store %arg11[%swap3A_63], %broadcast_in_dim3A_3 {strides = array<i32>} : memref<640xf32, #tpu.memory_space<vmem>>, vector<16xf32>,
    %swap3A_65 = arith.constant 368 : index
    %swap3A_66 = tpu.vector_load %arg11[%swap3A_65] {strides = array<i32>} : memref<640xf32, #tpu.memory_space<vmem>>, vector<16xf32>,
    tpu.vector_store %arg11[%swap3A_65], %broadcast_in_dim3A_3 {strides = array<i32>} : memref<640xf32, #tpu.memory_space<vmem>>, vector<16xf32>,
    %swap3A_67 = arith.constant 384 : index
    %swap3A_68 = tpu.vector_load %arg11[%swap3A_67] {strides = array<i32>} : memref<640xf32, #tpu.memory_space<vmem>>, vector<16xf32>,
    tpu.vector_store %arg11[%swap3A_67], %broadcast_in_dim3A_3 {strides = array<i32>} : memref<640xf32, #tpu.memory_space<vmem>>, vector<16xf32>,
    %swap3A_69 = arith.constant 400 : index
    %swap3A_70 = tpu.vector_load %arg11[%swap3A_69] {strides = array<i32>} : memref<640xf32, #tpu.memory_space<vmem>>, vector<16xf32>,
    tpu.vector_store %arg11[%swap3A_69], %broadcast_in_dim3A_3 {strides = array<i32>} : memref<640xf32, #tpu.memory_space<vmem>>, vector<16xf32>,
    %swap3A_71 = arith.constant 416 : index
    %swap3A_72 = tpu.vector_load %arg11[%swap3A_71] {strides = array<i32>} : memref<640xf32, #tpu.memory_space<vmem>>, vector<16xf32>,
    tpu.vector_store %arg11[%swap3A_71], %broadcast_in_dim3A_3 {strides = array<i32>} : memref<640xf32, #tpu.memory_space<vmem>>, vector<16xf32>,
    %swap3A_73 = arith.constant 432 : index
    %swap3A_74 = tpu.vector_load %arg11[%swap3A_73] {strides = array<i32>} : memref<640xf32, #tpu.memory_space<vmem>>, vector<16xf32>,
    tpu.vector_store %arg11[%swap3A_73], %broadcast_in_dim3A_3 {strides = array<i32>} : memref<640xf32, #tpu.memory_space<vmem>>, vector<16xf32>,
    %swap3A_75 = arith.constant 448 : index
    %swap3A_76 = tpu.vector_load %arg11[%swap3A_75] {strides = array<i32>} : memref<640xf32, #tpu.memory_space<vmem>>, vector<16xf32>,
    tpu.vector_store %arg11[%swap3A_75], %broadcast_in_dim3A_3 {strides = array<i32>} : memref<640xf32, #tpu.memory_space<vmem>>, vector<16xf32>,
    %swap3A_77 = arith.constant 464 : index
    %swap3A_78 = tpu.vector_load %arg11[%swap3A_77] {strides = array<i32>} : memref<640xf32, #tpu.memory_space<vmem>>, vector<16xf32>,
    tpu.vector_store %arg11[%swap3A_77], %broadcast_in_dim3A_3 {strides = array<i32>} : memref<640xf32, #tpu.memory_space<vmem>>, vector<16xf32>,
    %swap3A_79 = arith.constant 480 : index
    %swap3A_80 = tpu.vector_load %arg11[%swap3A_79] {strides = array<i32>} : memref<640xf32, #tpu.memory_space<vmem>>, vector<16xf32>,
    tpu.vector_store %arg11[%swap3A_79], %broadcast_in_dim3A_3 {strides = array<i32>} : memref<640xf32, #tpu.memory_space<vmem>>, vector<16xf32>,
    %swap3A_81 = arith.constant 496 : index
    %swap3A_82 = tpu.vector_load %arg11[%swap3A_81] {strides = array<i32>} : memref<640xf32, #tpu.memory_space<vmem>>, vector<16xf32>,
    tpu.vector_store %arg11[%swap3A_81], %broadcast_in_dim3A_3 {strides = array<i32>} : memref<640xf32, #tpu.memory_space<vmem>>, vector<16xf32>,
    %swap3A_83 = arith.constant 512 : index
    %swap3A_84 = tpu.vector_load %arg11[%swap3A_83] {strides = array<i32>} : memref<640xf32, #tpu.memory_space<vmem>>, vector<16xf32>,
    tpu.vector_store %arg11[%swap3A_83], %broadcast_in_dim3A_3 {strides = array<i32>} : memref<640xf32, #tpu.memory_space<vmem>>, vector<16xf32>,
    %swap3A_85 = arith.constant 528 : index
    %swap3A_86 = tpu.vector_load %arg11[%swap3A_85] {strides = array<i32>} : memref<640xf32, #tpu.memory_space<vmem>>, vector<16xf32>,
    tpu.vector_store %arg11[%swap3A_85], %broadcast_in_dim3A_3 {strides = array<i32>} : memref<640xf32, #tpu.memory_space<vmem>>, vector<16xf32>,
    %swap3A_87 = arith.constant 544 : index
    %swap3A_88 = tpu.vector_load %arg11[%swap3A_87] {strides = array<i32>} : memref<640xf32, #tpu.memory_space<vmem>>, vector<16xf32>,
    tpu.vector_store %arg11[%swap3A_87], %broadcast_in_dim3A_3 {strides = array<i32>} : memref<640xf32, #tpu.memory_space<vmem>>, vector<16xf32>,
    %swap3A_89 = arith.constant 560 : index
    %swap3A_90 = tpu.vector_load %arg11[%swap3A_89] {strides = array<i32>} : memref<640xf32, #tpu.memory_space<vmem>>, vector<16xf32>,
    tpu.vector_store %arg11[%swap3A_89], %broadcast_in_dim3A_3 {strides = array<i32>} : memref<640xf32, #tpu.memory_space<vmem>>, vector<16xf32>,
    %swap3A_91 = arith.constant 576 : index
    %swap3A_92 = tpu.vector_load %arg11[%swap3A_91] {strides = array<i32>} : memref<640xf32, #tpu.memory_space<vmem>>, vector<16xf32>,
    tpu.vector_store %arg11[%swap3A_91], %broadcast_in_dim3A_3 {strides = array<i32>} : memref<640xf32, #tpu.memory_space<vmem>>, vector<16xf32>,
    %swap3A_93 = arith.constant 592 : index
    %swap3A_94 = tpu.vector_load %arg11[%swap3A_93] {strides = array<i32>} : memref<640xf32, #tpu.memory_space<vmem>>, vector<16xf32>,
    tpu.vector_store %arg11[%swap3A_93], %broadcast_in_dim3A_3 {strides = array<i32>} : memref<640xf32, #tpu.memory_space<vmem>>, vector<16xf32>,
    %swap3A_95 = arith.constant 608 : index
    %swap3A_96 = tpu.vector_load %arg11[%swap3A_95] {strides = array<i32>} : memref<640xf32, #tpu.memory_space<vmem>>, vector<16xf32>,
    tpu.vector_store %arg11[%swap3A_95], %broadcast_in_dim3A_3 {strides = array<i32>} : memref<640xf32, #tpu.memory_space<vmem>>, vector<16xf32>,
    %swap3A_97 = arith.constant 624 : index
    %swap3A_98 = tpu.vector_load %arg11[%swap3A_97] {strides = array<i32>} : memref<640xf32, #tpu.memory_space<vmem>>, vector<16xf32>,
    tpu.vector_store %arg11[%swap3A_97], %broadcast_in_dim3A_3 {strides = array<i32>} : memref<640xf32, #tpu.memory_space<vmem>>, vector<16xf32>,
    %mul3A_99 = arith.constant 640 : i32
    %mul3A_100 = arith.muli %arg1, %mul3A_99 : i32
    %dma_start3A = arith.constant 0 : i32
    %dma_start3A_101 = tpu.memref_slice %arg2[%mul3A_100, %dma_start3A] : memref<10240x16xf32, #tpu.memory_space<hbm>> -> memref<640x16xf32, #tpu.memory_space<hbm>>
    %dma_start3A_102 = arith.constant 0 : i32
    %dma_start3A_103 = tpu.memref_slice %arg2[%mul3A_100, %dma_start3A_102] : memref<10240x16xf32, #tpu.memory_space<hbm>> -> memref<640x16xf32, #tpu.memory_space<hbm>>
    tpu.enqueue_dma source(%dma_start3A_103 : memref<640x16xf32, #tpu.memory_space<hbm>>) target(%arg15 : memref<640x16xf32, #tpu.memory_space<vmem>>) target_semaphore(%arg41 : memref<!tpu.dma_semaphore, #tpu.memory_space<semaphore_mem>>)
    "tpu.region"() ({
      %run_scoped3A = tpu.sem_alloc : memref<!tpu.dma_semaphore, #tpu.memory_space<semaphore_mem>>
      %dma_start3A_323 = arith.constant 0 : i32
      %dma_start3A_324 = arith.constant 0 : i32
      %dma_start3A_325 = tpu.memref_slice %arg3[%add3A, %dma_start3A_323, %dma_start3A_324] : memref<32x80x128xi32, #tpu.memory_space<hbm>> -> memref<1x80x128xi32, #tpu.memory_space<hbm>>
      %dma_start3A_326 = tpu.memref_squeeze %dma_start3A_325 : memref<1x80x128xi32, #tpu.memory_space<hbm>> -> memref<80x128xi32, #tpu.memory_space<hbm>>
      %dma_start3A_327 = arith.constant 0 : i32
      %dma_start3A_328 = arith.constant 0 : i32
      %dma_start3A_329 = tpu.memref_slice %arg3[%add3A, %dma_start3A_327, %dma_start3A_328] : memref<32x80x128xi32, #tpu.memory_space<hbm>> -> memref<1x80x128xi32, #tpu.memory_space<hbm>>
      %dma_start3A_330 = tpu.memref_squeeze %dma_start3A_329 : memref<1x80x128xi32, #tpu.memory_space<hbm>> -> memref<80x128xi32, #tpu.memory_space<hbm>>
      tpu.enqueue_dma source(%dma_start3A_330 : memref<80x128xi32, #tpu.memory_space<hbm>>) target(%arg14 : memref<80x128xi32, #tpu.memory_space<vmem>>) target_semaphore(%run_scoped3A : memref<!tpu.dma_semaphore, #tpu.memory_space<semaphore_mem>>)
      %dma_wait3A_331 = arith.constant 0 : i32
      %dma_wait3A_332 = arith.constant 0 : i32
      %dma_wait3A_333 = tpu.memref_slice %arg3[%add3A, %dma_wait3A_331, %dma_wait3A_332] : memref<32x80x128xi32, #tpu.memory_space<hbm>> -> memref<1x80x128xi32, #tpu.memory_space<hbm>>
      %dma_wait3A_334 = tpu.memref_squeeze %dma_wait3A_333 : memref<1x80x128xi32, #tpu.memory_space<hbm>> -> memref<80x128xi32, #tpu.memory_space<hbm>>
      %dma_wait3A_335 = arith.constant 0 : i32
      %dma_wait3A_336 = arith.constant 0 : i32
      %dma_wait3A_337 = tpu.memref_slice %arg3[%add3A, %dma_wait3A_335, %dma_wait3A_336] : memref<32x80x128xi32, #tpu.memory_space<hbm>> -> memref<1x80x128xi32, #tpu.memory_space<hbm>>
      %dma_wait3A_338 = tpu.memref_squeeze %dma_wait3A_337 : memref<1x80x128xi32, #tpu.memory_space<hbm>> -> memref<80x128xi32, #tpu.memory_space<hbm>>
      tpu.wait_dma2 semaphore(%run_scoped3A : memref<!tpu.dma_semaphore, #tpu.memory_space<semaphore_mem>>) src(%dma_wait3A_338 : memref<80x128xi32, #tpu.memory_space<hbm>>) dst(%arg14 : memref<80x128xi32, #tpu.memory_space<vmem>>)
      tpu.yield
    }) : () -> ()
    %mul3A_104 = arith.constant 2 : i32
    %mul3A_105 = arith.muli %mul3A_104, %arg1 : i32
    "tpu.region"() ({
      %run_scoped3A = tpu.sem_alloc : memref<!tpu.dma_semaphore, #tpu.memory_space<semaphore_mem>>
      %dma_start3A_323 = arith.constant 0 : i32
      %dma_start3A_324 = arith.constant 0 : i32
      %dma_start3A_325 = tpu.memref_slice %arg4[%mul3A_105, %dma_start3A_323, %dma_start3A_324] : memref<32x80x128xi32, #tpu.memory_space<hbm>> -> memref<2x80x128xi32, #tpu.memory_space<hbm>>
      %dma_start3A_326 = arith.constant 0 : i32
      %dma_start3A_327 = arith.constant 0 : i32
      %dma_start3A_328 = tpu.memref_slice %arg4[%mul3A_105, %dma_start3A_326, %dma_start3A_327] : memref<32x80x128xi32, #tpu.memory_space<hbm>> -> memref<2x80x128xi32, #tpu.memory_space<hbm>>
      tpu.enqueue_dma source(%dma_start3A_328 : memref<2x80x128xi32, #tpu.memory_space<hbm>>) target(%arg9 : memref<2x80x128xi32, #tpu.memory_space<vmem>>) target_semaphore(%run_scoped3A : memref<!tpu.dma_semaphore, #tpu.memory_space<semaphore_mem>>)
      %dma_wait3A_329 = arith.constant 0 : i32
      %dma_wait3A_330 = arith.constant 0 : i32
      %dma_wait3A_331 = tpu.memref_slice %arg4[%mul3A_105, %dma_wait3A_329, %dma_wait3A_330] : memref<32x80x128xi32, #tpu.memory_space<hbm>> -> memref<2x80x128xi32, #tpu.memory_space<hbm>>
      %dma_wait3A_332 = arith.constant 0 : i32
      %dma_wait3A_333 = arith.constant 0 : i32
      %dma_wait3A_334 = tpu.memref_slice %arg4[%mul3A_105, %dma_wait3A_332, %dma_wait3A_333] : memref<32x80x128xi32, #tpu.memory_space<hbm>> -> memref<2x80x128xi32, #tpu.memory_space<hbm>>
      tpu.wait_dma2 semaphore(%run_scoped3A : memref<!tpu.dma_semaphore, #tpu.memory_space<semaphore_mem>>) src(%dma_wait3A_334 : memref<2x80x128xi32, #tpu.memory_space<hbm>>) dst(%arg9 : memref<2x80x128xi32, #tpu.memory_space<vmem>>)
      tpu.yield
    }) : () -> ()
    %mul3A_106 = arith.constant 640 : i32
    %mul3A_107 = arith.muli %arg1, %mul3A_106 : i32
    "tpu.region"() ({
      %run_scoped3A = tpu.sem_alloc : memref<!tpu.dma_semaphore, #tpu.memory_space<semaphore_mem>>
      %dma_start3A_323 = tpu.memref_slice %arg8[%mul3A_107] : memref<10240xf32, #tpu.memory_space<vmem_shared>> -> memref<640xf32, #tpu.memory_space<vmem_shared>>
      %dma_start3A_324 = tpu.memref_slice %arg8[%mul3A_107] : memref<10240xf32, #tpu.memory_space<vmem_shared>> -> memref<640xf32, #tpu.memory_space<vmem_shared>>
      tpu.enqueue_dma source(%arg11 : memref<640xf32, #tpu.memory_space<vmem>>) target(%dma_start3A_324 : memref<640xf32, #tpu.memory_space<vmem_shared>>) target_semaphore(%run_scoped3A : memref<!tpu.dma_semaphore, #tpu.memory_space<semaphore_mem>>)
      %dma_wait3A_325 = tpu.memref_slice %arg8[%mul3A_107] : memref<10240xf32, #tpu.memory_space<vmem_shared>> -> memref<640xf32, #tpu.memory_space<vmem_shared>>
      %dma_wait3A_326 = tpu.memref_slice %arg8[%mul3A_107] : memref<10240xf32, #tpu.memory_space<vmem_shared>> -> memref<640xf32, #tpu.memory_space<vmem_shared>>
      tpu.wait_dma2 semaphore(%run_scoped3A : memref<!tpu.dma_semaphore, #tpu.memory_space<semaphore_mem>>) src(%arg11 : memref<640xf32, #tpu.memory_space<vmem>>) dst(%dma_wait3A_326 : memref<640xf32, #tpu.memory_space<vmem_shared>>)
      tpu.yield
    }) : () -> ()
    %barrier3A = arith.constant 0 : index
    tpu.barrier barrier_id(%barrier3A)
    %scan3A = arith.constant 0 : i32
    %scan3A_108 = arith.constant 0 : i32
    %scan3A_109 = arith.constant 40 : i32
    %scan3A_110 = arith.addi %scan3A_108, %scan3A_109 : i32
    %scan3A_111 = arith.constant 1 : i32
    scf.for %scan3A_323 = %scan3A_108 to %scan3A_110 step %scan3A_111  : i32 {
      %mul3A_324 = arith.constant 2 : i32
      %mul3A_325 = arith.muli %mul3A_324, %scan3A_323 : i32
      %add3A_326 = arith.constant 0 : i32
      %add3A_327 = arith.addi %mul3A_325, %add3A_326 : i32
      %gt3A = arith.constant 0 : i32
      %gt3A_328 = arith.cmpi sgt, %scan3A_323, %gt3A : i32
      %convert_element_type3A_329 = arith.extui %gt3A_328 : i1 to i32
      %cond3A_330 = arith.constant 0 : i32
      %cond3A_331 = arith.cmpi ne, %convert_element_type3A_329, %cond3A_330 : i32
      scf.if %cond3A_331 {
        %dma_wait3A_383 = arith.constant 0 : i32
        %dma_wait3A_384 = arith.constant 0 : i32
        %dma_wait3A_385 = arith.constant 0 : i32
        %dma_wait3A_386 = tpu.memref_slice %arg9[%dma_wait3A_383, %dma_wait3A_384, %dma_wait3A_385] : memref<2x80x128xi32, #tpu.memory_space<vmem>> -> memref<1x1x128xi32, #tpu.memory_space<vmem>>
        %dma_wait3A_387 = tpu.memref_squeeze %dma_wait3A_386 : memref<1x1x128xi32, #tpu.memory_space<vmem>> -> memref<128xi32, #tpu.memory_space<vmem>>
        %dma_wait3A_388 = arith.constant 0 : i32
        %dma_wait3A_389 = tpu.memref_slice %arg8[%dma_wait3A_388] : memref<10240xf32, #tpu.memory_space<vmem_shared>> -> memref<10240xf32, #tpu.memory_space<vmem_shared>>
        tpu.wait_indirect_dma semaphore(%arg33 : memref<!tpu.dma_semaphore, #tpu.memory_space<semaphore_mem>>) src(%arg10 : memref<128xf32, #tpu.memory_space<vmem>>) dst(%dma_wait3A_389 : memref<10240xf32, #tpu.memory_space<vmem_shared>>)
      } else {
      }
      %dma_start3A_332 = arith.constant 0 : i32
      %dma_start3A_333 = arith.constant 0 : i32
      %dma_start3A_334 = tpu.memref_slice %arg9[%dma_start3A_332, %add3A_327, %dma_start3A_333] : memref<2x80x128xi32, #tpu.memory_space<vmem>> -> memref<1x1x128xi32, #tpu.memory_space<vmem>>
      %dma_start3A_335 = tpu.memref_squeeze %dma_start3A_334 : memref<1x1x128xi32, #tpu.memory_space<vmem>> -> memref<128xi32, #tpu.memory_space<vmem>>
      %dma_start3A_336 = arith.constant 0 : i32
      %dma_start3A_337 = tpu.memref_slice %arg8[%dma_start3A_336] : memref<10240xf32, #tpu.memory_space<vmem_shared>> -> memref<10240xf32, #tpu.memory_space<vmem_shared>>
      tpu.enqueue_indirect_dma source(%arg10 : memref<128xf32, #tpu.memory_space<vmem>>) target(%dma_start3A_337 : memref<10240xf32, #tpu.memory_space<vmem_shared>>) offsets(%dma_start3A_335 : memref<128xi32, #tpu.memory_space<vmem>>) semaphore(%arg33 : memref<!tpu.dma_semaphore, #tpu.memory_space<semaphore_mem>>) {add = true}
      %mul3A_338 = arith.constant 2 : i32
      %mul3A_339 = arith.muli %mul3A_338, %scan3A_323 : i32
      %add3A_340 = arith.constant 1 : i32
      %add3A_341 = arith.addi %mul3A_339, %add3A_340 : i32
      %gt3A_342 = arith.constant 0 : i32
      %gt3A_343 = arith.cmpi sgt, %scan3A_323, %gt3A_342 : i32
      %convert_element_type3A_344 = arith.extui %gt3A_343 : i1 to i32
      %cond3A_345 = arith.constant 0 : i32
      %cond3A_346 = arith.cmpi ne, %convert_element_type3A_344, %cond3A_345 : i32
      scf.if %cond3A_346 {
        %dma_wait3A_383 = arith.constant 0 : i32
        %dma_wait3A_384 = arith.constant 0 : i32
        %dma_wait3A_385 = arith.constant 0 : i32
        %dma_wait3A_386 = tpu.memref_slice %arg9[%dma_wait3A_383, %dma_wait3A_384, %dma_wait3A_385] : memref<2x80x128xi32, #tpu.memory_space<vmem>> -> memref<1x1x128xi32, #tpu.memory_space<vmem>>
        %dma_wait3A_387 = tpu.memref_squeeze %dma_wait3A_386 : memref<1x1x128xi32, #tpu.memory_space<vmem>> -> memref<128xi32, #tpu.memory_space<vmem>>
        %dma_wait3A_388 = arith.constant 0 : i32
        %dma_wait3A_389 = tpu.memref_slice %arg8[%dma_wait3A_388] : memref<10240xf32, #tpu.memory_space<vmem_shared>> -> memref<10240xf32, #tpu.memory_space<vmem_shared>>
        tpu.wait_indirect_dma semaphore(%arg34 : memref<!tpu.dma_semaphore, #tpu.memory_space<semaphore_mem>>) src(%arg10 : memref<128xf32, #tpu.memory_space<vmem>>) dst(%dma_wait3A_389 : memref<10240xf32, #tpu.memory_space<vmem_shared>>)
      } else {
      }
      %dma_start3A_347 = arith.constant 0 : i32
      %dma_start3A_348 = arith.constant 0 : i32
      %dma_start3A_349 = tpu.memref_slice %arg9[%dma_start3A_347, %add3A_341, %dma_start3A_348] : memref<2x80x128xi32, #tpu.memory_space<vmem>> -> memref<1x1x128xi32, #tpu.memory_space<vmem>>
      %dma_start3A_350 = tpu.memref_squeeze %dma_start3A_349 : memref<1x1x128xi32, #tpu.memory_space<vmem>> -> memref<128xi32, #tpu.memory_space<vmem>>
      %dma_start3A_351 = arith.constant 0 : i32
      %dma_start3A_352 = tpu.memref_slice %arg8[%dma_start3A_351] : memref<10240xf32, #tpu.memory_space<vmem_shared>> -> memref<10240xf32, #tpu.memory_space<vmem_shared>>
      tpu.enqueue_indirect_dma source(%arg10 : memref<128xf32, #tpu.memory_space<vmem>>) target(%dma_start3A_352 : memref<10240xf32, #tpu.memory_space<vmem_shared>>) offsets(%dma_start3A_350 : memref<128xi32, #tpu.memory_space<vmem>>) semaphore(%arg34 : memref<!tpu.dma_semaphore, #tpu.memory_space<semaphore_mem>>) {add = true}
      %mul3A_353 = arith.constant 2 : i32
      %mul3A_354 = arith.muli %mul3A_353, %scan3A_323 : i32
      %add3A_355 = arith.constant 0 : i32
      %add3A_356 = arith.addi %mul3A_354, %add3A_355 : i32
      %gt3A_357 = arith.constant 0 : i32
      %gt3A_358 = arith.cmpi sgt, %scan3A_323, %gt3A_357 : i32
      %convert_element_type3A_359 = arith.extui %gt3A_358 : i1 to i32
      %cond3A_360 = arith.constant 0 : i32
      %cond3A_361 = arith.cmpi ne, %convert_element_type3A_359, %cond3A_360 : i32
      scf.if %cond3A_361 {
        %dma_wait3A_383 = arith.constant 0 : i32
        %dma_wait3A_384 = arith.constant 0 : i32
        %dma_wait3A_385 = arith.constant 0 : i32
        %dma_wait3A_386 = tpu.memref_slice %arg9[%dma_wait3A_383, %dma_wait3A_384, %dma_wait3A_385] : memref<2x80x128xi32, #tpu.memory_space<vmem>> -> memref<1x1x128xi32, #tpu.memory_space<vmem>>
        %dma_wait3A_387 = tpu.memref_squeeze %dma_wait3A_386 : memref<1x1x128xi32, #tpu.memory_space<vmem>> -> memref<128xi32, #tpu.memory_space<vmem>>
        %dma_wait3A_388 = arith.constant 0 : i32
        %dma_wait3A_389 = tpu.memref_slice %arg8[%dma_wait3A_388] : memref<10240xf32, #tpu.memory_space<vmem_shared>> -> memref<10240xf32, #tpu.memory_space<vmem_shared>>
        tpu.wait_indirect_dma semaphore(%arg35 : memref<!tpu.dma_semaphore, #tpu.memory_space<semaphore_mem>>) src(%arg10 : memref<128xf32, #tpu.memory_space<vmem>>) dst(%dma_wait3A_389 : memref<10240xf32, #tpu.memory_space<vmem_shared>>)
      } else {
      }
      %dma_start3A_362 = arith.constant 1 : i32
      %dma_start3A_363 = arith.constant 0 : i32
      %dma_start3A_364 = tpu.memref_slice %arg9[%dma_start3A_362, %add3A_356, %dma_start3A_363] : memref<2x80x128xi32, #tpu.memory_space<vmem>> -> memref<1x1x128xi32, #tpu.memory_space<vmem>>
      %dma_start3A_365 = tpu.memref_squeeze %dma_start3A_364 : memref<1x1x128xi32, #tpu.memory_space<vmem>> -> memref<128xi32, #tpu.memory_space<vmem>>
      %dma_start3A_366 = arith.constant 0 : i32
      %dma_start3A_367 = tpu.memref_slice %arg8[%dma_start3A_366] : memref<10240xf32, #tpu.memory_space<vmem_shared>> -> memref<10240xf32, #tpu.memory_space<vmem_shared>>
      tpu.enqueue_indirect_dma source(%arg10 : memref<128xf32, #tpu.memory_space<vmem>>) target(%dma_start3A_367 : memref<10240xf32, #tpu.memory_space<vmem_shared>>) offsets(%dma_start3A_365 : memref<128xi32, #tpu.memory_space<vmem>>) semaphore(%arg35 : memref<!tpu.dma_semaphore, #tpu.memory_space<semaphore_mem>>) {add = true}
      %mul3A_368 = arith.constant 2 : i32
      %mul3A_369 = arith.muli %mul3A_368, %scan3A_323 : i32
      %add3A_370 = arith.constant 1 : i32
      %add3A_371 = arith.addi %mul3A_369, %add3A_370 : i32
      %gt3A_372 = arith.constant 0 : i32
      %gt3A_373 = arith.cmpi sgt, %scan3A_323, %gt3A_372 : i32
      %convert_element_type3A_374 = arith.extui %gt3A_373 : i1 to i32
      %cond3A_375 = arith.constant 0 : i32
      %cond3A_376 = arith.cmpi ne, %convert_element_type3A_374, %cond3A_375 : i32
      scf.if %cond3A_376 {
        %dma_wait3A_383 = arith.constant 0 : i32
        %dma_wait3A_384 = arith.constant 0 : i32
        %dma_wait3A_385 = arith.constant 0 : i32
        %dma_wait3A_386 = tpu.memref_slice %arg9[%dma_wait3A_383, %dma_wait3A_384, %dma_wait3A_385] : memref<2x80x128xi32, #tpu.memory_space<vmem>> -> memref<1x1x128xi32, #tpu.memory_space<vmem>>
        %dma_wait3A_387 = tpu.memref_squeeze %dma_wait3A_386 : memref<1x1x128xi32, #tpu.memory_space<vmem>> -> memref<128xi32, #tpu.memory_space<vmem>>
        %dma_wait3A_388 = arith.constant 0 : i32
        %dma_wait3A_389 = tpu.memref_slice %arg8[%dma_wait3A_388] : memref<10240xf32, #tpu.memory_space<vmem_shared>> -> memref<10240xf32, #tpu.memory_space<vmem_shared>>
        tpu.wait_indirect_dma semaphore(%arg36 : memref<!tpu.dma_semaphore, #tpu.memory_space<semaphore_mem>>) src(%arg10 : memref<128xf32, #tpu.memory_space<vmem>>) dst(%dma_wait3A_389 : memref<10240xf32, #tpu.memory_space<vmem_shared>>)
      } else {
      }
      %dma_start3A_377 = arith.constant 1 : i32
      %dma_start3A_378 = arith.constant 0 : i32
      %dma_start3A_379 = tpu.memref_slice %arg9[%dma_start3A_377, %add3A_371, %dma_start3A_378] : memref<2x80x128xi32, #tpu.memory_space<vmem>> -> memref<1x1x128xi32, #tpu.memory_space<vmem>>
      %dma_start3A_380 = tpu.memref_squeeze %dma_start3A_379 : memref<1x1x128xi32, #tpu.memory_space<vmem>> -> memref<128xi32, #tpu.memory_space<vmem>>
      %dma_start3A_381 = arith.constant 0 : i32
      %dma_start3A_382 = tpu.memref_slice %arg8[%dma_start3A_381] : memref<10240xf32, #tpu.memory_space<vmem_shared>> -> memref<10240xf32, #tpu.memory_space<vmem_shared>>
      tpu.enqueue_indirect_dma source(%arg10 : memref<128xf32, #tpu.memory_space<vmem>>) target(%dma_start3A_382 : memref<10240xf32, #tpu.memory_space<vmem_shared>>) offsets(%dma_start3A_380 : memref<128xi32, #tpu.memory_space<vmem>>) semaphore(%arg36 : memref<!tpu.dma_semaphore, #tpu.memory_space<semaphore_mem>>) {add = true}
    }
    %scan3A_112 = arith.constant 40 : i32
    %dma_wait3A = arith.constant 0 : i32
    %dma_wait3A_113 = arith.constant 0 : i32
    %dma_wait3A_114 = arith.constant 0 : i32
    %dma_wait3A_115 = tpu.memref_slice %arg9[%dma_wait3A, %dma_wait3A_113, %dma_wait3A_114] : memref<2x80x128xi32, #tpu.memory_space<vmem>> -> memref<1x1x128xi32, #tpu.memory_space<vmem>>
    %dma_wait3A_116 = tpu.memref_squeeze %dma_wait3A_115 : memref<1x1x128xi32, #tpu.memory_space<vmem>> -> memref<128xi32, #tpu.memory_space<vmem>>
    %dma_wait3A_117 = arith.constant 0 : i32
    %dma_wait3A_118 = tpu.memref_slice %arg8[%dma_wait3A_117] : memref<10240xf32, #tpu.memory_space<vmem_shared>> -> memref<10240xf32, #tpu.memory_space<vmem_shared>>
    tpu.wait_indirect_dma semaphore(%arg33 : memref<!tpu.dma_semaphore, #tpu.memory_space<semaphore_mem>>) src(%arg10 : memref<128xf32, #tpu.memory_space<vmem>>) dst(%dma_wait3A_118 : memref<10240xf32, #tpu.memory_space<vmem_shared>>)
    %dma_wait3A_119 = arith.constant 0 : i32
    %dma_wait3A_120 = arith.constant 0 : i32
    %dma_wait3A_121 = arith.constant 0 : i32
    %dma_wait3A_122 = tpu.memref_slice %arg9[%dma_wait3A_119, %dma_wait3A_120, %dma_wait3A_121] : memref<2x80x128xi32, #tpu.memory_space<vmem>> -> memref<1x1x128xi32, #tpu.memory_space<vmem>>
    %dma_wait3A_123 = tpu.memref_squeeze %dma_wait3A_122 : memref<1x1x128xi32, #tpu.memory_space<vmem>> -> memref<128xi32, #tpu.memory_space<vmem>>
    %dma_wait3A_124 = arith.constant 0 : i32
    %dma_wait3A_125 = tpu.memref_slice %arg8[%dma_wait3A_124] : memref<10240xf32, #tpu.memory_space<vmem_shared>> -> memref<10240xf32, #tpu.memory_space<vmem_shared>>
    tpu.wait_indirect_dma semaphore(%arg34 : memref<!tpu.dma_semaphore, #tpu.memory_space<semaphore_mem>>) src(%arg10 : memref<128xf32, #tpu.memory_space<vmem>>) dst(%dma_wait3A_125 : memref<10240xf32, #tpu.memory_space<vmem_shared>>)
    %dma_wait3A_126 = arith.constant 0 : i32
    %dma_wait3A_127 = arith.constant 0 : i32
    %dma_wait3A_128 = arith.constant 0 : i32
    %dma_wait3A_129 = tpu.memref_slice %arg9[%dma_wait3A_126, %dma_wait3A_127, %dma_wait3A_128] : memref<2x80x128xi32, #tpu.memory_space<vmem>> -> memref<1x1x128xi32, #tpu.memory_space<vmem>>
    %dma_wait3A_130 = tpu.memref_squeeze %dma_wait3A_129 : memref<1x1x128xi32, #tpu.memory_space<vmem>> -> memref<128xi32, #tpu.memory_space<vmem>>
    %dma_wait3A_131 = arith.constant 0 : i32
    %dma_wait3A_132 = tpu.memref_slice %arg8[%dma_wait3A_131] : memref<10240xf32, #tpu.memory_space<vmem_shared>> -> memref<10240xf32, #tpu.memory_space<vmem_shared>>
    tpu.wait_indirect_dma semaphore(%arg35 : memref<!tpu.dma_semaphore, #tpu.memory_space<semaphore_mem>>) src(%arg10 : memref<128xf32, #tpu.memory_space<vmem>>) dst(%dma_wait3A_132 : memref<10240xf32, #tpu.memory_space<vmem_shared>>)
    %dma_wait3A_133 = arith.constant 0 : i32
    %dma_wait3A_134 = arith.constant 0 : i32
    %dma_wait3A_135 = arith.constant 0 : i32
    %dma_wait3A_136 = tpu.memref_slice %arg9[%dma_wait3A_133, %dma_wait3A_134, %dma_wait3A_135] : memref<2x80x128xi32, #tpu.memory_space<vmem>> -> memref<1x1x128xi32, #tpu.memory_space<vmem>>
    %dma_wait3A_137 = tpu.memref_squeeze %dma_wait3A_136 : memref<1x1x128xi32, #tpu.memory_space<vmem>> -> memref<128xi32, #tpu.memory_space<vmem>>
    %dma_wait3A_138 = arith.constant 0 : i32
    %dma_wait3A_139 = tpu.memref_slice %arg8[%dma_wait3A_138] : memref<10240xf32, #tpu.memory_space<vmem_shared>> -> memref<10240xf32, #tpu.memory_space<vmem_shared>>
    tpu.wait_indirect_dma semaphore(%arg36 : memref<!tpu.dma_semaphore, #tpu.memory_space<semaphore_mem>>) src(%arg10 : memref<128xf32, #tpu.memory_space<vmem>>) dst(%dma_wait3A_139 : memref<10240xf32, #tpu.memory_space<vmem_shared>>)
    %barrier3A_140 = arith.constant 0 : index
    tpu.barrier barrier_id(%barrier3A_140)
    %mul3A_141 = arith.constant 640 : i32
    %mul3A_142 = arith.muli %arg1, %mul3A_141 : i32
    "tpu.region"() ({
      %run_scoped3A = tpu.sem_alloc : memref<!tpu.dma_semaphore, #tpu.memory_space<semaphore_mem>>
      %dma_start3A_323 = tpu.memref_slice %arg8[%mul3A_142] : memref<10240xf32, #tpu.memory_space<vmem_shared>> -> memref<640xf32, #tpu.memory_space<vmem_shared>>
      %dma_start3A_324 = tpu.memref_slice %arg8[%mul3A_142] : memref<10240xf32, #tpu.memory_space<vmem_shared>> -> memref<640xf32, #tpu.memory_space<vmem_shared>>
      tpu.enqueue_dma source(%dma_start3A_324 : memref<640xf32, #tpu.memory_space<vmem_shared>>) target(%arg11 : memref<640xf32, #tpu.memory_space<vmem>>) target_semaphore(%run_scoped3A : memref<!tpu.dma_semaphore, #tpu.memory_space<semaphore_mem>>)
      %dma_wait3A_325 = tpu.memref_slice %arg8[%mul3A_142] : memref<10240xf32, #tpu.memory_space<vmem_shared>> -> memref<640xf32, #tpu.memory_space<vmem_shared>>
      %dma_wait3A_326 = tpu.memref_slice %arg8[%mul3A_142] : memref<10240xf32, #tpu.memory_space<vmem_shared>> -> memref<640xf32, #tpu.memory_space<vmem_shared>>
      tpu.wait_dma2 semaphore(%run_scoped3A : memref<!tpu.dma_semaphore, #tpu.memory_space<semaphore_mem>>) src(%dma_wait3A_326 : memref<640xf32, #tpu.memory_space<vmem_shared>>) dst(%arg11 : memref<640xf32, #tpu.memory_space<vmem>>)
      tpu.yield
    }) : () -> ()
    %scan3A_143 = arith.constant 0 : i32
    %scan3A_144 = arith.constant 0 : i32
    %scan3A_145 = arith.constant 40 : i32
    %scan3A_146 = arith.addi %scan3A_144, %scan3A_145 : i32
    %scan3A_147 = arith.constant 1 : i32
    scf.for %scan3A_323 = %scan3A_144 to %scan3A_146 step %scan3A_147  : i32 {
      %mul3A_324 = arith.constant 16 : i32
      %mul3A_325 = arith.muli %scan3A_323, %mul3A_324 : i32
      %get3A = arith.index_cast %mul3A_325 : i32 to index
      %get3A_326 = tpu.vector_load %arg11[%get3A] {strides = array<i32>} : memref<640xf32, #tpu.memory_space<vmem>>, vector<16xf32>,
      %add3A_327 = arith.constant 1.000000e+00 : f32
      %add3A_328 = vector.broadcast %add3A_327 : f32 to vector<16xf32>
      %add3A_329 = arith.addf %get3A_326, %add3A_328 : vector<16xf32>
      %bitcast_convert_type3A = tpu.bitcast %add3A_329 : vector<16xf32> -> vector<16xi32>
      %shift_right_arithmetic3A = arith.constant 1 : i32
      %shift_right_arithmetic3A_330 = vector.broadcast %shift_right_arithmetic3A : i32 to vector<16xi32>
      %shift_right_arithmetic3A_331 = arith.shrsi %bitcast_convert_type3A, %shift_right_arithmetic3A_330 : vector<16xi32>
      %sub3A = arith.constant 1597463007 : i32
      %sub3A_332 = vector.broadcast %sub3A : i32 to vector<16xi32>
      %sub3A_333 = arith.subi %sub3A_332, %shift_right_arithmetic3A_331 : vector<16xi32>
      %bitcast_convert_type3A_334 = tpu.bitcast %sub3A_333 : vector<16xi32> -> vector<16xf32>
      %mul3A_335 = arith.constant 5.000000e-01 : f32
      %mul3A_336 = vector.broadcast %mul3A_335 : f32 to vector<16xf32>
      %mul3A_337 = arith.mulf %mul3A_336, %add3A_329 : vector<16xf32>
      %mul3A_338 = arith.mulf %mul3A_337, %bitcast_convert_type3A_334 : vector<16xf32>
      %mul3A_339 = arith.mulf %mul3A_338, %bitcast_convert_type3A_334 : vector<16xf32>
      %sub3A_340 = arith.constant 1.500000e+00 : f32
      %sub3A_341 = vector.broadcast %sub3A_340 : f32 to vector<16xf32>
      %sub3A_342 = arith.subf %sub3A_341, %mul3A_339 : vector<16xf32>
      %mul3A_343 = arith.mulf %bitcast_convert_type3A_334, %sub3A_342 : vector<16xf32>
      %mul3A_344 = arith.constant 5.000000e-01 : f32
      %mul3A_345 = vector.broadcast %mul3A_344 : f32 to vector<16xf32>
      %mul3A_346 = arith.mulf %mul3A_345, %add3A_329 : vector<16xf32>
      %mul3A_347 = arith.mulf %mul3A_346, %mul3A_343 : vector<16xf32>
      %mul3A_348 = arith.mulf %mul3A_347, %mul3A_343 : vector<16xf32>
      %sub3A_349 = arith.constant 1.500000e+00 : f32
      %sub3A_350 = vector.broadcast %sub3A_349 : f32 to vector<16xf32>
      %sub3A_351 = arith.subf %sub3A_350, %mul3A_348 : vector<16xf32>
      %mul3A_352 = arith.mulf %mul3A_343, %sub3A_351 : vector<16xf32>
      %mul3A_353 = arith.constant 5.000000e-01 : f32
      %mul3A_354 = vector.broadcast %mul3A_353 : f32 to vector<16xf32>
      %mul3A_355 = arith.mulf %mul3A_354, %add3A_329 : vector<16xf32>
      %mul3A_356 = arith.mulf %mul3A_355, %mul3A_352 : vector<16xf32>
      %mul3A_357 = arith.mulf %mul3A_356, %mul3A_352 : vector<16xf32>
      %sub3A_358 = arith.constant 1.500000e+00 : f32
      %sub3A_359 = vector.broadcast %sub3A_358 : f32 to vector<16xf32>
      %sub3A_360 = arith.subf %sub3A_359, %mul3A_357 : vector<16xf32>
      %mul3A_361 = arith.mulf %mul3A_352, %sub3A_360 : vector<16xf32>
      %mul3A_362 = arith.constant 16 : i32
      %mul3A_363 = arith.muli %scan3A_323, %mul3A_362 : i32
      %swap3A_364 = arith.index_cast %mul3A_363 : i32 to index
      %swap3A_365 = tpu.vector_load %arg16[%swap3A_364] {strides = array<i32>} : memref<640xf32, #tpu.memory_space<vmem>>, vector<16xf32>,
      tpu.vector_store %arg16[%swap3A_364], %mul3A_361 {strides = array<i32>} : memref<640xf32, #tpu.memory_space<vmem>>, vector<16xf32>,
    }
    %scan3A_148 = arith.constant 40 : i32
    %mul3A_149 = arith.constant 640 : i32
    %mul3A_150 = arith.muli %arg1, %mul3A_149 : i32
    %dma_wait3A_151 = arith.constant 0 : i32
    %dma_wait3A_152 = tpu.memref_slice %arg2[%mul3A_150, %dma_wait3A_151] : memref<10240x16xf32, #tpu.memory_space<hbm>> -> memref<640x16xf32, #tpu.memory_space<hbm>>
    %dma_wait3A_153 = arith.constant 0 : i32
    %dma_wait3A_154 = tpu.memref_slice %arg2[%mul3A_150, %dma_wait3A_153] : memref<10240x16xf32, #tpu.memory_space<hbm>> -> memref<640x16xf32, #tpu.memory_space<hbm>>
    tpu.wait_dma2 semaphore(%arg41 : memref<!tpu.dma_semaphore, #tpu.memory_space<semaphore_mem>>) src(%dma_wait3A_154 : memref<640x16xf32, #tpu.memory_space<hbm>>) dst(%arg15 : memref<640x16xf32, #tpu.memory_space<vmem>>)
    %scan3A_155 = arith.constant 0 : i32
    %scan3A_156 = arith.constant 0 : i32
    %scan3A_157 = arith.constant 640 : i32
    %scan3A_158 = arith.addi %scan3A_156, %scan3A_157 : i32
    %scan3A_159 = arith.constant 1 : i32
    scf.for %scan3A_323 = %scan3A_156 to %scan3A_158 step %scan3A_159  : i32 {
      %broadcast_in_dim3A_324 = vector.broadcast %scan3A_323 : i32 to vector<16xi32>
      %gather3A = tpu.vector_load_idx %arg16[%broadcast_in_dim3A_324] : memref<640xf32, #tpu.memory_space<vmem>>[vector<16xi32>], vector<16xf32>,
      %get3A = arith.index_cast %scan3A_323 : i32 to index
      %get3A_325 = arith.constant 0 : index
      %get3A_326 = tpu.vector_load %arg15[%get3A, %get3A_325] {strides = array<i32>} : memref<640x16xf32, #tpu.memory_space<vmem>>, vector<16xf32>,
      %mul3A_327 = arith.mulf %get3A_326, %gather3A : vector<16xf32>
      %swap3A_328 = arith.index_cast %scan3A_323 : i32 to index
      %swap3A_329 = arith.constant 0 : index
      %swap3A_330 = tpu.vector_load %arg15[%swap3A_328, %swap3A_329] {strides = array<i32>} : memref<640x16xf32, #tpu.memory_space<vmem>>, vector<16xf32>,
      tpu.vector_store %arg15[%swap3A_328, %swap3A_329], %mul3A_327 {strides = array<i32>} : memref<640x16xf32, #tpu.memory_space<vmem>>, vector<16xf32>,
    }
    %scan3A_160 = arith.constant 640 : i32
    %mul3A_161 = arith.constant 640 : i32
    %mul3A_162 = arith.muli %arg1, %mul3A_161 : i32
    "tpu.region"() ({
      %run_scoped3A = tpu.sem_alloc : memref<!tpu.dma_semaphore, #tpu.memory_space<semaphore_mem>>
      %dma_start3A_323 = arith.constant 0 : i32
      %dma_start3A_324 = tpu.memref_slice %arg13[%mul3A_162, %dma_start3A_323] : memref<10240x16xf32, #tpu.memory_space<vmem_shared>> -> memref<640x16xf32, #tpu.memory_space<vmem_shared>>
      %dma_start3A_325 = arith.constant 0 : i32
      %dma_start3A_326 = tpu.memref_slice %arg13[%mul3A_162, %dma_start3A_325] : memref<10240x16xf32, #tpu.memory_space<vmem_shared>> -> memref<640x16xf32, #tpu.memory_space<vmem_shared>>
      tpu.enqueue_dma source(%arg15 : memref<640x16xf32, #tpu.memory_space<vmem>>) target(%dma_start3A_326 : memref<640x16xf32, #tpu.memory_space<vmem_shared>>) target_semaphore(%run_scoped3A : memref<!tpu.dma_semaphore, #tpu.memory_space<semaphore_mem>>)
      %dma_wait3A_327 = arith.constant 0 : i32
      %dma_wait3A_328 = tpu.memref_slice %arg13[%mul3A_162, %dma_wait3A_327] : memref<10240x16xf32, #tpu.memory_space<vmem_shared>> -> memref<640x16xf32, #tpu.memory_space<vmem_shared>>
      %dma_wait3A_329 = arith.constant 0 : i32
      %dma_wait3A_330 = tpu.memref_slice %arg13[%mul3A_162, %dma_wait3A_329] : memref<10240x16xf32, #tpu.memory_space<vmem_shared>> -> memref<640x16xf32, #tpu.memory_space<vmem_shared>>
      tpu.wait_dma2 semaphore(%run_scoped3A : memref<!tpu.dma_semaphore, #tpu.memory_space<semaphore_mem>>) src(%arg15 : memref<640x16xf32, #tpu.memory_space<vmem>>) dst(%dma_wait3A_330 : memref<640x16xf32, #tpu.memory_space<vmem_shared>>)
      tpu.yield
    }) : () -> ()
    %mul3A_163 = arith.constant 640 : i32
    %mul3A_164 = arith.muli %arg1, %mul3A_163 : i32
    "tpu.region"() ({
      %run_scoped3A = tpu.sem_alloc : memref<!tpu.dma_semaphore, #tpu.memory_space<semaphore_mem>>
      %dma_start3A_323 = arith.constant 0 : i32
      %dma_start3A_324 = tpu.memref_slice %arg12[%mul3A_164, %dma_start3A_323] : memref<10240x16xf32, #tpu.memory_space<vmem_shared>> -> memref<640x16xf32, #tpu.memory_space<vmem_shared>>
      %dma_start3A_325 = arith.constant 0 : i32
      %dma_start3A_326 = tpu.memref_slice %arg12[%mul3A_164, %dma_start3A_325] : memref<10240x16xf32, #tpu.memory_space<vmem_shared>> -> memref<640x16xf32, #tpu.memory_space<vmem_shared>>
      tpu.enqueue_dma source(%arg15 : memref<640x16xf32, #tpu.memory_space<vmem>>) target(%dma_start3A_326 : memref<640x16xf32, #tpu.memory_space<vmem_shared>>) target_semaphore(%run_scoped3A : memref<!tpu.dma_semaphore, #tpu.memory_space<semaphore_mem>>)
      %dma_wait3A_327 = arith.constant 0 : i32
      %dma_wait3A_328 = tpu.memref_slice %arg12[%mul3A_164, %dma_wait3A_327] : memref<10240x16xf32, #tpu.memory_space<vmem_shared>> -> memref<640x16xf32, #tpu.memory_space<vmem_shared>>
      %dma_wait3A_329 = arith.constant 0 : i32
      %dma_wait3A_330 = tpu.memref_slice %arg12[%mul3A_164, %dma_wait3A_329] : memref<10240x16xf32, #tpu.memory_space<vmem_shared>> -> memref<640x16xf32, #tpu.memory_space<vmem_shared>>
      tpu.wait_dma2 semaphore(%run_scoped3A : memref<!tpu.dma_semaphore, #tpu.memory_space<semaphore_mem>>) src(%arg15 : memref<640x16xf32, #tpu.memory_space<vmem>>) dst(%dma_wait3A_330 : memref<640x16xf32, #tpu.memory_space<vmem_shared>>)
      tpu.yield
    }) : () -> ()
    %eq3A = arith.constant 0 : i32
    %eq3A_165 = arith.cmpi eq, %arg0, %eq3A : i32
    %convert_element_type3A = arith.extui %eq3A_165 : i1 to i32
    %cond3A = arith.constant 0 : i32
    %cond3A_166 = arith.cmpi ne, %convert_element_type3A, %cond3A : i32
    scf.if %cond3A_166 {
      %mul3A_323 = arith.constant 640 : i32
      %mul3A_324 = arith.muli %arg1, %mul3A_323 : i32
      "tpu.region"() ({
        %run_scoped3A = tpu.sem_alloc : memref<!tpu.dma_semaphore, #tpu.memory_space<semaphore_mem>>
        %dma_start3A_327 = arith.constant 0 : i32
        %dma_start3A_328 = tpu.memref_slice %arg6[%mul3A_324, %dma_start3A_327] : memref<10240x16xf32, #tpu.memory_space<hbm>> -> memref<640x16xf32, #tpu.memory_space<hbm>>
        %dma_start3A_329 = arith.constant 0 : i32
        %dma_start3A_330 = tpu.memref_slice %arg6[%mul3A_324, %dma_start3A_329] : memref<10240x16xf32, #tpu.memory_space<hbm>> -> memref<640x16xf32, #tpu.memory_space<hbm>>
        tpu.enqueue_dma source(%arg15 : memref<640x16xf32, #tpu.memory_space<vmem>>) target(%dma_start3A_330 : memref<640x16xf32, #tpu.memory_space<hbm>>) target_semaphore(%run_scoped3A : memref<!tpu.dma_semaphore, #tpu.memory_space<semaphore_mem>>)
        %dma_wait3A_331 = arith.constant 0 : i32
        %dma_wait3A_332 = tpu.memref_slice %arg6[%mul3A_324, %dma_wait3A_331] : memref<10240x16xf32, #tpu.memory_space<hbm>> -> memref<640x16xf32, #tpu.memory_space<hbm>>
        %dma_wait3A_333 = arith.constant 0 : i32
        %dma_wait3A_334 = tpu.memref_slice %arg6[%mul3A_324, %dma_wait3A_333] : memref<10240x16xf32, #tpu.memory_space<hbm>> -> memref<640x16xf32, #tpu.memory_space<hbm>>
        tpu.wait_dma2 semaphore(%run_scoped3A : memref<!tpu.dma_semaphore, #tpu.memory_space<semaphore_mem>>) src(%arg15 : memref<640x16xf32, #tpu.memory_space<vmem>>) dst(%dma_wait3A_334 : memref<640x16xf32, #tpu.memory_space<hbm>>)
        tpu.yield
      }) : () -> ()
      %mul3A_325 = arith.constant 640 : i32
      %mul3A_326 = arith.muli %arg1, %mul3A_325 : i32
      "tpu.region"() ({
        %run_scoped3A = tpu.sem_alloc : memref<!tpu.dma_semaphore, #tpu.memory_space<semaphore_mem>>
        %dma_start3A_327 = tpu.memref_slice %arg7[%mul3A_326] : memref<10240xf32, #tpu.memory_space<hbm>> -> memref<640xf32, #tpu.memory_space<hbm>>
        %dma_start3A_328 = tpu.memref_slice %arg7[%mul3A_326] : memref<10240xf32, #tpu.memory_space<hbm>> -> memref<640xf32, #tpu.memory_space<hbm>>
        tpu.enqueue_dma source(%arg16 : memref<640xf32, #tpu.memory_space<vmem>>) target(%dma_start3A_328 : memref<640xf32, #tpu.memory_space<hbm>>) target_semaphore(%run_scoped3A : memref<!tpu.dma_semaphore, #tpu.memory_space<semaphore_mem>>)
        %dma_wait3A_329 = tpu.memref_slice %arg7[%mul3A_326] : memref<10240xf32, #tpu.memory_space<hbm>> -> memref<640xf32, #tpu.memory_space<hbm>>
        %dma_wait3A_330 = tpu.memref_slice %arg7[%mul3A_326] : memref<10240xf32, #tpu.memory_space<hbm>> -> memref<640xf32, #tpu.memory_space<hbm>>
        tpu.wait_dma2 semaphore(%run_scoped3A : memref<!tpu.dma_semaphore, #tpu.memory_space<semaphore_mem>>) src(%arg16 : memref<640xf32, #tpu.memory_space<vmem>>) dst(%dma_wait3A_330 : memref<640xf32, #tpu.memory_space<hbm>>)
        tpu.yield
      }) : () -> ()
    } else {
    }
    %barrier3A_167 = arith.constant 0 : index
    tpu.barrier barrier_id(%barrier3A_167)
    %dma_start3A_168 = arith.constant 0 : i32
    %dma_start3A_169 = arith.constant 0 : i32
    %dma_start3A_170 = tpu.memref_slice %arg14[%dma_start3A_168, %dma_start3A_169] : memref<80x128xi32, #tpu.memory_space<vmem>> -> memref<1x128xi32, #tpu.memory_space<vmem>>
    %dma_start3A_171 = tpu.memref_squeeze %dma_start3A_170 : memref<1x128xi32, #tpu.memory_space<vmem>> -> memref<128xi32, #tpu.memory_space<vmem>>
    %dma_start3A_172 = arith.constant 0 : i32
    %dma_start3A_173 = arith.constant 0 : i32
    %dma_start3A_174 = tpu.memref_slice %arg13[%dma_start3A_172, %dma_start3A_173] : memref<10240x16xf32, #tpu.memory_space<vmem_shared>> -> memref<10240x16xf32, #tpu.memory_space<vmem_shared>>
    tpu.enqueue_indirect_dma source(%dma_start3A_174 : memref<10240x16xf32, #tpu.memory_space<vmem_shared>>) target(%arg17 : memref<128x16xf32, #tpu.memory_space<vmem>>) offsets(%dma_start3A_171 : memref<128xi32, #tpu.memory_space<vmem>>) semaphore(%arg25 : memref<!tpu.dma_semaphore, #tpu.memory_space<semaphore_mem>>)
    %dma_start3A_175 = arith.constant 1 : i32
    %dma_start3A_176 = arith.constant 0 : i32
    %dma_start3A_177 = tpu.memref_slice %arg14[%dma_start3A_175, %dma_start3A_176] : memref<80x128xi32, #tpu.memory_space<vmem>> -> memref<1x128xi32, #tpu.memory_space<vmem>>
    %dma_start3A_178 = tpu.memref_squeeze %dma_start3A_177 : memref<1x128xi32, #tpu.memory_space<vmem>> -> memref<128xi32, #tpu.memory_space<vmem>>
    %dma_start3A_179 = arith.constant 0 : i32
    %dma_start3A_180 = arith.constant 0 : i32
    %dma_start3A_181 = tpu.memref_slice %arg13[%dma_start3A_179, %dma_start3A_180] : memref<10240x16xf32, #tpu.memory_space<vmem_shared>> -> memref<10240x16xf32, #tpu.memory_space<vmem_shared>>
    tpu.enqueue_indirect_dma source(%dma_start3A_181 : memref<10240x16xf32, #tpu.memory_space<vmem_shared>>) target(%arg18 : memref<128x16xf32, #tpu.memory_space<vmem>>) offsets(%dma_start3A_178 : memref<128xi32, #tpu.memory_space<vmem>>) semaphore(%arg26 : memref<!tpu.dma_semaphore, #tpu.memory_space<semaphore_mem>>)
    %dma_start3A_182 = arith.constant 2 : i32
    %dma_start3A_183 = arith.constant 0 : i32
    %dma_start3A_184 = tpu.memref_slice %arg14[%dma_start3A_182, %dma_start3A_183] : memref<80x128xi32, #tpu.memory_space<vmem>> -> memref<1x128xi32, #tpu.memory_space<vmem>>
    %dma_start3A_185 = tpu.memref_squeeze %dma_start3A_184 : memref<1x128xi32, #tpu.memory_space<vmem>> -> memref<128xi32, #tpu.memory_space<vmem>>
    %dma_start3A_186 = arith.constant 0 : i32
    %dma_start3A_187 = arith.constant 0 : i32
    %dma_start3A_188 = tpu.memref_slice %arg13[%dma_start3A_186, %dma_start3A_187] : memref<10240x16xf32, #tpu.memory_space<vmem_shared>> -> memref<10240x16xf32, #tpu.memory_space<vmem_shared>>
    tpu.enqueue_indirect_dma source(%dma_start3A_188 : memref<10240x16xf32, #tpu.memory_space<vmem_shared>>) target(%arg19 : memref<128x16xf32, #tpu.memory_space<vmem>>) offsets(%dma_start3A_185 : memref<128xi32, #tpu.memory_space<vmem>>) semaphore(%arg27 : memref<!tpu.dma_semaphore, #tpu.memory_space<semaphore_mem>>)
    %dma_start3A_189 = arith.constant 3 : i32
    %dma_start3A_190 = arith.constant 0 : i32
    %dma_start3A_191 = tpu.memref_slice %arg14[%dma_start3A_189, %dma_start3A_190] : memref<80x128xi32, #tpu.memory_space<vmem>> -> memref<1x128xi32, #tpu.memory_space<vmem>>
    %dma_start3A_192 = tpu.memref_squeeze %dma_start3A_191 : memref<1x128xi32, #tpu.memory_space<vmem>> -> memref<128xi32, #tpu.memory_space<vmem>>
    %dma_start3A_193 = arith.constant 0 : i32
    %dma_start3A_194 = arith.constant 0 : i32
    %dma_start3A_195 = tpu.memref_slice %arg13[%dma_start3A_193, %dma_start3A_194] : memref<10240x16xf32, #tpu.memory_space<vmem_shared>> -> memref<10240x16xf32, #tpu.memory_space<vmem_shared>>
    tpu.enqueue_indirect_dma source(%dma_start3A_195 : memref<10240x16xf32, #tpu.memory_space<vmem_shared>>) target(%arg20 : memref<128x16xf32, #tpu.memory_space<vmem>>) offsets(%dma_start3A_192 : memref<128xi32, #tpu.memory_space<vmem>>) semaphore(%arg28 : memref<!tpu.dma_semaphore, #tpu.memory_space<semaphore_mem>>)
    %dma_start3A_196 = arith.constant 4 : i32
    %dma_start3A_197 = arith.constant 0 : i32
    %dma_start3A_198 = tpu.memref_slice %arg14[%dma_start3A_196, %dma_start3A_197] : memref<80x128xi32, #tpu.memory_space<vmem>> -> memref<1x128xi32, #tpu.memory_space<vmem>>
    %dma_start3A_199 = tpu.memref_squeeze %dma_start3A_198 : memref<1x128xi32, #tpu.memory_space<vmem>> -> memref<128xi32, #tpu.memory_space<vmem>>
    %dma_start3A_200 = arith.constant 0 : i32
    %dma_start3A_201 = arith.constant 0 : i32
    %dma_start3A_202 = tpu.memref_slice %arg13[%dma_start3A_200, %dma_start3A_201] : memref<10240x16xf32, #tpu.memory_space<vmem_shared>> -> memref<10240x16xf32, #tpu.memory_space<vmem_shared>>
    tpu.enqueue_indirect_dma source(%dma_start3A_202 : memref<10240x16xf32, #tpu.memory_space<vmem_shared>>) target(%arg21 : memref<128x16xf32, #tpu.memory_space<vmem>>) offsets(%dma_start3A_199 : memref<128xi32, #tpu.memory_space<vmem>>) semaphore(%arg29 : memref<!tpu.dma_semaphore, #tpu.memory_space<semaphore_mem>>)
    %dma_start3A_203 = arith.constant 5 : i32
    %dma_start3A_204 = arith.constant 0 : i32
    %dma_start3A_205 = tpu.memref_slice %arg14[%dma_start3A_203, %dma_start3A_204] : memref<80x128xi32, #tpu.memory_space<vmem>> -> memref<1x128xi32, #tpu.memory_space<vmem>>
    %dma_start3A_206 = tpu.memref_squeeze %dma_start3A_205 : memref<1x128xi32, #tpu.memory_space<vmem>> -> memref<128xi32, #tpu.memory_space<vmem>>
    %dma_start3A_207 = arith.constant 0 : i32
    %dma_start3A_208 = arith.constant 0 : i32
    %dma_start3A_209 = tpu.memref_slice %arg13[%dma_start3A_207, %dma_start3A_208] : memref<10240x16xf32, #tpu.memory_space<vmem_shared>> -> memref<10240x16xf32, #tpu.memory_space<vmem_shared>>
    tpu.enqueue_indirect_dma source(%dma_start3A_209 : memref<10240x16xf32, #tpu.memory_space<vmem_shared>>) target(%arg22 : memref<128x16xf32, #tpu.memory_space<vmem>>) offsets(%dma_start3A_206 : memref<128xi32, #tpu.memory_space<vmem>>) semaphore(%arg30 : memref<!tpu.dma_semaphore, #tpu.memory_space<semaphore_mem>>)
    %dma_start3A_210 = arith.constant 6 : i32
    %dma_start3A_211 = arith.constant 0 : i32
    %dma_start3A_212 = tpu.memref_slice %arg14[%dma_start3A_210, %dma_start3A_211] : memref<80x128xi32, #tpu.memory_space<vmem>> -> memref<1x128xi32, #tpu.memory_space<vmem>>
    %dma_start3A_213 = tpu.memref_squeeze %dma_start3A_212 : memref<1x128xi32, #tpu.memory_space<vmem>> -> memref<128xi32, #tpu.memory_space<vmem>>
    %dma_start3A_214 = arith.constant 0 : i32
    %dma_start3A_215 = arith.constant 0 : i32
    %dma_start3A_216 = tpu.memref_slice %arg13[%dma_start3A_214, %dma_start3A_215] : memref<10240x16xf32, #tpu.memory_space<vmem_shared>> -> memref<10240x16xf32, #tpu.memory_space<vmem_shared>>
    tpu.enqueue_indirect_dma source(%dma_start3A_216 : memref<10240x16xf32, #tpu.memory_space<vmem_shared>>) target(%arg23 : memref<128x16xf32, #tpu.memory_space<vmem>>) offsets(%dma_start3A_213 : memref<128xi32, #tpu.memory_space<vmem>>) semaphore(%arg31 : memref<!tpu.dma_semaphore, #tpu.memory_space<semaphore_mem>>)
    %dma_start3A_217 = arith.constant 7 : i32
    %dma_start3A_218 = arith.constant 0 : i32
    %dma_start3A_219 = tpu.memref_slice %arg14[%dma_start3A_217, %dma_start3A_218] : memref<80x128xi32, #tpu.memory_space<vmem>> -> memref<1x128xi32, #tpu.memory_space<vmem>>
    %dma_start3A_220 = tpu.memref_squeeze %dma_start3A_219 : memref<1x128xi32, #tpu.memory_space<vmem>> -> memref<128xi32, #tpu.memory_space<vmem>>
    %dma_start3A_221 = arith.constant 0 : i32
    %dma_start3A_222 = arith.constant 0 : i32
    %dma_start3A_223 = tpu.memref_slice %arg13[%dma_start3A_221, %dma_start3A_222] : memref<10240x16xf32, #tpu.memory_space<vmem_shared>> -> memref<10240x16xf32, #tpu.memory_space<vmem_shared>>
    tpu.enqueue_indirect_dma source(%dma_start3A_223 : memref<10240x16xf32, #tpu.memory_space<vmem_shared>>) target(%arg24 : memref<128x16xf32, #tpu.memory_space<vmem>>) offsets(%dma_start3A_220 : memref<128xi32, #tpu.memory_space<vmem>>) semaphore(%arg32 : memref<!tpu.dma_semaphore, #tpu.memory_space<semaphore_mem>>)
    %scan3A_224 = arith.constant 0 : i32
    %scan3A_225 = arith.constant 0 : i32
    %scan3A_226 = arith.constant 10 : i32
    %scan3A_227 = arith.addi %scan3A_225, %scan3A_226 : i32
    %scan3A_228 = arith.constant 1 : i32
    scf.for %scan3A_323 = %scan3A_225 to %scan3A_227 step %scan3A_228  : i32 {
      %mul3A_324 = arith.constant 8 : i32
      %mul3A_325 = arith.muli %mul3A_324, %scan3A_323 : i32
      %add3A_326 = arith.constant 0 : i32
      %add3A_327 = arith.addi %mul3A_325, %add3A_326 : i32
      %dma_wait3A_328 = arith.constant 0 : i32
      %dma_wait3A_329 = arith.constant 0 : i32
      %dma_wait3A_330 = tpu.memref_slice %arg14[%dma_wait3A_328, %dma_wait3A_329] : memref<80x128xi32, #tpu.memory_space<vmem>> -> memref<1x128xi32, #tpu.memory_space<vmem>>
      %dma_wait3A_331 = tpu.memref_squeeze %dma_wait3A_330 : memref<1x128xi32, #tpu.memory_space<vmem>> -> memref<128xi32, #tpu.memory_space<vmem>>
      %dma_wait3A_332 = arith.constant 0 : i32
      %dma_wait3A_333 = arith.constant 0 : i32
      %dma_wait3A_334 = tpu.memref_slice %arg13[%dma_wait3A_332, %dma_wait3A_333] : memref<10240x16xf32, #tpu.memory_space<vmem_shared>> -> memref<10240x16xf32, #tpu.memory_space<vmem_shared>>
      tpu.wait_indirect_dma semaphore(%arg25 : memref<!tpu.dma_semaphore, #tpu.memory_space<semaphore_mem>>) src(%dma_wait3A_334 : memref<10240x16xf32, #tpu.memory_space<vmem_shared>>) dst(%arg17 : memref<128x16xf32, #tpu.memory_space<vmem>>)
      %dma_start3A_335 = arith.constant 0 : i32
      %dma_start3A_336 = arith.constant 0 : i32
      %dma_start3A_337 = tpu.memref_slice %arg9[%arg0, %dma_start3A_335, %dma_start3A_336] : memref<2x80x128xi32, #tpu.memory_space<vmem>> -> memref<1x80x128xi32, #tpu.memory_space<vmem>>
      %dma_start3A_338 = tpu.memref_squeeze %dma_start3A_337 : memref<1x80x128xi32, #tpu.memory_space<vmem>> -> memref<80x128xi32, #tpu.memory_space<vmem>>
      %dma_start3A_339 = arith.constant 0 : i32
      %dma_start3A_340 = tpu.memref_slice %dma_start3A_338[%add3A_327, %dma_start3A_339] : memref<80x128xi32, #tpu.memory_space<vmem>> -> memref<1x128xi32, #tpu.memory_space<vmem>>
      %dma_start3A_341 = tpu.memref_squeeze %dma_start3A_340 : memref<1x128xi32, #tpu.memory_space<vmem>> -> memref<128xi32, #tpu.memory_space<vmem>>
      %dma_start3A_342 = arith.constant 0 : i32
      %dma_start3A_343 = arith.constant 0 : i32
      %dma_start3A_344 = tpu.memref_slice %arg12[%dma_start3A_342, %dma_start3A_343] : memref<10240x16xf32, #tpu.memory_space<vmem_shared>> -> memref<10240x16xf32, #tpu.memory_space<vmem_shared>>
      tpu.enqueue_indirect_dma source(%arg17 : memref<128x16xf32, #tpu.memory_space<vmem>>) target(%dma_start3A_344 : memref<10240x16xf32, #tpu.memory_space<vmem_shared>>) offsets(%dma_start3A_341 : memref<128xi32, #tpu.memory_space<vmem>>) semaphore(%arg33 : memref<!tpu.dma_semaphore, #tpu.memory_space<semaphore_mem>>) {add = true}
      %mul3A_345 = arith.constant 8 : i32
      %mul3A_346 = arith.muli %mul3A_345, %scan3A_323 : i32
      %add3A_347 = arith.constant 1 : i32
      %add3A_348 = arith.addi %mul3A_346, %add3A_347 : i32
      %dma_wait3A_349 = arith.constant 0 : i32
      %dma_wait3A_350 = arith.constant 0 : i32
      %dma_wait3A_351 = tpu.memref_slice %arg14[%dma_wait3A_349, %dma_wait3A_350] : memref<80x128xi32, #tpu.memory_space<vmem>> -> memref<1x128xi32, #tpu.memory_space<vmem>>
      %dma_wait3A_352 = tpu.memref_squeeze %dma_wait3A_351 : memref<1x128xi32, #tpu.memory_space<vmem>> -> memref<128xi32, #tpu.memory_space<vmem>>
      %dma_wait3A_353 = arith.constant 0 : i32
      %dma_wait3A_354 = arith.constant 0 : i32
      %dma_wait3A_355 = tpu.memref_slice %arg13[%dma_wait3A_353, %dma_wait3A_354] : memref<10240x16xf32, #tpu.memory_space<vmem_shared>> -> memref<10240x16xf32, #tpu.memory_space<vmem_shared>>
      tpu.wait_indirect_dma semaphore(%arg26 : memref<!tpu.dma_semaphore, #tpu.memory_space<semaphore_mem>>) src(%dma_wait3A_355 : memref<10240x16xf32, #tpu.memory_space<vmem_shared>>) dst(%arg18 : memref<128x16xf32, #tpu.memory_space<vmem>>)
      %dma_start3A_356 = arith.constant 0 : i32
      %dma_start3A_357 = arith.constant 0 : i32
      %dma_start3A_358 = tpu.memref_slice %arg9[%arg0, %dma_start3A_356, %dma_start3A_357] : memref<2x80x128xi32, #tpu.memory_space<vmem>> -> memref<1x80x128xi32, #tpu.memory_space<vmem>>
      %dma_start3A_359 = tpu.memref_squeeze %dma_start3A_358 : memref<1x80x128xi32, #tpu.memory_space<vmem>> -> memref<80x128xi32, #tpu.memory_space<vmem>>
      %dma_start3A_360 = arith.constant 0 : i32
      %dma_start3A_361 = tpu.memref_slice %dma_start3A_359[%add3A_348, %dma_start3A_360] : memref<80x128xi32, #tpu.memory_space<vmem>> -> memref<1x128xi32, #tpu.memory_space<vmem>>
      %dma_start3A_362 = tpu.memref_squeeze %dma_start3A_361 : memref<1x128xi32, #tpu.memory_space<vmem>> -> memref<128xi32, #tpu.memory_space<vmem>>
      %dma_start3A_363 = arith.constant 0 : i32
      %dma_start3A_364 = arith.constant 0 : i32
      %dma_start3A_365 = tpu.memref_slice %arg12[%dma_start3A_363, %dma_start3A_364] : memref<10240x16xf32, #tpu.memory_space<vmem_shared>> -> memref<10240x16xf32, #tpu.memory_space<vmem_shared>>
      tpu.enqueue_indirect_dma source(%arg18 : memref<128x16xf32, #tpu.memory_space<vmem>>) target(%dma_start3A_365 : memref<10240x16xf32, #tpu.memory_space<vmem_shared>>) offsets(%dma_start3A_362 : memref<128xi32, #tpu.memory_space<vmem>>) semaphore(%arg34 : memref<!tpu.dma_semaphore, #tpu.memory_space<semaphore_mem>>) {add = true}
      %mul3A_366 = arith.constant 8 : i32
      %mul3A_367 = arith.muli %mul3A_366, %scan3A_323 : i32
      %add3A_368 = arith.constant 2 : i32
      %add3A_369 = arith.addi %mul3A_367, %add3A_368 : i32
      %dma_wait3A_370 = arith.constant 0 : i32
      %dma_wait3A_371 = arith.constant 0 : i32
      %dma_wait3A_372 = tpu.memref_slice %arg14[%dma_wait3A_370, %dma_wait3A_371] : memref<80x128xi32, #tpu.memory_space<vmem>> -> memref<1x128xi32, #tpu.memory_space<vmem>>
      %dma_wait3A_373 = tpu.memref_squeeze %dma_wait3A_372 : memref<1x128xi32, #tpu.memory_space<vmem>> -> memref<128xi32, #tpu.memory_space<vmem>>
      %dma_wait3A_374 = arith.constant 0 : i32
      %dma_wait3A_375 = arith.constant 0 : i32
      %dma_wait3A_376 = tpu.memref_slice %arg13[%dma_wait3A_374, %dma_wait3A_375] : memref<10240x16xf32, #tpu.memory_space<vmem_shared>> -> memref<10240x16xf32, #tpu.memory_space<vmem_shared>>
      tpu.wait_indirect_dma semaphore(%arg27 : memref<!tpu.dma_semaphore, #tpu.memory_space<semaphore_mem>>) src(%dma_wait3A_376 : memref<10240x16xf32, #tpu.memory_space<vmem_shared>>) dst(%arg19 : memref<128x16xf32, #tpu.memory_space<vmem>>)
      %dma_start3A_377 = arith.constant 0 : i32
      %dma_start3A_378 = arith.constant 0 : i32
      %dma_start3A_379 = tpu.memref_slice %arg9[%arg0, %dma_start3A_377, %dma_start3A_378] : memref<2x80x128xi32, #tpu.memory_space<vmem>> -> memref<1x80x128xi32, #tpu.memory_space<vmem>>
      %dma_start3A_380 = tpu.memref_squeeze %dma_start3A_379 : memref<1x80x128xi32, #tpu.memory_space<vmem>> -> memref<80x128xi32, #tpu.memory_space<vmem>>
      %dma_start3A_381 = arith.constant 0 : i32
      %dma_start3A_382 = tpu.memref_slice %dma_start3A_380[%add3A_369, %dma_start3A_381] : memref<80x128xi32, #tpu.memory_space<vmem>> -> memref<1x128xi32, #tpu.memory_space<vmem>>
      %dma_start3A_383 = tpu.memref_squeeze %dma_start3A_382 : memref<1x128xi32, #tpu.memory_space<vmem>> -> memref<128xi32, #tpu.memory_space<vmem>>
      %dma_start3A_384 = arith.constant 0 : i32
      %dma_start3A_385 = arith.constant 0 : i32
      %dma_start3A_386 = tpu.memref_slice %arg12[%dma_start3A_384, %dma_start3A_385] : memref<10240x16xf32, #tpu.memory_space<vmem_shared>> -> memref<10240x16xf32, #tpu.memory_space<vmem_shared>>
      tpu.enqueue_indirect_dma source(%arg19 : memref<128x16xf32, #tpu.memory_space<vmem>>) target(%dma_start3A_386 : memref<10240x16xf32, #tpu.memory_space<vmem_shared>>) offsets(%dma_start3A_383 : memref<128xi32, #tpu.memory_space<vmem>>) semaphore(%arg35 : memref<!tpu.dma_semaphore, #tpu.memory_space<semaphore_mem>>) {add = true}
      %mul3A_387 = arith.constant 8 : i32
      %mul3A_388 = arith.muli %mul3A_387, %scan3A_323 : i32
      %add3A_389 = arith.constant 3 : i32
      %add3A_390 = arith.addi %mul3A_388, %add3A_389 : i32
      %dma_wait3A_391 = arith.constant 0 : i32
      %dma_wait3A_392 = arith.constant 0 : i32
      %dma_wait3A_393 = tpu.memref_slice %arg14[%dma_wait3A_391, %dma_wait3A_392] : memref<80x128xi32, #tpu.memory_space<vmem>> -> memref<1x128xi32, #tpu.memory_space<vmem>>
      %dma_wait3A_394 = tpu.memref_squeeze %dma_wait3A_393 : memref<1x128xi32, #tpu.memory_space<vmem>> -> memref<128xi32, #tpu.memory_space<vmem>>
      %dma_wait3A_395 = arith.constant 0 : i32
      %dma_wait3A_396 = arith.constant 0 : i32
      %dma_wait3A_397 = tpu.memref_slice %arg13[%dma_wait3A_395, %dma_wait3A_396] : memref<10240x16xf32, #tpu.memory_space<vmem_shared>> -> memref<10240x16xf32, #tpu.memory_space<vmem_shared>>
      tpu.wait_indirect_dma semaphore(%arg28 : memref<!tpu.dma_semaphore, #tpu.memory_space<semaphore_mem>>) src(%dma_wait3A_397 : memref<10240x16xf32, #tpu.memory_space<vmem_shared>>) dst(%arg20 : memref<128x16xf32, #tpu.memory_space<vmem>>)
      %dma_start3A_398 = arith.constant 0 : i32
      %dma_start3A_399 = arith.constant 0 : i32
      %dma_start3A_400 = tpu.memref_slice %arg9[%arg0, %dma_start3A_398, %dma_start3A_399] : memref<2x80x128xi32, #tpu.memory_space<vmem>> -> memref<1x80x128xi32, #tpu.memory_space<vmem>>
      %dma_start3A_401 = tpu.memref_squeeze %dma_start3A_400 : memref<1x80x128xi32, #tpu.memory_space<vmem>> -> memref<80x128xi32, #tpu.memory_space<vmem>>
      %dma_start3A_402 = arith.constant 0 : i32
      %dma_start3A_403 = tpu.memref_slice %dma_start3A_401[%add3A_390, %dma_start3A_402] : memref<80x128xi32, #tpu.memory_space<vmem>> -> memref<1x128xi32, #tpu.memory_space<vmem>>
      %dma_start3A_404 = tpu.memref_squeeze %dma_start3A_403 : memref<1x128xi32, #tpu.memory_space<vmem>> -> memref<128xi32, #tpu.memory_space<vmem>>
      %dma_start3A_405 = arith.constant 0 : i32
      %dma_start3A_406 = arith.constant 0 : i32
      %dma_start3A_407 = tpu.memref_slice %arg12[%dma_start3A_405, %dma_start3A_406] : memref<10240x16xf32, #tpu.memory_space<vmem_shared>> -> memref<10240x16xf32, #tpu.memory_space<vmem_shared>>
      tpu.enqueue_indirect_dma source(%arg20 : memref<128x16xf32, #tpu.memory_space<vmem>>) target(%dma_start3A_407 : memref<10240x16xf32, #tpu.memory_space<vmem_shared>>) offsets(%dma_start3A_404 : memref<128xi32, #tpu.memory_space<vmem>>) semaphore(%arg36 : memref<!tpu.dma_semaphore, #tpu.memory_space<semaphore_mem>>) {add = true}
      %mul3A_408 = arith.constant 8 : i32
      %mul3A_409 = arith.muli %mul3A_408, %scan3A_323 : i32
      %add3A_410 = arith.constant 4 : i32
      %add3A_411 = arith.addi %mul3A_409, %add3A_410 : i32
      %dma_wait3A_412 = arith.constant 0 : i32
      %dma_wait3A_413 = arith.constant 0 : i32
      %dma_wait3A_414 = tpu.memref_slice %arg14[%dma_wait3A_412, %dma_wait3A_413] : memref<80x128xi32, #tpu.memory_space<vmem>> -> memref<1x128xi32, #tpu.memory_space<vmem>>
      %dma_wait3A_415 = tpu.memref_squeeze %dma_wait3A_414 : memref<1x128xi32, #tpu.memory_space<vmem>> -> memref<128xi32, #tpu.memory_space<vmem>>
      %dma_wait3A_416 = arith.constant 0 : i32
      %dma_wait3A_417 = arith.constant 0 : i32
      %dma_wait3A_418 = tpu.memref_slice %arg13[%dma_wait3A_416, %dma_wait3A_417] : memref<10240x16xf32, #tpu.memory_space<vmem_shared>> -> memref<10240x16xf32, #tpu.memory_space<vmem_shared>>
      tpu.wait_indirect_dma semaphore(%arg29 : memref<!tpu.dma_semaphore, #tpu.memory_space<semaphore_mem>>) src(%dma_wait3A_418 : memref<10240x16xf32, #tpu.memory_space<vmem_shared>>) dst(%arg21 : memref<128x16xf32, #tpu.memory_space<vmem>>)
      %dma_start3A_419 = arith.constant 0 : i32
      %dma_start3A_420 = arith.constant 0 : i32
      %dma_start3A_421 = tpu.memref_slice %arg9[%arg0, %dma_start3A_419, %dma_start3A_420] : memref<2x80x128xi32, #tpu.memory_space<vmem>> -> memref<1x80x128xi32, #tpu.memory_space<vmem>>
      %dma_start3A_422 = tpu.memref_squeeze %dma_start3A_421 : memref<1x80x128xi32, #tpu.memory_space<vmem>> -> memref<80x128xi32, #tpu.memory_space<vmem>>
      %dma_start3A_423 = arith.constant 0 : i32
      %dma_start3A_424 = tpu.memref_slice %dma_start3A_422[%add3A_411, %dma_start3A_423] : memref<80x128xi32, #tpu.memory_space<vmem>> -> memref<1x128xi32, #tpu.memory_space<vmem>>
      %dma_start3A_425 = tpu.memref_squeeze %dma_start3A_424 : memref<1x128xi32, #tpu.memory_space<vmem>> -> memref<128xi32, #tpu.memory_space<vmem>>
      %dma_start3A_426 = arith.constant 0 : i32
      %dma_start3A_427 = arith.constant 0 : i32
      %dma_start3A_428 = tpu.memref_slice %arg12[%dma_start3A_426, %dma_start3A_427] : memref<10240x16xf32, #tpu.memory_space<vmem_shared>> -> memref<10240x16xf32, #tpu.memory_space<vmem_shared>>
      tpu.enqueue_indirect_dma source(%arg21 : memref<128x16xf32, #tpu.memory_space<vmem>>) target(%dma_start3A_428 : memref<10240x16xf32, #tpu.memory_space<vmem_shared>>) offsets(%dma_start3A_425 : memref<128xi32, #tpu.memory_space<vmem>>) semaphore(%arg37 : memref<!tpu.dma_semaphore, #tpu.memory_space<semaphore_mem>>) {add = true}
      %mul3A_429 = arith.constant 8 : i32
      %mul3A_430 = arith.muli %mul3A_429, %scan3A_323 : i32
      %add3A_431 = arith.constant 5 : i32
      %add3A_432 = arith.addi %mul3A_430, %add3A_431 : i32
      %dma_wait3A_433 = arith.constant 0 : i32
      %dma_wait3A_434 = arith.constant 0 : i32
      %dma_wait3A_435 = tpu.memref_slice %arg14[%dma_wait3A_433, %dma_wait3A_434] : memref<80x128xi32, #tpu.memory_space<vmem>> -> memref<1x128xi32, #tpu.memory_space<vmem>>
      %dma_wait3A_436 = tpu.memref_squeeze %dma_wait3A_435 : memref<1x128xi32, #tpu.memory_space<vmem>> -> memref<128xi32, #tpu.memory_space<vmem>>
      %dma_wait3A_437 = arith.constant 0 : i32
      %dma_wait3A_438 = arith.constant 0 : i32
      %dma_wait3A_439 = tpu.memref_slice %arg13[%dma_wait3A_437, %dma_wait3A_438] : memref<10240x16xf32, #tpu.memory_space<vmem_shared>> -> memref<10240x16xf32, #tpu.memory_space<vmem_shared>>
      tpu.wait_indirect_dma semaphore(%arg30 : memref<!tpu.dma_semaphore, #tpu.memory_space<semaphore_mem>>) src(%dma_wait3A_439 : memref<10240x16xf32, #tpu.memory_space<vmem_shared>>) dst(%arg22 : memref<128x16xf32, #tpu.memory_space<vmem>>)
      %dma_start3A_440 = arith.constant 0 : i32
      %dma_start3A_441 = arith.constant 0 : i32
      %dma_start3A_442 = tpu.memref_slice %arg9[%arg0, %dma_start3A_440, %dma_start3A_441] : memref<2x80x128xi32, #tpu.memory_space<vmem>> -> memref<1x80x128xi32, #tpu.memory_space<vmem>>
      %dma_start3A_443 = tpu.memref_squeeze %dma_start3A_442 : memref<1x80x128xi32, #tpu.memory_space<vmem>> -> memref<80x128xi32, #tpu.memory_space<vmem>>
      %dma_start3A_444 = arith.constant 0 : i32
      %dma_start3A_445 = tpu.memref_slice %dma_start3A_443[%add3A_432, %dma_start3A_444] : memref<80x128xi32, #tpu.memory_space<vmem>> -> memref<1x128xi32, #tpu.memory_space<vmem>>
      %dma_start3A_446 = tpu.memref_squeeze %dma_start3A_445 : memref<1x128xi32, #tpu.memory_space<vmem>> -> memref<128xi32, #tpu.memory_space<vmem>>
      %dma_start3A_447 = arith.constant 0 : i32
      %dma_start3A_448 = arith.constant 0 : i32
      %dma_start3A_449 = tpu.memref_slice %arg12[%dma_start3A_447, %dma_start3A_448] : memref<10240x16xf32, #tpu.memory_space<vmem_shared>> -> memref<10240x16xf32, #tpu.memory_space<vmem_shared>>
      tpu.enqueue_indirect_dma source(%arg22 : memref<128x16xf32, #tpu.memory_space<vmem>>) target(%dma_start3A_449 : memref<10240x16xf32, #tpu.memory_space<vmem_shared>>) offsets(%dma_start3A_446 : memref<128xi32, #tpu.memory_space<vmem>>) semaphore(%arg38 : memref<!tpu.dma_semaphore, #tpu.memory_space<semaphore_mem>>) {add = true}
      %mul3A_450 = arith.constant 8 : i32
      %mul3A_451 = arith.muli %mul3A_450, %scan3A_323 : i32
      %add3A_452 = arith.constant 6 : i32
      %add3A_453 = arith.addi %mul3A_451, %add3A_452 : i32
      %dma_wait3A_454 = arith.constant 0 : i32
      %dma_wait3A_455 = arith.constant 0 : i32
      %dma_wait3A_456 = tpu.memref_slice %arg14[%dma_wait3A_454, %dma_wait3A_455] : memref<80x128xi32, #tpu.memory_space<vmem>> -> memref<1x128xi32, #tpu.memory_space<vmem>>
      %dma_wait3A_457 = tpu.memref_squeeze %dma_wait3A_456 : memref<1x128xi32, #tpu.memory_space<vmem>> -> memref<128xi32, #tpu.memory_space<vmem>>
      %dma_wait3A_458 = arith.constant 0 : i32
      %dma_wait3A_459 = arith.constant 0 : i32
      %dma_wait3A_460 = tpu.memref_slice %arg13[%dma_wait3A_458, %dma_wait3A_459] : memref<10240x16xf32, #tpu.memory_space<vmem_shared>> -> memref<10240x16xf32, #tpu.memory_space<vmem_shared>>
      tpu.wait_indirect_dma semaphore(%arg31 : memref<!tpu.dma_semaphore, #tpu.memory_space<semaphore_mem>>) src(%dma_wait3A_460 : memref<10240x16xf32, #tpu.memory_space<vmem_shared>>) dst(%arg23 : memref<128x16xf32, #tpu.memory_space<vmem>>)
      %dma_start3A_461 = arith.constant 0 : i32
      %dma_start3A_462 = arith.constant 0 : i32
      %dma_start3A_463 = tpu.memref_slice %arg9[%arg0, %dma_start3A_461, %dma_start3A_462] : memref<2x80x128xi32, #tpu.memory_space<vmem>> -> memref<1x80x128xi32, #tpu.memory_space<vmem>>
      %dma_start3A_464 = tpu.memref_squeeze %dma_start3A_463 : memref<1x80x128xi32, #tpu.memory_space<vmem>> -> memref<80x128xi32, #tpu.memory_space<vmem>>
      %dma_start3A_465 = arith.constant 0 : i32
      %dma_start3A_466 = tpu.memref_slice %dma_start3A_464[%add3A_453, %dma_start3A_465] : memref<80x128xi32, #tpu.memory_space<vmem>> -> memref<1x128xi32, #tpu.memory_space<vmem>>
      %dma_start3A_467 = tpu.memref_squeeze %dma_start3A_466 : memref<1x128xi32, #tpu.memory_space<vmem>> -> memref<128xi32, #tpu.memory_space<vmem>>
      %dma_start3A_468 = arith.constant 0 : i32
      %dma_start3A_469 = arith.constant 0 : i32
      %dma_start3A_470 = tpu.memref_slice %arg12[%dma_start3A_468, %dma_start3A_469] : memref<10240x16xf32, #tpu.memory_space<vmem_shared>> -> memref<10240x16xf32, #tpu.memory_space<vmem_shared>>
      tpu.enqueue_indirect_dma source(%arg23 : memref<128x16xf32, #tpu.memory_space<vmem>>) target(%dma_start3A_470 : memref<10240x16xf32, #tpu.memory_space<vmem_shared>>) offsets(%dma_start3A_467 : memref<128xi32, #tpu.memory_space<vmem>>) semaphore(%arg39 : memref<!tpu.dma_semaphore, #tpu.memory_space<semaphore_mem>>) {add = true}
      %mul3A_471 = arith.constant 8 : i32
      %mul3A_472 = arith.muli %mul3A_471, %scan3A_323 : i32
      %add3A_473 = arith.constant 7 : i32
      %add3A_474 = arith.addi %mul3A_472, %add3A_473 : i32
      %dma_wait3A_475 = arith.constant 0 : i32
      %dma_wait3A_476 = arith.constant 0 : i32
      %dma_wait3A_477 = tpu.memref_slice %arg14[%dma_wait3A_475, %dma_wait3A_476] : memref<80x128xi32, #tpu.memory_space<vmem>> -> memref<1x128xi32, #tpu.memory_space<vmem>>
      %dma_wait3A_478 = tpu.memref_squeeze %dma_wait3A_477 : memref<1x128xi32, #tpu.memory_space<vmem>> -> memref<128xi32, #tpu.memory_space<vmem>>
      %dma_wait3A_479 = arith.constant 0 : i32
      %dma_wait3A_480 = arith.constant 0 : i32
      %dma_wait3A_481 = tpu.memref_slice %arg13[%dma_wait3A_479, %dma_wait3A_480] : memref<10240x16xf32, #tpu.memory_space<vmem_shared>> -> memref<10240x16xf32, #tpu.memory_space<vmem_shared>>
      tpu.wait_indirect_dma semaphore(%arg32 : memref<!tpu.dma_semaphore, #tpu.memory_space<semaphore_mem>>) src(%dma_wait3A_481 : memref<10240x16xf32, #tpu.memory_space<vmem_shared>>) dst(%arg24 : memref<128x16xf32, #tpu.memory_space<vmem>>)
      %dma_start3A_482 = arith.constant 0 : i32
      %dma_start3A_483 = arith.constant 0 : i32
      %dma_start3A_484 = tpu.memref_slice %arg9[%arg0, %dma_start3A_482, %dma_start3A_483] : memref<2x80x128xi32, #tpu.memory_space<vmem>> -> memref<1x80x128xi32, #tpu.memory_space<vmem>>
      %dma_start3A_485 = tpu.memref_squeeze %dma_start3A_484 : memref<1x80x128xi32, #tpu.memory_space<vmem>> -> memref<80x128xi32, #tpu.memory_space<vmem>>
      %dma_start3A_486 = arith.constant 0 : i32
      %dma_start3A_487 = tpu.memref_slice %dma_start3A_485[%add3A_474, %dma_start3A_486] : memref<80x128xi32, #tpu.memory_space<vmem>> -> memref<1x128xi32, #tpu.memory_space<vmem>>
      %dma_start3A_488 = tpu.memref_squeeze %dma_start3A_487 : memref<1x128xi32, #tpu.memory_space<vmem>> -> memref<128xi32, #tpu.memory_space<vmem>>
      %dma_start3A_489 = arith.constant 0 : i32
      %dma_start3A_490 = arith.constant 0 : i32
      %dma_start3A_491 = tpu.memref_slice %arg12[%dma_start3A_489, %dma_start3A_490] : memref<10240x16xf32, #tpu.memory_space<vmem_shared>> -> memref<10240x16xf32, #tpu.memory_space<vmem_shared>>
      tpu.enqueue_indirect_dma source(%arg24 : memref<128x16xf32, #tpu.memory_space<vmem>>) target(%dma_start3A_491 : memref<10240x16xf32, #tpu.memory_space<vmem_shared>>) offsets(%dma_start3A_488 : memref<128xi32, #tpu.memory_space<vmem>>) semaphore(%arg40 : memref<!tpu.dma_semaphore, #tpu.memory_space<semaphore_mem>>) {add = true}
      %lt3A = arith.constant 9 : i32
      %lt3A_492 = arith.cmpi slt, %scan3A_323, %lt3A : i32
      %convert_element_type3A_493 = arith.extui %lt3A_492 : i1 to i32
      %cond3A_494 = arith.constant 0 : i32
      %cond3A_495 = arith.cmpi ne, %convert_element_type3A_493, %cond3A_494 : i32
      scf.if %cond3A_495 {
        %dma_wait3A_531 = arith.constant 0 : i32
        %dma_wait3A_532 = arith.constant 0 : i32
        %dma_wait3A_533 = arith.constant 0 : i32
        %dma_wait3A_534 = tpu.memref_slice %arg9[%arg0, %dma_wait3A_532, %dma_wait3A_533] : memref<2x80x128xi32, #tpu.memory_space<vmem>> -> memref<1x80x128xi32, #tpu.memory_space<vmem>>
        %dma_wait3A_535 = tpu.memref_squeeze %dma_wait3A_534 : memref<1x80x128xi32, #tpu.memory_space<vmem>> -> memref<80x128xi32, #tpu.memory_space<vmem>>
        %dma_wait3A_536 = arith.constant 0 : i32
        %dma_wait3A_537 = tpu.memref_slice %dma_wait3A_535[%dma_wait3A_531, %dma_wait3A_536] : memref<80x128xi32, #tpu.memory_space<vmem>> -> memref<1x128xi32, #tpu.memory_space<vmem>>
        %dma_wait3A_538 = tpu.memref_squeeze %dma_wait3A_537 : memref<1x128xi32, #tpu.memory_space<vmem>> -> memref<128xi32, #tpu.memory_space<vmem>>
        %dma_wait3A_539 = arith.constant 0 : i32
        %dma_wait3A_540 = arith.constant 0 : i32
        %dma_wait3A_541 = tpu.memref_slice %arg12[%dma_wait3A_539, %dma_wait3A_540] : memref<10240x16xf32, #tpu.memory_space<vmem_shared>> -> memref<10240x16xf32, #tpu.memory_space<vmem_shared>>
        tpu.wait_indirect_dma semaphore(%arg33 : memref<!tpu.dma_semaphore, #tpu.memory_space<semaphore_mem>>) src(%arg17 : memref<128x16xf32, #tpu.memory_space<vmem>>) dst(%dma_wait3A_541 : memref<10240x16xf32, #tpu.memory_space<vmem_shared>>)
        %mul3A_542 = arith.constant 8 : i32
        %mul3A_543 = arith.muli %mul3A_542, %scan3A_323 : i32
        %add3A_544 = arith.constant 8 : i32
        %add3A_545 = arith.addi %mul3A_543, %add3A_544 : i32
        %add3A_546 = arith.constant 0 : i32
        %add3A_547 = arith.addi %add3A_545, %add3A_546 : i32
        %dma_start3A_548 = arith.constant 0 : i32
        %dma_start3A_549 = tpu.memref_slice %arg14[%add3A_547, %dma_start3A_548] : memref<80x128xi32, #tpu.memory_space<vmem>> -> memref<1x128xi32, #tpu.memory_space<vmem>>
        %dma_start3A_550 = tpu.memref_squeeze %dma_start3A_549 : memref<1x128xi32, #tpu.memory_space<vmem>> -> memref<128xi32, #tpu.memory_space<vmem>>
        %dma_start3A_551 = arith.constant 0 : i32
        %dma_start3A_552 = arith.constant 0 : i32
        %dma_start3A_553 = tpu.memref_slice %arg13[%dma_start3A_551, %dma_start3A_552] : memref<10240x16xf32, #tpu.memory_space<vmem_shared>> -> memref<10240x16xf32, #tpu.memory_space<vmem_shared>>
        tpu.enqueue_indirect_dma source(%dma_start3A_553 : memref<10240x16xf32, #tpu.memory_space<vmem_shared>>) target(%arg17 : memref<128x16xf32, #tpu.memory_space<vmem>>) offsets(%dma_start3A_550 : memref<128xi32, #tpu.memory_space<vmem>>) semaphore(%arg25 : memref<!tpu.dma_semaphore, #tpu.memory_space<semaphore_mem>>)
      } else {
      }
      %lt3A_496 = arith.constant 9 : i32
      %lt3A_497 = arith.cmpi slt, %scan3A_323, %lt3A_496 : i32
      %convert_element_type3A_498 = arith.extui %lt3A_497 : i1 to i32
      %cond3A_499 = arith.constant 0 : i32
      %cond3A_500 = arith.cmpi ne, %convert_element_type3A_498, %cond3A_499 : i32
      scf.if %cond3A_500 {
        %dma_wait3A_531 = arith.constant 0 : i32
        %dma_wait3A_532 = arith.constant 0 : i32
        %dma_wait3A_533 = arith.constant 0 : i32
        %dma_wait3A_534 = tpu.memref_slice %arg9[%arg0, %dma_wait3A_532, %dma_wait3A_533] : memref<2x80x128xi32, #tpu.memory_space<vmem>> -> memref<1x80x128xi32, #tpu.memory_space<vmem>>
        %dma_wait3A_535 = tpu.memref_squeeze %dma_wait3A_534 : memref<1x80x128xi32, #tpu.memory_space<vmem>> -> memref<80x128xi32, #tpu.memory_space<vmem>>
        %dma_wait3A_536 = arith.constant 0 : i32
        %dma_wait3A_537 = tpu.memref_slice %dma_wait3A_535[%dma_wait3A_531, %dma_wait3A_536] : memref<80x128xi32, #tpu.memory_space<vmem>> -> memref<1x128xi32, #tpu.memory_space<vmem>>
        %dma_wait3A_538 = tpu.memref_squeeze %dma_wait3A_537 : memref<1x128xi32, #tpu.memory_space<vmem>> -> memref<128xi32, #tpu.memory_space<vmem>>
        %dma_wait3A_539 = arith.constant 0 : i32
        %dma_wait3A_540 = arith.constant 0 : i32
        %dma_wait3A_541 = tpu.memref_slice %arg12[%dma_wait3A_539, %dma_wait3A_540] : memref<10240x16xf32, #tpu.memory_space<vmem_shared>> -> memref<10240x16xf32, #tpu.memory_space<vmem_shared>>
        tpu.wait_indirect_dma semaphore(%arg34 : memref<!tpu.dma_semaphore, #tpu.memory_space<semaphore_mem>>) src(%arg18 : memref<128x16xf32, #tpu.memory_space<vmem>>) dst(%dma_wait3A_541 : memref<10240x16xf32, #tpu.memory_space<vmem_shared>>)
        %mul3A_542 = arith.constant 8 : i32
        %mul3A_543 = arith.muli %mul3A_542, %scan3A_323 : i32
        %add3A_544 = arith.constant 8 : i32
        %add3A_545 = arith.addi %mul3A_543, %add3A_544 : i32
        %add3A_546 = arith.constant 1 : i32
        %add3A_547 = arith.addi %add3A_545, %add3A_546 : i32
        %dma_start3A_548 = arith.constant 0 : i32
        %dma_start3A_549 = tpu.memref_slice %arg14[%add3A_547, %dma_start3A_548] : memref<80x128xi32, #tpu.memory_space<vmem>> -> memref<1x128xi32, #tpu.memory_space<vmem>>
        %dma_start3A_550 = tpu.memref_squeeze %dma_start3A_549 : memref<1x128xi32, #tpu.memory_space<vmem>> -> memref<128xi32, #tpu.memory_space<vmem>>
        %dma_start3A_551 = arith.constant 0 : i32
        %dma_start3A_552 = arith.constant 0 : i32
        %dma_start3A_553 = tpu.memref_slice %arg13[%dma_start3A_551, %dma_start3A_552] : memref<10240x16xf32, #tpu.memory_space<vmem_shared>> -> memref<10240x16xf32, #tpu.memory_space<vmem_shared>>
        tpu.enqueue_indirect_dma source(%dma_start3A_553 : memref<10240x16xf32, #tpu.memory_space<vmem_shared>>) target(%arg18 : memref<128x16xf32, #tpu.memory_space<vmem>>) offsets(%dma_start3A_550 : memref<128xi32, #tpu.memory_space<vmem>>) semaphore(%arg26 : memref<!tpu.dma_semaphore, #tpu.memory_space<semaphore_mem>>)
      } else {
      }
      %lt3A_501 = arith.constant 9 : i32
      %lt3A_502 = arith.cmpi slt, %scan3A_323, %lt3A_501 : i32
      %convert_element_type3A_503 = arith.extui %lt3A_502 : i1 to i32
      %cond3A_504 = arith.constant 0 : i32
      %cond3A_505 = arith.cmpi ne, %convert_element_type3A_503, %cond3A_504 : i32
      scf.if %cond3A_505 {
        %dma_wait3A_531 = arith.constant 0 : i32
        %dma_wait3A_532 = arith.constant 0 : i32
        %dma_wait3A_533 = arith.constant 0 : i32
        %dma_wait3A_534 = tpu.memref_slice %arg9[%arg0, %dma_wait3A_532, %dma_wait3A_533] : memref<2x80x128xi32, #tpu.memory_space<vmem>> -> memref<1x80x128xi32, #tpu.memory_space<vmem>>
        %dma_wait3A_535 = tpu.memref_squeeze %dma_wait3A_534 : memref<1x80x128xi32, #tpu.memory_space<vmem>> -> memref<80x128xi32, #tpu.memory_space<vmem>>
        %dma_wait3A_536 = arith.constant 0 : i32
        %dma_wait3A_537 = tpu.memref_slice %dma_wait3A_535[%dma_wait3A_531, %dma_wait3A_536] : memref<80x128xi32, #tpu.memory_space<vmem>> -> memref<1x128xi32, #tpu.memory_space<vmem>>
        %dma_wait3A_538 = tpu.memref_squeeze %dma_wait3A_537 : memref<1x128xi32, #tpu.memory_space<vmem>> -> memref<128xi32, #tpu.memory_space<vmem>>
        %dma_wait3A_539 = arith.constant 0 : i32
        %dma_wait3A_540 = arith.constant 0 : i32
        %dma_wait3A_541 = tpu.memref_slice %arg12[%dma_wait3A_539, %dma_wait3A_540] : memref<10240x16xf32, #tpu.memory_space<vmem_shared>> -> memref<10240x16xf32, #tpu.memory_space<vmem_shared>>
        tpu.wait_indirect_dma semaphore(%arg35 : memref<!tpu.dma_semaphore, #tpu.memory_space<semaphore_mem>>) src(%arg19 : memref<128x16xf32, #tpu.memory_space<vmem>>) dst(%dma_wait3A_541 : memref<10240x16xf32, #tpu.memory_space<vmem_shared>>)
        %mul3A_542 = arith.constant 8 : i32
        %mul3A_543 = arith.muli %mul3A_542, %scan3A_323 : i32
        %add3A_544 = arith.constant 8 : i32
        %add3A_545 = arith.addi %mul3A_543, %add3A_544 : i32
        %add3A_546 = arith.constant 2 : i32
        %add3A_547 = arith.addi %add3A_545, %add3A_546 : i32
        %dma_start3A_548 = arith.constant 0 : i32
        %dma_start3A_549 = tpu.memref_slice %arg14[%add3A_547, %dma_start3A_548] : memref<80x128xi32, #tpu.memory_space<vmem>> -> memref<1x128xi32, #tpu.memory_space<vmem>>
        %dma_start3A_550 = tpu.memref_squeeze %dma_start3A_549 : memref<1x128xi32, #tpu.memory_space<vmem>> -> memref<128xi32, #tpu.memory_space<vmem>>
        %dma_start3A_551 = arith.constant 0 : i32
        %dma_start3A_552 = arith.constant 0 : i32
        %dma_start3A_553 = tpu.memref_slice %arg13[%dma_start3A_551, %dma_start3A_552] : memref<10240x16xf32, #tpu.memory_space<vmem_shared>> -> memref<10240x16xf32, #tpu.memory_space<vmem_shared>>
        tpu.enqueue_indirect_dma source(%dma_start3A_553 : memref<10240x16xf32, #tpu.memory_space<vmem_shared>>) target(%arg19 : memref<128x16xf32, #tpu.memory_space<vmem>>) offsets(%dma_start3A_550 : memref<128xi32, #tpu.memory_space<vmem>>) semaphore(%arg27 : memref<!tpu.dma_semaphore, #tpu.memory_space<semaphore_mem>>)
      } else {
      }
      %lt3A_506 = arith.constant 9 : i32
      %lt3A_507 = arith.cmpi slt, %scan3A_323, %lt3A_506 : i32
      %convert_element_type3A_508 = arith.extui %lt3A_507 : i1 to i32
      %cond3A_509 = arith.constant 0 : i32
      %cond3A_510 = arith.cmpi ne, %convert_element_type3A_508, %cond3A_509 : i32
      scf.if %cond3A_510 {
        %dma_wait3A_531 = arith.constant 0 : i32
        %dma_wait3A_532 = arith.constant 0 : i32
        %dma_wait3A_533 = arith.constant 0 : i32
        %dma_wait3A_534 = tpu.memref_slice %arg9[%arg0, %dma_wait3A_532, %dma_wait3A_533] : memref<2x80x128xi32, #tpu.memory_space<vmem>> -> memref<1x80x128xi32, #tpu.memory_space<vmem>>
        %dma_wait3A_535 = tpu.memref_squeeze %dma_wait3A_534 : memref<1x80x128xi32, #tpu.memory_space<vmem>> -> memref<80x128xi32, #tpu.memory_space<vmem>>
        %dma_wait3A_536 = arith.constant 0 : i32
        %dma_wait3A_537 = tpu.memref_slice %dma_wait3A_535[%dma_wait3A_531, %dma_wait3A_536] : memref<80x128xi32, #tpu.memory_space<vmem>> -> memref<1x128xi32, #tpu.memory_space<vmem>>
        %dma_wait3A_538 = tpu.memref_squeeze %dma_wait3A_537 : memref<1x128xi32, #tpu.memory_space<vmem>> -> memref<128xi32, #tpu.memory_space<vmem>>
        %dma_wait3A_539 = arith.constant 0 : i32
        %dma_wait3A_540 = arith.constant 0 : i32
        %dma_wait3A_541 = tpu.memref_slice %arg12[%dma_wait3A_539, %dma_wait3A_540] : memref<10240x16xf32, #tpu.memory_space<vmem_shared>> -> memref<10240x16xf32, #tpu.memory_space<vmem_shared>>
        tpu.wait_indirect_dma semaphore(%arg36 : memref<!tpu.dma_semaphore, #tpu.memory_space<semaphore_mem>>) src(%arg20 : memref<128x16xf32, #tpu.memory_space<vmem>>) dst(%dma_wait3A_541 : memref<10240x16xf32, #tpu.memory_space<vmem_shared>>)
        %mul3A_542 = arith.constant 8 : i32
        %mul3A_543 = arith.muli %mul3A_542, %scan3A_323 : i32
        %add3A_544 = arith.constant 8 : i32
        %add3A_545 = arith.addi %mul3A_543, %add3A_544 : i32
        %add3A_546 = arith.constant 3 : i32
        %add3A_547 = arith.addi %add3A_545, %add3A_546 : i32
        %dma_start3A_548 = arith.constant 0 : i32
        %dma_start3A_549 = tpu.memref_slice %arg14[%add3A_547, %dma_start3A_548] : memref<80x128xi32, #tpu.memory_space<vmem>> -> memref<1x128xi32, #tpu.memory_space<vmem>>
        %dma_start3A_550 = tpu.memref_squeeze %dma_start3A_549 : memref<1x128xi32, #tpu.memory_space<vmem>> -> memref<128xi32, #tpu.memory_space<vmem>>
        %dma_start3A_551 = arith.constant 0 : i32
        %dma_start3A_552 = arith.constant 0 : i32
        %dma_start3A_553 = tpu.memref_slice %arg13[%dma_start3A_551, %dma_start3A_552] : memref<10240x16xf32, #tpu.memory_space<vmem_shared>> -> memref<10240x16xf32, #tpu.memory_space<vmem_shared>>
        tpu.enqueue_indirect_dma source(%dma_start3A_553 : memref<10240x16xf32, #tpu.memory_space<vmem_shared>>) target(%arg20 : memref<128x16xf32, #tpu.memory_space<vmem>>) offsets(%dma_start3A_550 : memref<128xi32, #tpu.memory_space<vmem>>) semaphore(%arg28 : memref<!tpu.dma_semaphore, #tpu.memory_space<semaphore_mem>>)
      } else {
      }
      %lt3A_511 = arith.constant 9 : i32
      %lt3A_512 = arith.cmpi slt, %scan3A_323, %lt3A_511 : i32
      %convert_element_type3A_513 = arith.extui %lt3A_512 : i1 to i32
      %cond3A_514 = arith.constant 0 : i32
      %cond3A_515 = arith.cmpi ne, %convert_element_type3A_513, %cond3A_514 : i32
      scf.if %cond3A_515 {
        %dma_wait3A_531 = arith.constant 0 : i32
        %dma_wait3A_532 = arith.constant 0 : i32
        %dma_wait3A_533 = arith.constant 0 : i32
        %dma_wait3A_534 = tpu.memref_slice %arg9[%arg0, %dma_wait3A_532, %dma_wait3A_533] : memref<2x80x128xi32, #tpu.memory_space<vmem>> -> memref<1x80x128xi32, #tpu.memory_space<vmem>>
        %dma_wait3A_535 = tpu.memref_squeeze %dma_wait3A_534 : memref<1x80x128xi32, #tpu.memory_space<vmem>> -> memref<80x128xi32, #tpu.memory_space<vmem>>
        %dma_wait3A_536 = arith.constant 0 : i32
        %dma_wait3A_537 = tpu.memref_slice %dma_wait3A_535[%dma_wait3A_531, %dma_wait3A_536] : memref<80x128xi32, #tpu.memory_space<vmem>> -> memref<1x128xi32, #tpu.memory_space<vmem>>
        %dma_wait3A_538 = tpu.memref_squeeze %dma_wait3A_537 : memref<1x128xi32, #tpu.memory_space<vmem>> -> memref<128xi32, #tpu.memory_space<vmem>>
        %dma_wait3A_539 = arith.constant 0 : i32
        %dma_wait3A_540 = arith.constant 0 : i32
        %dma_wait3A_541 = tpu.memref_slice %arg12[%dma_wait3A_539, %dma_wait3A_540] : memref<10240x16xf32, #tpu.memory_space<vmem_shared>> -> memref<10240x16xf32, #tpu.memory_space<vmem_shared>>
        tpu.wait_indirect_dma semaphore(%arg37 : memref<!tpu.dma_semaphore, #tpu.memory_space<semaphore_mem>>) src(%arg21 : memref<128x16xf32, #tpu.memory_space<vmem>>) dst(%dma_wait3A_541 : memref<10240x16xf32, #tpu.memory_space<vmem_shared>>)
        %mul3A_542 = arith.constant 8 : i32
        %mul3A_543 = arith.muli %mul3A_542, %scan3A_323 : i32
        %add3A_544 = arith.constant 8 : i32
        %add3A_545 = arith.addi %mul3A_543, %add3A_544 : i32
        %add3A_546 = arith.constant 4 : i32
        %add3A_547 = arith.addi %add3A_545, %add3A_546 : i32
        %dma_start3A_548 = arith.constant 0 : i32
        %dma_start3A_549 = tpu.memref_slice %arg14[%add3A_547, %dma_start3A_548] : memref<80x128xi32, #tpu.memory_space<vmem>> -> memref<1x128xi32, #tpu.memory_space<vmem>>
        %dma_start3A_550 = tpu.memref_squeeze %dma_start3A_549 : memref<1x128xi32, #tpu.memory_space<vmem>> -> memref<128xi32, #tpu.memory_space<vmem>>
        %dma_start3A_551 = arith.constant 0 : i32
        %dma_start3A_552 = arith.constant 0 : i32
        %dma_start3A_553 = tpu.memref_slice %arg13[%dma_start3A_551, %dma_start3A_552] : memref<10240x16xf32, #tpu.memory_space<vmem_shared>> -> memref<10240x16xf32, #tpu.memory_space<vmem_shared>>
        tpu.enqueue_indirect_dma source(%dma_start3A_553 : memref<10240x16xf32, #tpu.memory_space<vmem_shared>>) target(%arg21 : memref<128x16xf32, #tpu.memory_space<vmem>>) offsets(%dma_start3A_550 : memref<128xi32, #tpu.memory_space<vmem>>) semaphore(%arg29 : memref<!tpu.dma_semaphore, #tpu.memory_space<semaphore_mem>>)
      } else {
      }
      %lt3A_516 = arith.constant 9 : i32
      %lt3A_517 = arith.cmpi slt, %scan3A_323, %lt3A_516 : i32
      %convert_element_type3A_518 = arith.extui %lt3A_517 : i1 to i32
      %cond3A_519 = arith.constant 0 : i32
      %cond3A_520 = arith.cmpi ne, %convert_element_type3A_518, %cond3A_519 : i32
      scf.if %cond3A_520 {
        %dma_wait3A_531 = arith.constant 0 : i32
        %dma_wait3A_532 = arith.constant 0 : i32
        %dma_wait3A_533 = arith.constant 0 : i32
        %dma_wait3A_534 = tpu.memref_slice %arg9[%arg0, %dma_wait3A_532, %dma_wait3A_533] : memref<2x80x128xi32, #tpu.memory_space<vmem>> -> memref<1x80x128xi32, #tpu.memory_space<vmem>>
        %dma_wait3A_535 = tpu.memref_squeeze %dma_wait3A_534 : memref<1x80x128xi32, #tpu.memory_space<vmem>> -> memref<80x128xi32, #tpu.memory_space<vmem>>
        %dma_wait3A_536 = arith.constant 0 : i32
        %dma_wait3A_537 = tpu.memref_slice %dma_wait3A_535[%dma_wait3A_531, %dma_wait3A_536] : memref<80x128xi32, #tpu.memory_space<vmem>> -> memref<1x128xi32, #tpu.memory_space<vmem>>
        %dma_wait3A_538 = tpu.memref_squeeze %dma_wait3A_537 : memref<1x128xi32, #tpu.memory_space<vmem>> -> memref<128xi32, #tpu.memory_space<vmem>>
        %dma_wait3A_539 = arith.constant 0 : i32
        %dma_wait3A_540 = arith.constant 0 : i32
        %dma_wait3A_541 = tpu.memref_slice %arg12[%dma_wait3A_539, %dma_wait3A_540] : memref<10240x16xf32, #tpu.memory_space<vmem_shared>> -> memref<10240x16xf32, #tpu.memory_space<vmem_shared>>
        tpu.wait_indirect_dma semaphore(%arg38 : memref<!tpu.dma_semaphore, #tpu.memory_space<semaphore_mem>>) src(%arg22 : memref<128x16xf32, #tpu.memory_space<vmem>>) dst(%dma_wait3A_541 : memref<10240x16xf32, #tpu.memory_space<vmem_shared>>)
        %mul3A_542 = arith.constant 8 : i32
        %mul3A_543 = arith.muli %mul3A_542, %scan3A_323 : i32
        %add3A_544 = arith.constant 8 : i32
        %add3A_545 = arith.addi %mul3A_543, %add3A_544 : i32
        %add3A_546 = arith.constant 5 : i32
        %add3A_547 = arith.addi %add3A_545, %add3A_546 : i32
        %dma_start3A_548 = arith.constant 0 : i32
        %dma_start3A_549 = tpu.memref_slice %arg14[%add3A_547, %dma_start3A_548] : memref<80x128xi32, #tpu.memory_space<vmem>> -> memref<1x128xi32, #tpu.memory_space<vmem>>
        %dma_start3A_550 = tpu.memref_squeeze %dma_start3A_549 : memref<1x128xi32, #tpu.memory_space<vmem>> -> memref<128xi32, #tpu.memory_space<vmem>>
        %dma_start3A_551 = arith.constant 0 : i32
        %dma_start3A_552 = arith.constant 0 : i32
        %dma_start3A_553 = tpu.memref_slice %arg13[%dma_start3A_551, %dma_start3A_552] : memref<10240x16xf32, #tpu.memory_space<vmem_shared>> -> memref<10240x16xf32, #tpu.memory_space<vmem_shared>>
        tpu.enqueue_indirect_dma source(%dma_start3A_553 : memref<10240x16xf32, #tpu.memory_space<vmem_shared>>) target(%arg22 : memref<128x16xf32, #tpu.memory_space<vmem>>) offsets(%dma_start3A_550 : memref<128xi32, #tpu.memory_space<vmem>>) semaphore(%arg30 : memref<!tpu.dma_semaphore, #tpu.memory_space<semaphore_mem>>)
      } else {
      }
      %lt3A_521 = arith.constant 9 : i32
      %lt3A_522 = arith.cmpi slt, %scan3A_323, %lt3A_521 : i32
      %convert_element_type3A_523 = arith.extui %lt3A_522 : i1 to i32
      %cond3A_524 = arith.constant 0 : i32
      %cond3A_525 = arith.cmpi ne, %convert_element_type3A_523, %cond3A_524 : i32
      scf.if %cond3A_525 {
        %dma_wait3A_531 = arith.constant 0 : i32
        %dma_wait3A_532 = arith.constant 0 : i32
        %dma_wait3A_533 = arith.constant 0 : i32
        %dma_wait3A_534 = tpu.memref_slice %arg9[%arg0, %dma_wait3A_532, %dma_wait3A_533] : memref<2x80x128xi32, #tpu.memory_space<vmem>> -> memref<1x80x128xi32, #tpu.memory_space<vmem>>
        %dma_wait3A_535 = tpu.memref_squeeze %dma_wait3A_534 : memref<1x80x128xi32, #tpu.memory_space<vmem>> -> memref<80x128xi32, #tpu.memory_space<vmem>>
        %dma_wait3A_536 = arith.constant 0 : i32
        %dma_wait3A_537 = tpu.memref_slice %dma_wait3A_535[%dma_wait3A_531, %dma_wait3A_536] : memref<80x128xi32, #tpu.memory_space<vmem>> -> memref<1x128xi32, #tpu.memory_space<vmem>>
        %dma_wait3A_538 = tpu.memref_squeeze %dma_wait3A_537 : memref<1x128xi32, #tpu.memory_space<vmem>> -> memref<128xi32, #tpu.memory_space<vmem>>
        %dma_wait3A_539 = arith.constant 0 : i32
        %dma_wait3A_540 = arith.constant 0 : i32
        %dma_wait3A_541 = tpu.memref_slice %arg12[%dma_wait3A_539, %dma_wait3A_540] : memref<10240x16xf32, #tpu.memory_space<vmem_shared>> -> memref<10240x16xf32, #tpu.memory_space<vmem_shared>>
        tpu.wait_indirect_dma semaphore(%arg39 : memref<!tpu.dma_semaphore, #tpu.memory_space<semaphore_mem>>) src(%arg23 : memref<128x16xf32, #tpu.memory_space<vmem>>) dst(%dma_wait3A_541 : memref<10240x16xf32, #tpu.memory_space<vmem_shared>>)
        %mul3A_542 = arith.constant 8 : i32
        %mul3A_543 = arith.muli %mul3A_542, %scan3A_323 : i32
        %add3A_544 = arith.constant 8 : i32
        %add3A_545 = arith.addi %mul3A_543, %add3A_544 : i32
        %add3A_546 = arith.constant 6 : i32
        %add3A_547 = arith.addi %add3A_545, %add3A_546 : i32
        %dma_start3A_548 = arith.constant 0 : i32
        %dma_start3A_549 = tpu.memref_slice %arg14[%add3A_547, %dma_start3A_548] : memref<80x128xi32, #tpu.memory_space<vmem>> -> memref<1x128xi32, #tpu.memory_space<vmem>>
        %dma_start3A_550 = tpu.memref_squeeze %dma_start3A_549 : memref<1x128xi32, #tpu.memory_space<vmem>> -> memref<128xi32, #tpu.memory_space<vmem>>
        %dma_start3A_551 = arith.constant 0 : i32
        %dma_start3A_552 = arith.constant 0 : i32
        %dma_start3A_553 = tpu.memref_slice %arg13[%dma_start3A_551, %dma_start3A_552] : memref<10240x16xf32, #tpu.memory_space<vmem_shared>> -> memref<10240x16xf32, #tpu.memory_space<vmem_shared>>
        tpu.enqueue_indirect_dma source(%dma_start3A_553 : memref<10240x16xf32, #tpu.memory_space<vmem_shared>>) target(%arg23 : memref<128x16xf32, #tpu.memory_space<vmem>>) offsets(%dma_start3A_550 : memref<128xi32, #tpu.memory_space<vmem>>) semaphore(%arg31 : memref<!tpu.dma_semaphore, #tpu.memory_space<semaphore_mem>>)
      } else {
      }
      %lt3A_526 = arith.constant 9 : i32
      %lt3A_527 = arith.cmpi slt, %scan3A_323, %lt3A_526 : i32
      %convert_element_type3A_528 = arith.extui %lt3A_527 : i1 to i32
      %cond3A_529 = arith.constant 0 : i32
      %cond3A_530 = arith.cmpi ne, %convert_element_type3A_528, %cond3A_529 : i32
      scf.if %cond3A_530 {
        %dma_wait3A_531 = arith.constant 0 : i32
        %dma_wait3A_532 = arith.constant 0 : i32
        %dma_wait3A_533 = arith.constant 0 : i32
        %dma_wait3A_534 = tpu.memref_slice %arg9[%arg0, %dma_wait3A_532, %dma_wait3A_533] : memref<2x80x128xi32, #tpu.memory_space<vmem>> -> memref<1x80x128xi32, #tpu.memory_space<vmem>>
        %dma_wait3A_535 = tpu.memref_squeeze %dma_wait3A_534 : memref<1x80x128xi32, #tpu.memory_space<vmem>> -> memref<80x128xi32, #tpu.memory_space<vmem>>
        %dma_wait3A_536 = arith.constant 0 : i32
        %dma_wait3A_537 = tpu.memref_slice %dma_wait3A_535[%dma_wait3A_531, %dma_wait3A_536] : memref<80x128xi32, #tpu.memory_space<vmem>> -> memref<1x128xi32, #tpu.memory_space<vmem>>
        %dma_wait3A_538 = tpu.memref_squeeze %dma_wait3A_537 : memref<1x128xi32, #tpu.memory_space<vmem>> -> memref<128xi32, #tpu.memory_space<vmem>>
        %dma_wait3A_539 = arith.constant 0 : i32
        %dma_wait3A_540 = arith.constant 0 : i32
        %dma_wait3A_541 = tpu.memref_slice %arg12[%dma_wait3A_539, %dma_wait3A_540] : memref<10240x16xf32, #tpu.memory_space<vmem_shared>> -> memref<10240x16xf32, #tpu.memory_space<vmem_shared>>
        tpu.wait_indirect_dma semaphore(%arg40 : memref<!tpu.dma_semaphore, #tpu.memory_space<semaphore_mem>>) src(%arg24 : memref<128x16xf32, #tpu.memory_space<vmem>>) dst(%dma_wait3A_541 : memref<10240x16xf32, #tpu.memory_space<vmem_shared>>)
        %mul3A_542 = arith.constant 8 : i32
        %mul3A_543 = arith.muli %mul3A_542, %scan3A_323 : i32
        %add3A_544 = arith.constant 8 : i32
        %add3A_545 = arith.addi %mul3A_543, %add3A_544 : i32
        %add3A_546 = arith.constant 7 : i32
        %add3A_547 = arith.addi %add3A_545, %add3A_546 : i32
        %dma_start3A_548 = arith.constant 0 : i32
        %dma_start3A_549 = tpu.memref_slice %arg14[%add3A_547, %dma_start3A_548] : memref<80x128xi32, #tpu.memory_space<vmem>> -> memref<1x128xi32, #tpu.memory_space<vmem>>
        %dma_start3A_550 = tpu.memref_squeeze %dma_start3A_549 : memref<1x128xi32, #tpu.memory_space<vmem>> -> memref<128xi32, #tpu.memory_space<vmem>>
        %dma_start3A_551 = arith.constant 0 : i32
        %dma_start3A_552 = arith.constant 0 : i32
        %dma_start3A_553 = tpu.memref_slice %arg13[%dma_start3A_551, %dma_start3A_552] : memref<10240x16xf32, #tpu.memory_space<vmem_shared>> -> memref<10240x16xf32, #tpu.memory_space<vmem_shared>>
        tpu.enqueue_indirect_dma source(%dma_start3A_553 : memref<10240x16xf32, #tpu.memory_space<vmem_shared>>) target(%arg24 : memref<128x16xf32, #tpu.memory_space<vmem>>) offsets(%dma_start3A_550 : memref<128xi32, #tpu.memory_space<vmem>>) semaphore(%arg32 : memref<!tpu.dma_semaphore, #tpu.memory_space<semaphore_mem>>)
      } else {
      }
    }
    %scan3A_229 = arith.constant 10 : i32
    %dma_wait3A_230 = arith.constant 0 : i32
    %dma_wait3A_231 = arith.constant 0 : i32
    %dma_wait3A_232 = arith.constant 0 : i32
    %dma_wait3A_233 = tpu.memref_slice %arg9[%arg0, %dma_wait3A_231, %dma_wait3A_232] : memref<2x80x128xi32, #tpu.memory_space<vmem>> -> memref<1x80x128xi32, #tpu.memory_space<vmem>>
    %dma_wait3A_234 = tpu.memref_squeeze %dma_wait3A_233 : memref<1x80x128xi32, #tpu.memory_space<vmem>> -> memref<80x128xi32, #tpu.memory_space<vmem>>
    %dma_wait3A_235 = arith.constant 0 : i32
    %dma_wait3A_236 = tpu.memref_slice %dma_wait3A_234[%dma_wait3A_230, %dma_wait3A_235] : memref<80x128xi32, #tpu.memory_space<vmem>> -> memref<1x128xi32, #tpu.memory_space<vmem>>
    %dma_wait3A_237 = tpu.memref_squeeze %dma_wait3A_236 : memref<1x128xi32, #tpu.memory_space<vmem>> -> memref<128xi32, #tpu.memory_space<vmem>>
    %dma_wait3A_238 = arith.constant 0 : i32
    %dma_wait3A_239 = arith.constant 0 : i32
    %dma_wait3A_240 = tpu.memref_slice %arg12[%dma_wait3A_238, %dma_wait3A_239] : memref<10240x16xf32, #tpu.memory_space<vmem_shared>> -> memref<10240x16xf32, #tpu.memory_space<vmem_shared>>
    tpu.wait_indirect_dma semaphore(%arg33 : memref<!tpu.dma_semaphore, #tpu.memory_space<semaphore_mem>>) src(%arg17 : memref<128x16xf32, #tpu.memory_space<vmem>>) dst(%dma_wait3A_240 : memref<10240x16xf32, #tpu.memory_space<vmem_shared>>)
    %dma_wait3A_241 = arith.constant 0 : i32
    %dma_wait3A_242 = arith.constant 0 : i32
    %dma_wait3A_243 = arith.constant 0 : i32
    %dma_wait3A_244 = tpu.memref_slice %arg9[%arg0, %dma_wait3A_242, %dma_wait3A_243] : memref<2x80x128xi32, #tpu.memory_space<vmem>> -> memref<1x80x128xi32, #tpu.memory_space<vmem>>
    %dma_wait3A_245 = tpu.memref_squeeze %dma_wait3A_244 : memref<1x80x128xi32, #tpu.memory_space<vmem>> -> memref<80x128xi32, #tpu.memory_space<vmem>>
    %dma_wait3A_246 = arith.constant 0 : i32
    %dma_wait3A_247 = tpu.memref_slice %dma_wait3A_245[%dma_wait3A_241, %dma_wait3A_246] : memref<80x128xi32, #tpu.memory_space<vmem>> -> memref<1x128xi32, #tpu.memory_space<vmem>>
    %dma_wait3A_248 = tpu.memref_squeeze %dma_wait3A_247 : memref<1x128xi32, #tpu.memory_space<vmem>> -> memref<128xi32, #tpu.memory_space<vmem>>
    %dma_wait3A_249 = arith.constant 0 : i32
    %dma_wait3A_250 = arith.constant 0 : i32
    %dma_wait3A_251 = tpu.memref_slice %arg12[%dma_wait3A_249, %dma_wait3A_250] : memref<10240x16xf32, #tpu.memory_space<vmem_shared>> -> memref<10240x16xf32, #tpu.memory_space<vmem_shared>>
    tpu.wait_indirect_dma semaphore(%arg34 : memref<!tpu.dma_semaphore, #tpu.memory_space<semaphore_mem>>) src(%arg18 : memref<128x16xf32, #tpu.memory_space<vmem>>) dst(%dma_wait3A_251 : memref<10240x16xf32, #tpu.memory_space<vmem_shared>>)
    %dma_wait3A_252 = arith.constant 0 : i32
    %dma_wait3A_253 = arith.constant 0 : i32
    %dma_wait3A_254 = arith.constant 0 : i32
    %dma_wait3A_255 = tpu.memref_slice %arg9[%arg0, %dma_wait3A_253, %dma_wait3A_254] : memref<2x80x128xi32, #tpu.memory_space<vmem>> -> memref<1x80x128xi32, #tpu.memory_space<vmem>>
    %dma_wait3A_256 = tpu.memref_squeeze %dma_wait3A_255 : memref<1x80x128xi32, #tpu.memory_space<vmem>> -> memref<80x128xi32, #tpu.memory_space<vmem>>
    %dma_wait3A_257 = arith.constant 0 : i32
    %dma_wait3A_258 = tpu.memref_slice %dma_wait3A_256[%dma_wait3A_252, %dma_wait3A_257] : memref<80x128xi32, #tpu.memory_space<vmem>> -> memref<1x128xi32, #tpu.memory_space<vmem>>
    %dma_wait3A_259 = tpu.memref_squeeze %dma_wait3A_258 : memref<1x128xi32, #tpu.memory_space<vmem>> -> memref<128xi32, #tpu.memory_space<vmem>>
    %dma_wait3A_260 = arith.constant 0 : i32
    %dma_wait3A_261 = arith.constant 0 : i32
    %dma_wait3A_262 = tpu.memref_slice %arg12[%dma_wait3A_260, %dma_wait3A_261] : memref<10240x16xf32, #tpu.memory_space<vmem_shared>> -> memref<10240x16xf32, #tpu.memory_space<vmem_shared>>
    tpu.wait_indirect_dma semaphore(%arg35 : memref<!tpu.dma_semaphore, #tpu.memory_space<semaphore_mem>>) src(%arg19 : memref<128x16xf32, #tpu.memory_space<vmem>>) dst(%dma_wait3A_262 : memref<10240x16xf32, #tpu.memory_space<vmem_shared>>)
    %dma_wait3A_263 = arith.constant 0 : i32
    %dma_wait3A_264 = arith.constant 0 : i32
    %dma_wait3A_265 = arith.constant 0 : i32
    %dma_wait3A_266 = tpu.memref_slice %arg9[%arg0, %dma_wait3A_264, %dma_wait3A_265] : memref<2x80x128xi32, #tpu.memory_space<vmem>> -> memref<1x80x128xi32, #tpu.memory_space<vmem>>
    %dma_wait3A_267 = tpu.memref_squeeze %dma_wait3A_266 : memref<1x80x128xi32, #tpu.memory_space<vmem>> -> memref<80x128xi32, #tpu.memory_space<vmem>>
    %dma_wait3A_268 = arith.constant 0 : i32
    %dma_wait3A_269 = tpu.memref_slice %dma_wait3A_267[%dma_wait3A_263, %dma_wait3A_268] : memref<80x128xi32, #tpu.memory_space<vmem>> -> memref<1x128xi32, #tpu.memory_space<vmem>>
    %dma_wait3A_270 = tpu.memref_squeeze %dma_wait3A_269 : memref<1x128xi32, #tpu.memory_space<vmem>> -> memref<128xi32, #tpu.memory_space<vmem>>
    %dma_wait3A_271 = arith.constant 0 : i32
    %dma_wait3A_272 = arith.constant 0 : i32
    %dma_wait3A_273 = tpu.memref_slice %arg12[%dma_wait3A_271, %dma_wait3A_272] : memref<10240x16xf32, #tpu.memory_space<vmem_shared>> -> memref<10240x16xf32, #tpu.memory_space<vmem_shared>>
    tpu.wait_indirect_dma semaphore(%arg36 : memref<!tpu.dma_semaphore, #tpu.memory_space<semaphore_mem>>) src(%arg20 : memref<128x16xf32, #tpu.memory_space<vmem>>) dst(%dma_wait3A_273 : memref<10240x16xf32, #tpu.memory_space<vmem_shared>>)
    %dma_wait3A_274 = arith.constant 0 : i32
    %dma_wait3A_275 = arith.constant 0 : i32
    %dma_wait3A_276 = arith.constant 0 : i32
    %dma_wait3A_277 = tpu.memref_slice %arg9[%arg0, %dma_wait3A_275, %dma_wait3A_276] : memref<2x80x128xi32, #tpu.memory_space<vmem>> -> memref<1x80x128xi32, #tpu.memory_space<vmem>>
    %dma_wait3A_278 = tpu.memref_squeeze %dma_wait3A_277 : memref<1x80x128xi32, #tpu.memory_space<vmem>> -> memref<80x128xi32, #tpu.memory_space<vmem>>
    %dma_wait3A_279 = arith.constant 0 : i32
    %dma_wait3A_280 = tpu.memref_slice %dma_wait3A_278[%dma_wait3A_274, %dma_wait3A_279] : memref<80x128xi32, #tpu.memory_space<vmem>> -> memref<1x128xi32, #tpu.memory_space<vmem>>
    %dma_wait3A_281 = tpu.memref_squeeze %dma_wait3A_280 : memref<1x128xi32, #tpu.memory_space<vmem>> -> memref<128xi32, #tpu.memory_space<vmem>>
    %dma_wait3A_282 = arith.constant 0 : i32
    %dma_wait3A_283 = arith.constant 0 : i32
    %dma_wait3A_284 = tpu.memref_slice %arg12[%dma_wait3A_282, %dma_wait3A_283] : memref<10240x16xf32, #tpu.memory_space<vmem_shared>> -> memref<10240x16xf32, #tpu.memory_space<vmem_shared>>
    tpu.wait_indirect_dma semaphore(%arg37 : memref<!tpu.dma_semaphore, #tpu.memory_space<semaphore_mem>>) src(%arg21 : memref<128x16xf32, #tpu.memory_space<vmem>>) dst(%dma_wait3A_284 : memref<10240x16xf32, #tpu.memory_space<vmem_shared>>)
    %dma_wait3A_285 = arith.constant 0 : i32
    %dma_wait3A_286 = arith.constant 0 : i32
    %dma_wait3A_287 = arith.constant 0 : i32
    %dma_wait3A_288 = tpu.memref_slice %arg9[%arg0, %dma_wait3A_286, %dma_wait3A_287] : memref<2x80x128xi32, #tpu.memory_space<vmem>> -> memref<1x80x128xi32, #tpu.memory_space<vmem>>
    %dma_wait3A_289 = tpu.memref_squeeze %dma_wait3A_288 : memref<1x80x128xi32, #tpu.memory_space<vmem>> -> memref<80x128xi32, #tpu.memory_space<vmem>>
    %dma_wait3A_290 = arith.constant 0 : i32
    %dma_wait3A_291 = tpu.memref_slice %dma_wait3A_289[%dma_wait3A_285, %dma_wait3A_290] : memref<80x128xi32, #tpu.memory_space<vmem>> -> memref<1x128xi32, #tpu.memory_space<vmem>>
    %dma_wait3A_292 = tpu.memref_squeeze %dma_wait3A_291 : memref<1x128xi32, #tpu.memory_space<vmem>> -> memref<128xi32, #tpu.memory_space<vmem>>
    %dma_wait3A_293 = arith.constant 0 : i32
    %dma_wait3A_294 = arith.constant 0 : i32
    %dma_wait3A_295 = tpu.memref_slice %arg12[%dma_wait3A_293, %dma_wait3A_294] : memref<10240x16xf32, #tpu.memory_space<vmem_shared>> -> memref<10240x16xf32, #tpu.memory_space<vmem_shared>>
    tpu.wait_indirect_dma semaphore(%arg38 : memref<!tpu.dma_semaphore, #tpu.memory_space<semaphore_mem>>) src(%arg22 : memref<128x16xf32, #tpu.memory_space<vmem>>) dst(%dma_wait3A_295 : memref<10240x16xf32, #tpu.memory_space<vmem_shared>>)
    %dma_wait3A_296 = arith.constant 0 : i32
    %dma_wait3A_297 = arith.constant 0 : i32
    %dma_wait3A_298 = arith.constant 0 : i32
    %dma_wait3A_299 = tpu.memref_slice %arg9[%arg0, %dma_wait3A_297, %dma_wait3A_298] : memref<2x80x128xi32, #tpu.memory_space<vmem>> -> memref<1x80x128xi32, #tpu.memory_space<vmem>>
    %dma_wait3A_300 = tpu.memref_squeeze %dma_wait3A_299 : memref<1x80x128xi32, #tpu.memory_space<vmem>> -> memref<80x128xi32, #tpu.memory_space<vmem>>
    %dma_wait3A_301 = arith.constant 0 : i32
    %dma_wait3A_302 = tpu.memref_slice %dma_wait3A_300[%dma_wait3A_296, %dma_wait3A_301] : memref<80x128xi32, #tpu.memory_space<vmem>> -> memref<1x128xi32, #tpu.memory_space<vmem>>
    %dma_wait3A_303 = tpu.memref_squeeze %dma_wait3A_302 : memref<1x128xi32, #tpu.memory_space<vmem>> -> memref<128xi32, #tpu.memory_space<vmem>>
    %dma_wait3A_304 = arith.constant 0 : i32
    %dma_wait3A_305 = arith.constant 0 : i32
    %dma_wait3A_306 = tpu.memref_slice %arg12[%dma_wait3A_304, %dma_wait3A_305] : memref<10240x16xf32, #tpu.memory_space<vmem_shared>> -> memref<10240x16xf32, #tpu.memory_space<vmem_shared>>
    tpu.wait_indirect_dma semaphore(%arg39 : memref<!tpu.dma_semaphore, #tpu.memory_space<semaphore_mem>>) src(%arg23 : memref<128x16xf32, #tpu.memory_space<vmem>>) dst(%dma_wait3A_306 : memref<10240x16xf32, #tpu.memory_space<vmem_shared>>)
    %dma_wait3A_307 = arith.constant 0 : i32
    %dma_wait3A_308 = arith.constant 0 : i32
    %dma_wait3A_309 = arith.constant 0 : i32
    %dma_wait3A_310 = tpu.memref_slice %arg9[%arg0, %dma_wait3A_308, %dma_wait3A_309] : memref<2x80x128xi32, #tpu.memory_space<vmem>> -> memref<1x80x128xi32, #tpu.memory_space<vmem>>
    %dma_wait3A_311 = tpu.memref_squeeze %dma_wait3A_310 : memref<1x80x128xi32, #tpu.memory_space<vmem>> -> memref<80x128xi32, #tpu.memory_space<vmem>>
    %dma_wait3A_312 = arith.constant 0 : i32
    %dma_wait3A_313 = tpu.memref_slice %dma_wait3A_311[%dma_wait3A_307, %dma_wait3A_312] : memref<80x128xi32, #tpu.memory_space<vmem>> -> memref<1x128xi32, #tpu.memory_space<vmem>>
    %dma_wait3A_314 = tpu.memref_squeeze %dma_wait3A_313 : memref<1x128xi32, #tpu.memory_space<vmem>> -> memref<128xi32, #tpu.memory_space<vmem>>
    %dma_wait3A_315 = arith.constant 0 : i32
    %dma_wait3A_316 = arith.constant 0 : i32
    %dma_wait3A_317 = tpu.memref_slice %arg12[%dma_wait3A_315, %dma_wait3A_316] : memref<10240x16xf32, #tpu.memory_space<vmem_shared>> -> memref<10240x16xf32, #tpu.memory_space<vmem_shared>>
    tpu.wait_indirect_dma semaphore(%arg40 : memref<!tpu.dma_semaphore, #tpu.memory_space<semaphore_mem>>) src(%arg24 : memref<128x16xf32, #tpu.memory_space<vmem>>) dst(%dma_wait3A_317 : memref<10240x16xf32, #tpu.memory_space<vmem_shared>>)
    %barrier3A_318 = arith.constant 0 : index
    tpu.barrier barrier_id(%barrier3A_318)
    %mul3A_319 = arith.constant 640 : i32
    %mul3A_320 = arith.muli %arg1, %mul3A_319 : i32
    %mul3A_321 = arith.constant 640 : i32
    %mul3A_322 = arith.muli %arg1, %mul3A_321 : i32
    "tpu.region"() ({
      %run_scoped3A = tpu.sem_alloc : memref<!tpu.dma_semaphore, #tpu.memory_space<semaphore_mem>>
      %dma_start3A_323 = arith.constant 0 : i32
      %dma_start3A_324 = tpu.memref_slice %arg5[%arg0, %mul3A_322, %dma_start3A_323] : memref<2x10240x16xf32, #tpu.memory_space<hbm>> -> memref<1x640x16xf32, #tpu.memory_space<hbm>>
      %dma_start3A_325 = tpu.memref_squeeze %dma_start3A_324 : memref<1x640x16xf32, #tpu.memory_space<hbm>> -> memref<640x16xf32, #tpu.memory_space<hbm>>
      %dma_start3A_326 = arith.constant 0 : i32
      %dma_start3A_327 = tpu.memref_slice %arg12[%mul3A_320, %dma_start3A_326] : memref<10240x16xf32, #tpu.memory_space<vmem_shared>> -> memref<640x16xf32, #tpu.memory_space<vmem_shared>>
      tpu.enqueue_dma source(%dma_start3A_327 : memref<640x16xf32, #tpu.memory_space<vmem_shared>>) target(%dma_start3A_325 : memref<640x16xf32, #tpu.memory_space<hbm>>) target_semaphore(%run_scoped3A : memref<!tpu.dma_semaphore, #tpu.memory_space<semaphore_mem>>)
      %dma_wait3A_328 = arith.constant 0 : i32
      %dma_wait3A_329 = tpu.memref_slice %arg5[%arg0, %mul3A_322, %dma_wait3A_328] : memref<2x10240x16xf32, #tpu.memory_space<hbm>> -> memref<1x640x16xf32, #tpu.memory_space<hbm>>
      %dma_wait3A_330 = tpu.memref_squeeze %dma_wait3A_329 : memref<1x640x16xf32, #tpu.memory_space<hbm>> -> memref<640x16xf32, #tpu.memory_space<hbm>>
      %dma_wait3A_331 = arith.constant 0 : i32
      %dma_wait3A_332 = tpu.memref_slice %arg12[%mul3A_320, %dma_wait3A_331] : memref<10240x16xf32, #tpu.memory_space<vmem_shared>> -> memref<640x16xf32, #tpu.memory_space<vmem_shared>>
      tpu.wait_dma2 semaphore(%run_scoped3A : memref<!tpu.dma_semaphore, #tpu.memory_space<semaphore_mem>>) src(%dma_wait3A_332 : memref<640x16xf32, #tpu.memory_space<vmem_shared>>) dst(%dma_wait3A_330 : memref<640x16xf32, #tpu.memory_space<hbm>>)
      tpu.yield
    }) : () -> ()
    return
  }
}

module attributes {stable_mosaic.version = 14 : i64} {
  func.func @_mm_body(%arg0: memref<10240x128xf32, #tpu.memory_space<vmem>>, %arg1: memref<128x16xf32, #tpu.memory_space<vmem>>, %arg2: memref<10240x16xf32, #tpu.memory_space<vmem>>) attributes {dimension_semantics = [], scalar_prefetch = 0 : i64, scratch_operands = 0 : i64, tpu.core_type = #tpu.core_type<tc>} {
    %get3A = arith.constant 0 : index
    %get3A_0 = arith.constant 0 : index
    %get3A_1 = vector.load %arg0[%get3A, %get3A_0] : memref<10240x128xf32, #tpu.memory_space<vmem>>, vector<10240x128xf32>
    %get3A_2 = arith.constant 0 : index
    %get3A_3 = arith.constant 0 : index
    %get3A_4 = vector.load %arg1[%get3A_2, %get3A_3] : memref<128x16xf32, #tpu.memory_space<vmem>>, vector<128x16xf32>
    %dot_general3A = arith.constant dense<0.000000e+00> : vector<10240x16xf32>
    %dot_general3A_5 = tpu.matmul %get3A_1, %get3A_4, %dot_general3A {dimension_numbers = #tpu.dot_dimension_numbers<[1], [0], [0], [1], [0, 0, 1, 1], [], []>, transpose_lhs_hint = false} : vector<10240x128xf32>, vector<128x16xf32>, vector<10240x16xf32> -> vector<10240x16xf32>
    %swap3A = arith.constant 0 : index
    %swap3A_6 = arith.constant 0 : index
    %swap3A_7 = vector.load %arg2[%swap3A, %swap3A_6] : memref<10240x16xf32, #tpu.memory_space<vmem>>, vector<10240x16xf32>
    tpu.vector_store %arg2[%swap3A, %swap3A_6], %dot_general3A_5 {strides = array<i32>} : memref<10240x16xf32, #tpu.memory_space<vmem>>, vector<10240x16xf32>,
    return
  }
}

module attributes {stable_mosaic.version = 14 : i64} {
  func.func @_final_body(%arg0: memref<2x10240x16xf32, #tpu.memory_space<vmem>>, %arg1: memref<10240x16xf32, #tpu.memory_space<vmem>>, %arg2: memref<10240x1xf32, #tpu.memory_space<vmem>>, %arg3: memref<16x16xf32, #tpu.memory_space<vmem>>, %arg4: memref<1x16xf32, #tpu.memory_space<vmem>>, %arg5: memref<10240x16xf32, #tpu.memory_space<vmem>>) attributes {dimension_semantics = [], scalar_prefetch = 0 : i64, scratch_operands = 0 : i64, tpu.core_type = #tpu.core_type<tc>} {
    %get3A = arith.constant 0 : index
    %get3A_0 = arith.constant 0 : index
    %get3A_1 = arith.constant 0 : index
    %get3A_2 = vector.load %arg0[%get3A, %get3A_0, %get3A_1] : memref<2x10240x16xf32, #tpu.memory_space<vmem>>, vector<1x10240x16xf32>
    %get3A_3 = vector.shape_cast %get3A_2 : vector<1x10240x16xf32> to vector<10240x16xf32>
    %get3A_4 = arith.constant 1 : index
    %get3A_5 = arith.constant 0 : index
    %get3A_6 = arith.constant 0 : index
    %get3A_7 = vector.load %arg0[%get3A_4, %get3A_5, %get3A_6] : memref<2x10240x16xf32, #tpu.memory_space<vmem>>, vector<1x10240x16xf32>
    %get3A_8 = vector.shape_cast %get3A_7 : vector<1x10240x16xf32> to vector<10240x16xf32>
    %add3A = arith.addf %get3A_3, %get3A_8 : vector<10240x16xf32>
    %get3A_9 = arith.constant 0 : index
    %get3A_10 = arith.constant 0 : index
    %get3A_11 = vector.load %arg1[%get3A_9, %get3A_10] : memref<10240x16xf32, #tpu.memory_space<vmem>>, vector<10240x16xf32>
    %sub3A = arith.subf %add3A, %get3A_11 : vector<10240x16xf32>
    %get3A_12 = arith.constant 0 : index
    %get3A_13 = arith.constant 0 : index
    %get3A_14 = vector.load %arg2[%get3A_12, %get3A_13] : memref<10240x1xf32, #tpu.memory_space<vmem>>, vector<10240x1xf32>
    %mul3A = vector.broadcast %get3A_14 : vector<10240x1xf32> to vector<10240x16xf32>
    %mul3A_15 = arith.mulf %mul3A, %sub3A : vector<10240x16xf32>
    %get3A_16 = arith.constant 0 : index
    %get3A_17 = arith.constant 0 : index
    %get3A_18 = vector.load %arg3[%get3A_16, %get3A_17] : memref<16x16xf32, #tpu.memory_space<vmem>>, vector<16x16xf32>
    %dot_general3A = arith.constant dense<0.000000e+00> : vector<10240x16xf32>
    %dot_general3A_19 = tpu.matmul %mul3A_15, %get3A_18, %dot_general3A {dimension_numbers = #tpu.dot_dimension_numbers<[1], [0], [0], [1], [0, 0, 1, 1], [], []>, transpose_lhs_hint = false} : vector<10240x16xf32>, vector<16x16xf32>, vector<10240x16xf32> -> vector<10240x16xf32>
    %get3A_20 = arith.constant 0 : index
    %get3A_21 = arith.constant 0 : index
    %get3A_22 = vector.load %arg4[%get3A_20, %get3A_21] : memref<1x16xf32, #tpu.memory_space<vmem>>, vector<1x16xf32>
    %add3A_23 = vector.broadcast %get3A_22 : vector<1x16xf32> to vector<10240x16xf32>
    %add3A_24 = arith.addf %dot_general3A_19, %add3A_23 : vector<10240x16xf32>
    %reduce_max3A = arith.constant dense<0xFF800000> : vector<10240xf32>
    %reduce_max3A_25 = vector.multi_reduction <maximumf>, %add3A_24, %reduce_max3A [1] : vector<10240x16xf32> to vector<10240xf32>
    %broadcast_in_dim3A = vector.shape_cast %reduce_max3A_25 : vector<10240xf32> to vector<10240x1xf32>
    %sub3A_26 = vector.broadcast %broadcast_in_dim3A : vector<10240x1xf32> to vector<10240x16xf32>
    %sub3A_27 = arith.subf %add3A_24, %sub3A_26 : vector<10240x16xf32>
    %exp3A = math.exp %sub3A_27 : vector<10240x16xf32>
    %reduce_sum3A = arith.constant dense<0.000000e+00> : vector<10240xf32>
    %reduce_sum3A_28 = vector.multi_reduction <add>, %exp3A, %reduce_sum3A [1] : vector<10240x16xf32> to vector<10240xf32>
    %broadcast_in_dim3A_29 = vector.shape_cast %reduce_sum3A_28 : vector<10240xf32> to vector<10240x1xf32>
    %log3A = math.log %broadcast_in_dim3A_29 : vector<10240x1xf32>
    %add3A_30 = arith.addf %log3A, %broadcast_in_dim3A : vector<10240x1xf32>
    %sub3A_31 = vector.broadcast %add3A_30 : vector<10240x1xf32> to vector<10240x16xf32>
    %sub3A_32 = arith.subf %add3A_24, %sub3A_31 : vector<10240x16xf32>
    %swap3A = arith.constant 0 : index
    %swap3A_33 = arith.constant 0 : index
    %swap3A_34 = vector.load %arg5[%swap3A, %swap3A_33] : memref<10240x16xf32, #tpu.memory_space<vmem>>, vector<10240x16xf32>
    tpu.vector_store %arg5[%swap3A, %swap3A_33], %sub3A_32 {strides = array<i32>} : memref<10240x16xf32, #tpu.memory_space<vmem>>, vector<10240x16xf32>,
    return
  }
}

</mosaic_0001>

<sc_bundles>
// kernel: kernel.6.cloned.1.call-start
scs
__scs_entry_jumppad:
0x0: {  	(pc) =	sbr.rel $0x88, $3  }
0x1: {  	(tag) =	ssettag $0x0;
	lr =	simm.s32 $0x1  }
0x2: {  	[smem:$0x3F9B] =	sst lr;
	_ =	strace $0xD0000000  }
0x3: {  	_ = 	snop  }
0x4: {  	_ = 	snop  }
0x5: {  	_ = 	snop  }
0x6: {  	_ = 	snop  }
0x7: {  	_ = 	snop  }
__scs_overlays_trampoline_lowered:
0x8: {  	[smem:$0x3FAA] =	sst s0  }
0x9: {  	[smem:$0x3FAB] =	sst s1  }
0xa: {  	[smem:$0x3FAC] =	sst s2  }
0xb: {  	[smem:$0x3FAD] =	sst s3  }
0xc: {  	[smem:$0x3FAE] =	sst s4  }
0xd: {  	[smem:$0x3FAF] =	sst s5  }
0xe: {  	[smem:$0x3FB0] =	sst s6  }
0xf: {  	[smem:$0x3FB1] =	sst s7  }
0x10: {  	[smem:$0x3FB2] =	sst s8  }
0x11: {  	[smem:$0x3FB3] =	sst s9;
	s0 =	simm.s32 @!p0 $0x0  }
0x12: {  	s1 =	sld [smem:$0x3F99];
	s0 =	simm.s32 @p0 $0x1  }
0x13: {  	[smem:$0x3FB4] =	sst s0;
	s0 =	simm.s32 @!p1 $0x0  }
0x14: {  	s2 =	sld [smem:$0x3F98];
	s0 =	simm.s32 @p1 $0x1  }
0x15: {  	[smem:$0x3FB5] =	sst s0;
	s0 =	simm.s32 @!p2 $0x0  }
0x16: {  	s3 =	sld [smem:$0x3FDB];
	s0 =	simm.s32 @p2 $0x1  }
0x17: {  	s4 =	simm.s32 $0x1BF5;
	[smem:$0x3FB7] =	sst s0  }
0x18: {  	s0 =	sld [smem:$0x3F9A];
	_ =	swait.ge [sflag:s4], $0x0  }
0x19: {  	s7 =	sld [smem:$0x3F9B]  }
0x1a: {  	s8 =	sadd.s32 $0xFFFFE003, lr  }
0x1b: {  	s9 =	sadd.s32 $0xFFFFFEF7, lr;
	s5 =	simm.s32 $0xFFFFFFFF;
	p2 =	slt.u32 s8, $0xFFFFF086  }
0x1c: {  	p1 =	slt.u32 s9, $0xF7A;
	s5 =	simm.s32 @!p2 $0x0  }
0x1d: {  	s5 =	simm.s32 @p1 $0x1;
	p0 =	seq.s32 s7, s2  }
0x1e: {  	s7 =	smul.u32 @!p0 $0xF7A, s2;
	p2 =	seq.s32 @!p0 s5, $0x0  }
0x1f: {  	s9 =	smul.u32 $0xF7A, s1;
	s8 =	simm.s32 @!p0 $0x1BF5;
	p2 =	por !p2, p0  }
0x20: {  	[sflag:s8] =	ssyncset.s32 @!p0 $0xFFFFF086;
	s6 =	sadd.s32 @!p0 s3, s7;
	s7 =	simm.s32 @!p0 $0x108  }
0x21: {  	s3 =	sadd.s32 s3, s9;
	s6 =	sadd.s32 @!p0 $0x88, s6;
	s7 =	simm.s32 @p2 $0x1082  }
0x22: {  	[simem:s7], [sflag:s8] =	dma.local @!p0 [hbm:s6], $0xF7A  }
0x23: {  	s9 =	sor.u32 $0xD0000000, s2;
	s6 =	simm.s32 $0x108;
	_ =	swait.ge @!p0 [sflag:s8], $0x0  }
0x24: {  	s3 =	sadd.s32 $0x88, s3;
	s6 =	simm.s32 @!p1 $0x1082;
	[sflag:s4] =	ssyncset.s32 $0xFFFFF086  }
0x25: {  	[simem:s6], [sflag:s4] =	dma.local [hbm:s3], $0xF7A  }
0x26: {  	[smem:$0x3F9B] =	sst s1;
	(tag) =	ssettag s2;
	_ =	strace s9  }
0x27: {  	s1 =	sld [smem:$0x3FAB]  }
0x28: {  	s2 =	sld [smem:$0x3FAC]  }
0x29: {  	s4 =	sld [smem:$0x3FAE]  }
0x2a: {  	p0 =	seq.s32 s5, $0x0;
	s5 =	sld [smem:$0x3FAF]  }
0x2b: {  	s6 =	sld [smem:$0x3FB0]  }
0x2c: {  	s7 =	sld [smem:$0x3FB1]  }
0x2d: {  	s3 =	simm.s32 $0x108;
	s8 =	sld [smem:$0x3FB2]  }
0x2e: {  	s3 =	simm.s32 @!p0 $0x1082;
	s9 =	sld [smem:$0x3FB3]  }
0x2f: {  	lr =	sadd.s32 s0, s3;
	s0 =	sld [smem:$0x3FAA]  }
0x30: {  	s3 =	sld [smem:$0x3FAD]  }
0x31: {  	[smem:$0x3FB6] =	sst s10  }
0x32: {  	s10 =	sld [smem:$0x3FB4];
	_ =	sdelay $0x3  }
0x33: {  	p0 =	seq.s32 s10, $0x1;
	s10 =	sld [smem:$0x3FB6];
	_ =	sdelay $0x3  }
0x34: {  	[smem:$0x3FB6] =	sst s10  }
0x35: {  	s10 =	sld [smem:$0x3FB5];
	_ =	sdelay $0x3  }
0x36: {  	p1 =	seq.s32 s10, $0x1;
	s10 =	sld [smem:$0x3FB6];
	_ =	sdelay $0x3  }
0x37: {  	[smem:$0x3FB6] =	sst s10  }
0x38: {  	s10 =	sld [smem:$0x3FB7]  }
0x39: {  	_ = 	snop;
	(pc) =	sbr.ind lr, $3  }
0x3a: {  	_ = 	snop  }
0x3b: {  	_ = 	snop  }
0x3c: {  	p2 =	seq.s32 s10, $0x1;
	s10 =	sld [smem:$0x3FB6]  }
0x3d: {  	_ =	shalt  }
0x3e: {  	_ =	shalt  }
0x3f: {  	_ =	shalt  }
0x40: {  	_ =	shalt  }
0x41: {  	_ =	shalt  }
0x42: {  	_ =	shalt  }
0x43: {  	_ =	shalt  }
0x44: {  	_ =	shalt  }
0x45: {  	_ =	shalt  }
0x46: {  	_ =	shalt  }
0x47: {  	_ =	shalt  }
0x48: {  	_ =	shalt  }
0x49: {  	_ =	shalt  }
0x4a: {  	_ =	shalt  }
0x4b: {  	_ =	shalt  }
0x4c: {  	_ =	shalt  }
0x4d: {  	_ =	shalt  }
0x4e: {  	_ =	shalt  }
0x4f: {  	_ =	shalt  }
0x50: {  	_ =	shalt  }
0x51: {  	_ =	shalt  }
0x52: {  	_ =	shalt  }
0x53: {  	_ =	shalt  }
0x54: {  	_ =	shalt  }
0x55: {  	_ =	shalt  }
0x56: {  	_ =	shalt  }
0x57: {  	_ =	shalt  }
0x58: {  	_ =	shalt  }
0x59: {  	_ =	shalt  }
0x5a: {  	_ =	shalt  }
0x5b: {  	_ =	shalt  }
0x5c: {  	_ =	shalt  }
0x5d: {  	_ =	shalt  }
0x5e: {  	_ =	shalt  }
0x5f: {  	_ =	shalt  }
0x60: {  	_ =	shalt  }
0x61: {  	_ =	shalt  }
0x62: {  	_ =	shalt  }
0x63: {  	_ =	shalt  }
0x64: {  	_ =	shalt  }
0x65: {  	_ =	shalt  }
0x66: {  	_ =	shalt  }
0x67: {  	_ =	shalt  }
0x68: {  	_ =	shalt  }
0x69: {  	_ =	shalt  }
0x6a: {  	_ =	shalt  }
0x6b: {  	_ =	shalt  }
0x6c: {  	_ =	shalt  }
0x6d: {  	_ =	shalt  }
0x6e: {  	_ =	shalt  }
0x6f: {  	_ =	shalt  }
0x70: {  	_ =	shalt  }
0x71: {  	_ =	shalt  }
0x72: {  	_ =	shalt  }
0x73: {  	_ =	shalt  }
0x74: {  	_ =	shalt  }
0x75: {  	_ =	shalt  }
0x76: {  	_ =	shalt  }
0x77: {  	_ =	shalt  }
0x78: {  	_ =	shalt  }
0x79: {  	_ =	shalt  }
0x7a: {  	_ =	shalt  }
0x7b: {  	_ =	shalt  }
0x7c: {  	_ =	shalt  }
0x7d: {  	_ =	shalt  }
0x7e: {  	_ =	shalt  }
0x7f: {  	_ =	shalt  }
0x80: {  	_ =	shalt  }
0x81: {  	_ =	shalt  }
0x82: {  	_ =	shalt  }
0x83: {  	_ =	shalt  }
0x84: {  	_ =	shalt  }
0x85: {  	_ =	shalt  }
0x86: {  	_ =	shalt  }
0x87: {  	_ =	shalt  }
.Lfunc_end0:
.L_simem_size_0:
called_computation_lowered:
.L_overlay_start_0:
0x88: {  	s2 =	sld [smem:$0x3FD9]  }
0x89: {  	s3 =	sld [smem:$0x3FFE];
	_ =	sdelay $0x1  }
0x8a: {  	s1 =	srdreg.scid  }
0x8b: {  	s0 =	sand.u32 $0x1, s1  }
0x8c: {  	s17 =	sshll.u32 s0, $0xA;
	s2 =	sadd.s32 s3, s2  }
0x8d: {  	s2 =	sadd.s32 s2, s17  }
0x8e: {  	[smem:$0x3FC2] =	sst s2  }
0x8f: {  	_ = 	snop  }
0x90: {  	s2 =	sld [smem:$0x3FD0];
	(tm) =	ssettm $0x1  }
0x91: {  	s18 =	sld [smem:$0x3FFB];
	_ =	sdelay $0x3  }
0x92: {  	_ =	strace s18  }
0x93: {  	s3 =	sld [smem:$0x3FFC];
	_ =	sdelay $0x3  }
0x94: {  	_ =	strace s3  }
0x95: {  	s3 =	sld [smem:$0x3FFD];
	_ =	sdelay $0x3  }
0x96: {  	_ =	strace s3  }
0x97: {  	_ =	strace $0x8FFFFFFF  }
0x98: {  	s19 =	sld [smem:$0x3FDB];
	_ =	sdelay $0x1  }
0x99: {  	s4 =	simm.s32 $_scs_section_size  }
0x9a: {  	s5 =	simm.s32 $_size__tile_overlayer_lowered;
	s6 =	simm.s32 $_tile_overlayer_lowered  }
0x9b: {  	s22 =	simm.s32 $0x1BFF;
	s21 =	sshll.u32 s6, $0x1;
	s3 =	sadd.s32 s4, s19  }
0x9c: {  	s7 =	simm.s32 $0x0;
	s20 =	sshll.u32 s5, $0x1;
	s5 =	sadd.s32 s21, s3  }
0x9d: {  	[timem:s7], [sflag:s22] =	dma.local [hbm:s5], s20  }
0x9e: {  	_ =	swait.ge [sflag:s22], s20  }
0x9f: {  	s4 =	ssub.s32 $0x0, s20;
	[sflag:s22] =	ssyncset.done $0x0  }
0xa0: {  	[sflag:s22] =	ssyncadd.s32 s4;
	_ =	sdelay $0x1  }
0xa1: {  	s23 =	simm.s32 $0x1B8B  }
0xa2: {  	_ =	swait.ge [sflag:s23], $0x1  }
0xa3: {  	[sflag:s23] =	ssyncset.done $0x0  }
0xa4: {  	s25 =	simm.s32 $0x1B8E;
	s24 =	sld [smem:$0x3FFE];
	[sflag:s23] =	ssyncadd.s32 $0xFFFFFFFF  }
0xa5: {  	s26 =	simm.s32 $execute0_lowered;
	[smem:$0x3FD2] =	sst s25  }
0xa6: {  	s5 =	sshll.u32 s26, $0x1;
	_ =	strace $0x80000046;
	[dreg:$0x1] =	wrdreg $0xFFFFFFFF  }
0xa7: {  	s28 =	simm.s32 $_size_execute0_lowered;
	s3 =	sadd.s32 s3, s5;
	[dreg:$0x0] =	wrdreg $0x0  }
0xa8: {  	s5 =	sshll.u32 s28, $0x1;
	[dreg:$0x2] =	wrdreg s3  }
0xa9: {  	[dreg:$0x3] =	wrdreg s5  }
0xaa: {  	[dreg:$0x4] =	wrdreg $0xC0  }
0xab: {  	_ =	task [dreg:s7], $0x5FFFF  }
0xac: {  	[dreg:$0x1] =	wrdreg $0xFFFFFFFF  }
0xad: {  	[dreg:$0x0] =	wrdreg $0x60  }
0xae: {  	[dreg:$0x2] =	wrdreg s24  }
0xaf: {  	[dreg:$0x3] =	wrdreg s2  }
0xb0: {  	[dreg:$0x4] =	wrdreg $0x0  }
0xb1: {  	[dreg:$0x5] =	wrdreg $0x7D800  }
0xb2: {  	[dreg:$0x6] =	wrdreg $0x55800  }
0xb3: {  	[dreg:$0x7] =	wrdreg $0x9  }
0xb4: {  	_ =	task.clear_ibuf [dreg:s7], $0x8FFFF;
	_ =	strace $0x90000046  }
0xb5: {  	s29 =	simm.s32 $0x9;
	_ =	strace $0x80000048  }
0xb6: {  	_ =	swait.ge [sflag:s29], $0x1  }
0xb7: {  	[sflag:s29] =	ssyncadd.s32 $0xFFFFFFFF  }
0xb8: {  	_ =	strace $0x90000048  }
0xb9: {  	_ =	sfence  }
0xba: {  	s30 =	sld [smem:$0x0];
	_ =	sdelay $0x2  }
0xbb: {  	s31 =	sshll.u32 s1, $0xD;
	s1 =	sshrl.u32 s1, $0x2  }
0xbc: {  	s3 =	sand.u32 $0x4000, s31;
	s1 =	sadd.s32 s1, s30  }
0xbd: {  	s0 =	sor.u32 s3, s0;
	s1 =	sshll.u32 s1, $0x11  }
0xbe: {  	s0 =	sor.u32 s1, s0  }
0xbf: {  	s0 =	sadd.s32 $0x8F2B, s0  }
0xc0: {  	[sflag:s0] =	ssyncadd.remote.s32 $0x1  }
0xc1: {  	_ =	sfence.sel $0xFFFF  }
0xc2: {  	[dreg:$0x0] =	wrdreg $0xFFFFFFFF;
	(pc) =	sbr.abs _section_cstart, $3  }
0xc3: {  	[dreg:$0x1] =	wrdreg $0xFFFFFFFF  }
0xc4: {  	_ =	task.clear_ibuf [dreg:s7], $0x2FFFF;
	_ =	strace $0x9FFFFFFF  }
0xc5: {  	(tm) =	ssettm $0x7FFFFFFF  }
tec
execute0_lowered:
.L_overlay_start_1:
0x0: {  	(tag) =	ssettag $0x1  }
0x1: {  	s0 =	rddreg [dreg:$0x0]  }
0x2: {  	s1 =	srdreg.scid;
	s5 =	rddreg [dreg:$0x1]  }
0x3: {  	s12 =	stileid.u32;
	s2 =	rddreg [dreg:$0x2];
	s9 =	simm.s32 $0x0  }
0x4: {  	s30 =	simm.s32 $0x80;
	s31 =	simm.s32 $0x5280;
	s7 =	smul.u32 $0x2800, s12  }
0x5: {  	s28 =	simm.s32 $0x12000;
	s29 =	simm.s32 $0x13000;
	s21 =	smul.u32 $0xA00, s12  }
0x6: {  	s1 =	sand.u32 $0x1, s1;
	s3 =	sshll.u32 s12, $0x1;
	s12 =	smul.u32 $0x280, s12  }
0x7: {  	[smem:$0x7FF] =	sst s9;
	s4 =	sor.u32 s1, s3;
	s8 =	smul.u32 $0x28000, s1  }
0x8: {  	s3 =	rddreg [dreg:$0x3];
	s11 =	ssub.s32 $0x2, s1;
	s24 =	smul.u32 $0xA000, s1  }
0x9: {  	p0 =	sne.s32 s1, $0x0;
	s1 =	simm.s32 $0x9;
	s6 =	smul.u32 $0x500, s4  }
0xa: {  	s4 =	rddreg [dreg:$0x4];
	_ =	strace $0x80000047;
	s9 =	sadd.s32 s21, s0  }
0xb: {  	s10 =	sshrl.u32 s7, $0x3;
	s22 =	sshrl.u32 s11, $0x1;
	s26 =	sadd.s32 s7, s3  }
0xc: {  	s15 =	sshrl.u32 s12, $0x3;
	s25 =	sadd.s32 $0x1800, s9;
	[dreg:$0xb] =	wrdreg s26  }
0xd: {  	s8 =	sadd.s32 s7, s8;
	s9 =	sadd.s32 s12, s2;
	[dreg:$0x9] =	wrdreg s25  }
0xe: {  	s14 =	sadd.s32 s7, s4;
	s13 =	sshrl.u32 s24, $0x2;
	[dreg:$0xa] =	wrdreg s9  }
0xf: {  	s7 =	simm.s32 $0xC;
	s16 =	sor.u32 $0x280, s13;
	[dreg:$0xc] =	wrdreg s14  }
0x10: {  	s6 =	sadd.s32 s6, s0;
	s19 =	sadd.s32 $0x2680, s13;
	[dreg:$0x6] =	wrdreg s16  }
0x11: {  	s8 =	sshrl.u32 s8, $0x3;
	s20 =	sadd.s32 $0x2700, s13;
	[dreg:$0x11] =	wrdreg s19  }
0x12: {  	s21 =	sadd.s32 $0x2780, s13;
	s24 =	sadd.s32 $0x2900, s13;
	[dreg:$0x12] =	wrdreg s20  }
0x13: {  	s25 =	sadd.s32 $0x2980, s13;
	s26 =	sadd.s32 $0x2A00, s13;
	[dreg:$0x13] =	wrdreg s21  }
0x14: {  	s8 =	sadd.s32 s8, s0;
	s0 =	sadd.s32 s10, s0;
	[dreg:$0x16] =	wrdreg s24  }
0x15: {  	s10 =	ssub.s32 s11, s22;
	s6 =	sadd.s32 $0xB800, s6;
	[dreg:$0x17] =	wrdreg s25  }
0x16: {  	s22 =	sadd.s32 $0x2800, s13;
	[dreg:$0x18] =	wrdreg s26;
	s11 =	simm.s32 $0xA580  }
0x17: {  	s26 =	simm.s32 $0x12;
	s19 =	simm.s32 $0x2;
	s20 =	simm.s32 $0x3  }
0x18: {  	s21 =	simm.s32 $0x4;
	s24 =	simm.s32 $0x8;
	[dreg:$0x8] =	wrdreg s6  }
0x19: {  	s23 =	sadd.s32 $0x15800, s0;
	s0 =	sadd.s32 $0x24800, s0;
	[dreg:$0x14] =	wrdreg s22  }
0x1a: {  	s17 =	sadd.s32 $0x1A800, s8;
	s18 =	smax.u32 s10, $0x1;
	[dreg:$0x7] =	wrdreg s23  }
0x1b: {  	s8 =	simm.s32 $0xCD80;
	s6 =	simm.s32 $0xB;
	[dreg:$0xd] =	wrdreg s0  }
0x1c: {  	s22 =	simm.s32 $0x5;
	s0 =	sadd.s32 s5, s15;
	[dreg:$0xf] =	wrdreg s17  }
0x1d: {  	[dreg:$0x10] =	wrdreg s18;
	s23 =	sadd.s32 $0x2880, s13;
	s5 =	simm.s32 $0x0  }
0x1e: {  	s17 =	simm.s32 $0x12800;
	s18 =	simm.s32 $0x1;
	[dreg:$0xe] =	wrdreg s0  }
0x1f: {  	v0 =	vimm.f32 $1.000000000e+00;
	v1 =	vimm.f32 $0.0e+00;
	[dreg:$0x15] =	wrdreg s23;
	s0 =	simm.s32 $0xA;
	s23 =	simm.s32 $0x6  }
.LBB2_1:
0x20: {  	[tilespmem:$0x5280] =	vst v0  }
0x21: {  	[tilespmem:$0x5290] =	vst v0  }
0x22: {  	[tilespmem:$0x52A0] =	vst v0  }
0x23: {  	[tilespmem:$0x52B0] =	vst v0  }
0x24: {  	[tilespmem:$0x52C0] =	vst v0  }
0x25: {  	[tilespmem:$0x52D0] =	vst v0  }
0x26: {  	[tilespmem:$0x52E0] =	vst v0  }
0x27: {  	[tilespmem:$0x52F0] =	vst v0  }
0x28: {  	[tilespmem:$0x5300] =	vst v1  }
0x29: {  	[tilespmem:$0x5310] =	vst v1  }
0x2a: {  	[tilespmem:$0x5320] =	vst v1  }
0x2b: {  	[tilespmem:$0x5330] =	vst v1  }
0x2c: {  	[tilespmem:$0x5340] =	vst v1  }
0x2d: {  	[tilespmem:$0x5350] =	vst v1  }
0x2e: {  	[tilespmem:$0x5360] =	vst v1  }
0x2f: {  	[tilespmem:$0x5370] =	vst v1  }
0x30: {  	[tilespmem:$0x5380] =	vst v1  }
0x31: {  	[tilespmem:$0x5390] =	vst v1  }
0x32: {  	[tilespmem:$0x53A0] =	vst v1  }
0x33: {  	[tilespmem:$0x53B0] =	vst v1  }
0x34: {  	[tilespmem:$0x53C0] =	vst v1  }
0x35: {  	[tilespmem:$0x53D0] =	vst v1  }
0x36: {  	[tilespmem:$0x53E0] =	vst v1  }
0x37: {  	[tilespmem:$0x53F0] =	vst v1  }
0x38: {  	[tilespmem:$0x5400] =	vst v1  }
0x39: {  	[tilespmem:$0x5410] =	vst v1  }
0x3a: {  	[tilespmem:$0x5420] =	vst v1  }
0x3b: {  	[tilespmem:$0x5430] =	vst v1  }
0x3c: {  	[tilespmem:$0x5440] =	vst v1  }
0x3d: {  	[tilespmem:$0x5450] =	vst v1  }
0x3e: {  	[tilespmem:$0x5460] =	vst v1  }
0x3f: {  	[tilespmem:$0x5470] =	vst v1  }
0x40: {  	[tilespmem:$0x5480] =	vst v1  }
0x41: {  	[tilespmem:$0x5490] =	vst v1  }
0x42: {  	[tilespmem:$0x54A0] =	vst v1  }
0x43: {  	[tilespmem:$0x54B0] =	vst v1  }
0x44: {  	[tilespmem:$0x54C0] =	vst v1  }
0x45: {  	[tilespmem:$0x54D0] =	vst v1  }
0x46: {  	[tilespmem:$0x54E0] =	vst v1  }
0x47: {  	[tilespmem:$0x54F0] =	vst v1  }
0x48: {  	[tilespmem:$0x5500] =	vst v1  }
0x49: {  	[tilespmem:$0x5510] =	vst v1  }
0x4a: {  	[tilespmem:$0x5520] =	vst v1  }
0x4b: {  	[tilespmem:$0x5530] =	vst v1  }
0x4c: {  	[tilespmem:$0x5540] =	vst v1  }
0x4d: {  	[tilespmem:$0x5550] =	vst v1  }
0x4e: {  	[tilespmem:$0x5560] =	vst v1  }
0x4f: {  	[tilespmem:$0x5570] =	vst v1;
	s10 =	simm.s32 $0x0;
	s12 =	rddreg [dreg:$0x7]  }
0x50: {  	[tilespmem:s8], [sflag:$0x11] =	stream.linear.gather [hbm4b:s12+s10], $0x2800, $0x38;
	[tilespmem:$0x13800] =	vst v63  }
0x51: {  	s25 =	rddreg [dreg:$0x8]  }
0x52: {  	[tilespmem:s11], [sflag:$0x12] =	stream.linear.gather [hbm4b:s25+s10], $0x2800, $0x38;
	[tilespmem:$0x13800] =	vst v63  }
0x53: {  	_ =	swait.ge [sflag:s26], $0x2800  }
0x54: {  	[sflag:s26] =	ssyncset.done $0x0  }
0x55: {  	s13 =	simm.s32 $0x280;
	s8 =	rddreg [dreg:$0x9];
	[sflag:s26] =	ssyncadd.s32 $0xFFFFD800  }
0x56: {  	[tilespmem:s13], [sflag:$0x12] =	stream.linear.gather [hbm4b:s8+s10], $0x5000, $0x38;
	[tilespmem:$0x13800] =	vst v63  }
0x57: {  	_ =	swait.ge [sflag:s26], $0x5000  }
0x58: {  	[sflag:s26] =	ssyncset.done $0x0  }
0x59: {  	s11 =	simm.s32 $0x5300;
	[sflag:s26] =	ssyncadd.s32 $0xFFFFB000  }
0x5a: {  	[spmem:s9] =	stream.linear.scatter [tilespmem:s11], [sflag:$0x12], $0x280, $0x38;
	[tilespmem:$0x13800] =	vst v63  }
0x5b: {  	_ =	swait.ge [sflag:s26], $0x280  }
0x5c: {  	[sflag:s26] =	ssyncset.done $0x0  }
0x5d: {  	[sflag:s26] =	ssyncadd.s32 $0xFFFFFD80  }
0x5e: {  	[bflag:$0x0] =	sbarrier.arrive $0xFFFF  }
0x5f: {  	[spmem:s2] =	stream.indirect.scatter.add.f32 [tilespmem:s31], [sflag:$0x9], $0x1, s13, s30, $0xb8;
	[tilespmem:$0x13800] =	vst v63  }
0x60: {  	s12 =	simm.s32 $0x300  }
0x61: {  	[spmem:s2] =	stream.indirect.scatter.add.f32 [tilespmem:s31], [sflag:$0xA], $0x1, s12, s30, $0xb8;
	[tilespmem:$0x13800] =	vst v63  }
0x62: {  	s13 =	simm.s32 $0x2A80  }
0x63: {  	[spmem:s2] =	stream.indirect.scatter.add.f32 [tilespmem:s31], [sflag:$0xB], $0x1, s13, s30, $0xb8;
	[tilespmem:$0x13800] =	vst v63  }
0x64: {  	s14 =	simm.s32 $0x2B00  }
0x65: {  	[spmem:s2] =	stream.indirect.scatter.add.f32 [tilespmem:s31], [sflag:$0xC], $0x1, s14, s30, $0xb8;
	[tilespmem:$0x13800] =	vst v63  }
0x66: {  	_ =	swait.ge [sflag:s1], $0x80  }
0x67: {  	[sflag:s1] =	ssyncset.done $0x0  }
0x68: {  	s15 =	simm.s32 $0x380;
	[sflag:s1] =	ssyncadd.s32 $0xFFFFFF80  }
0x69: {  	[spmem:s2] =	stream.indirect.scatter.add.f32 [tilespmem:s31], [sflag:$0x9], $0x1, s15, s30, $0xb8;
	[tilespmem:$0x13800] =	vst v63  }
0x6a: {  	_ =	swait.ge [sflag:s0], $0x80  }
0x6b: {  	[sflag:s0] =	ssyncset.done $0x0  }
0x6c: {  	s16 =	simm.s32 $0x400;
	[sflag:s0] =	ssyncadd.s32 $0xFFFFFF80  }
0x6d: {  	[spmem:s2] =	stream.indirect.scatter.add.f32 [tilespmem:s31], [sflag:$0xA], $0x1, s16, s30, $0xb8;
	[tilespmem:$0x13800] =	vst v63  }
0x6e: {  	_ =	swait.ge [sflag:s6], $0x80  }
0x6f: {  	[sflag:s6] =	ssyncset.done $0x0  }
0x70: {  	s25 =	simm.s32 $0x2B80;
	[sflag:s6] =	ssyncadd.s32 $0xFFFFFF80  }
0x71: {  	[spmem:s2] =	stream.indirect.scatter.add.f32 [tilespmem:s31], [sflag:$0xB], $0x1, s25, s30, $0xb8;
	[tilespmem:$0x13800] =	vst v63  }
0x72: {  	_ =	swait.ge [sflag:s7], $0x80  }
0x73: {  	[sflag:s7] =	ssyncset.done $0x0  }
0x74: {  	s10 =	simm.s32 $0xA00;
	s12 =	simm.s32 $0x2C00;
	[sflag:s7] =	ssyncadd.s32 $0xFFFFFF80  }
.LBB2_2:
0x75: {  	[spmem:s2] =	stream.indirect.scatter.add.f32 [tilespmem:s31], [sflag:$0xC], $0x1, s12, s30, $0xb8;
	[tilespmem:$0x13800] =	vst v63  }
0x76: {  	s12 =	smov.u32 s10  }
0x77: {  	p1 =	sne.s32 s10, $0x9E00;
	s10 =	sadd.s32 $0x400, s10;
	_ =	swait.ge [sflag:s1], $0x80  }
0x78: {  	s12 =	sshra.s32 s12, $0x2;
	[sflag:s1] =	ssyncset.done $0x0  }
0x79: {  	s13 =	sadd.s32 $0x200, s12;
	[sflag:s1] =	ssyncadd.s32 $0xFFFFFF80  }
0x7a: {  	[spmem:s2] =	stream.indirect.scatter.add.f32 [tilespmem:s31], [sflag:$0x9], $0x1, s13, s30, $0xb8;
	[tilespmem:$0x13800] =	vst v63  }
0x7b: {  	_ =	swait.ge [sflag:s0], $0x80  }
0x7c: {  	[sflag:s0] =	ssyncset.done $0x0  }
0x7d: {  	s13 =	sadd.s32 $0x280, s12;
	[sflag:s0] =	ssyncadd.s32 $0xFFFFFF80  }
0x7e: {  	[spmem:s2] =	stream.indirect.scatter.add.f32 [tilespmem:s31], [sflag:$0xA], $0x1, s13, s30, $0xb8;
	[tilespmem:$0x13800] =	vst v63  }
0x7f: {  	_ =	swait.ge [sflag:s6], $0x80  }
0x80: {  	[sflag:s6] =	ssyncset.done $0x0  }
.Ltmp0:
0x81: {  	s13 =	sadd.s32 $0x2A00, s12;
	[sflag:s6] =	ssyncadd.s32 $0xFFFFFF80;
	(pc) =	sbr.rel @p1 .LBB2_2-.Ltmp0, $4  }
0x82: {  	[spmem:s2] =	stream.indirect.scatter.add.f32 [tilespmem:s31], [sflag:$0xB], $0x1, s13, s30, $0xb8;
	[tilespmem:$0x13800] =	vst v63  }
0x83: {  	_ =	swait.ge [sflag:s7], $0x80  }
0x84: {  	[sflag:s7] =	ssyncset.done $0x0  }
0x85: {  	s12 =	sadd.s32 $0x2A80, s12;
	[sflag:s7] =	ssyncadd.s32 $0xFFFFFF80  }
0x86: {  	[spmem:s2] =	stream.indirect.scatter.add.f32 [tilespmem:s31], [sflag:$0xC], $0x1, s12, s30, $0xb8;
	[tilespmem:$0x13800] =	vst v63  }
0x87: {  	_ =	swait.ge [sflag:s1], $0x80  }
0x88: {  	[sflag:s1] =	ssyncset.done $0x0  }
0x89: {  	[sflag:s1] =	ssyncadd.s32 $0xFFFFFF80  }
0x8a: {  	_ =	swait.ge [sflag:s0], $0x80  }
0x8b: {  	[sflag:s0] =	ssyncset.done $0x0  }
0x8c: {  	[sflag:s0] =	ssyncadd.s32 $0xFFFFFF80  }
0x8d: {  	_ =	swait.ge [sflag:s6], $0x80  }
0x8e: {  	[sflag:s6] =	ssyncset.done $0x0  }
0x8f: {  	[sflag:s6] =	ssyncadd.s32 $0xFFFFFF80  }
0x90: {  	_ =	swait.ge [sflag:s7], $0x80  }
0x91: {  	[sflag:s7] =	ssyncset.done $0x0  }
0x92: {  	[sflag:s7] =	ssyncadd.s32 $0xFFFFFF80  }
0x93: {  	s10 =	simm.s32 $0x5300;
	[bflag:$0x0] =	sbarrier.arrive $0xFFFF  }
0x94: {  	[tilespmem:s10], [sflag:$0x12] =	stream.linear.gather [spmem:s9], $0x280, $0x38;
	[tilespmem:$0x13800] =	vst v63  }
0x95: {  	_ =	swait.ge [sflag:s26], $0x280  }
0x96: {  	[sflag:s26] =	ssyncset.done $0x0  }
0x97: {  	s10 =	simm.s32 $0x0;
	[sflag:s26] =	ssyncadd.s32 $0xFFFFFD80  }
0x98: {  	v2 =	vld [tilespmem:s10+$0x5300];
	_ =	sdelay $0x4  }
0x99: {  	s26 =	simm.s32 $0x10;
	v2 =	vadd.f32 $1.000000000e+00, v2  }
0x9a: {  	v3 =	vld [tilespmem:s26+$0x5300]  }
0x9b: {  	v4 =	vshra.s32 v2, $0x1;
	v5 =	vmul.f32 $5.000000000e-01, v2  }
0x9c: {  	v2 =	vsub.s32 $0x5F3759DF, v4  }
0x9d: {  	v4 =	vmul.f32 v2, v5  }
0x9e: {  	s12 =	simm.s32 $0x20  }
0x9f: {  	v6 =	vld [tilespmem:s12+$0x5300];
	v3 =	vadd.f32 $1.000000000e+00, v3;
	v4 =	vmul.f32 v2, v4;
	_ =	sdelay $0x1  }
0xa0: {  	v7 =	vshra.s32 v3, $0x1;
	v9 =	vmul.f32 $5.000000000e-01, v3;
	v3 =	vsub.f32 $1.500000000e+00, v4  }
0xa1: {  	v4 =	vsub.s32 $0x5F3759DF, v7  }
0xa2: {  	v7 =	vmul.f32 v4, v9;
	v3 =	vmul.f32 v2, v3  }
0xa3: {  	s13 =	simm.s32 $0x30;
	v2 =	vadd.f32 $1.000000000e+00, v6  }
0xa4: {  	v6 =	vld [tilespmem:s13+$0x5300];
	v7 =	vmul.f32 v4, v7;
	v8 =	vmul.f32 v3, v5  }
0xa5: {  	v10 =	vshra.s32 v2, $0x1;
	v2 =	vmul.f32 $5.000000000e-01, v2  }
0xa6: {  	v7 =	vsub.f32 $1.500000000e+00, v7;
	v10 =	vsub.s32 $0x5F3759DF, v10;
	v8 =	vmul.f32 v8, v3  }
0xa7: {  	v11 =	vmul.f32 v10, v2  }
0xa8: {  	v4 =	vmul.f32 v4, v7;
	v7 =	vsub.f32 $1.500000000e+00, v8  }
0xa9: {  	v6 =	vadd.f32 $1.000000000e+00, v6;
	v11 =	vmul.f32 v10, v11  }
0xaa: {  	s14 =	simm.s32 $0x40;
	v12 =	vmul.f32 v4, v9;
	v7 =	vmul.f32 v7, v3  }
0xab: {  	v8 =	vld [tilespmem:s14+$0x5300];
	v13 =	vshra.s32 v6, $0x1;
	v3 =	vmul.f32 $5.000000000e-01, v6;
	v6 =	vsub.f32 $1.500000000e+00, v11  }
0xac: {  	v14 =	vsub.s32 $0x5F3759DF, v13;
	v11 =	vmul.f32 v12, v4;
	v5 =	vmul.f32 v7, v5  }
0xad: {  	v12 =	vmul.f32 v14, v3;
	v6 =	vmul.f32 v10, v6  }
0xae: {  	v10 =	vsub.f32 $1.500000000e+00, v11;
	v5 =	vmul.f32 v5, v7  }
0xaf: {  	v11 =	vmul.f32 v14, v12;
	v12 =	vmul.f32 v6, v2  }
0xb0: {  	s25 =	simm.s32 $0x50;
	v8 =	vadd.f32 $1.000000000e+00, v8;
	v4 =	vmul.f32 v10, v4  }
0xb1: {  	v15 =	vsub.f32 $1.500000000e+00, v5;
	v16 =	vsub.f32 $1.500000000e+00, v11;
	v11 =	vmul.f32 v12, v6;
	v12 =	vld [tilespmem:s25+$0x5300]  }
0xb2: {  	v13 =	vshra.s32 v8, $0x1;
	v5 =	vmul.f32 $5.000000000e-01, v8  }
0xb3: {  	v8 =	vsub.s32 $0x5F3759DF, v13;
	v10 =	vmul.f32 v4, v9;
	v7 =	vmul.f32 v15, v7  }
0xb4: {  	s15 =	simm.s32 $0x180;
	v13 =	vmul.f32 v8, v5;
	v9 =	vmul.f32 v14, v16  }
.LBB2_4:
0xb5: {  	s16 =	sshra.s32 s15, $0x2  }
0xb6: {  	v14 =	vadd.f32 $1.000000000e+00, v12;
	v11 =	vsub.f32 $1.500000000e+00, v11;
	v10 =	vmul.f32 v10, v4;
	[tilespmem:s10+$0xF580] =	vst v7;
	s10 =	smov.u32 s26;
	s26 =	smov.u32 s12;
	p1 =	sne.s32 s15, $0x9C0  }
.Ltmp1:
0xb7: {  	s12 =	smov.u32 s13;
	s13 =	smov.u32 s14;
	v12 =	vld [tilespmem:s16+$0x5300];
	v7 =	vmul.f32 v8, v13;
	v13 =	vmul.f32 v9, v3;
	(pc) =	sbr.rel @p1 .LBB2_4-.Ltmp1, $4  }
0xb8: {  	s15 =	sadd.s32 $0x40, s15;
	s14 =	smov.u32 s25;
	v15 =	vshra.s32 v14, $0x1;
	v16 =	vmul.f32 v11, v6;
	v17 =	vsub.f32 $1.500000000e+00, v10;
	v6 =	vmovc v9  }
0xb9: {  	s25 =	smov.u32 s16;
	v14 =	vmul.f32 $5.000000000e-01, v14;
	v9 =	vsub.f32 $1.500000000e+00, v7;
	v11 =	vmul.f32 v13, v6  }
0xba: {  	v15 =	vsub.s32 $0x5F3759DF, v15;
	v10 =	vmul.f32 v16, v2;
	v7 =	vmul.f32 v17, v4;
	v4 =	vmovc v16;
	v2 =	vmovc v3  }
0xbb: {  	v13 =	vmul.f32 v15, v14;
	v3 =	vmovc v5;
	v5 =	vmovc v14;
	v9 =	vmul.f32 v8, v9;
	v8 =	vmov v15  }
0xbc: {  	v12 =	vadd.f32 $1.000000000e+00, v12;
	_ =	sdelay $0x1  }
0xbd: {  	v14 =	vshra.s32 v12, $0x1;
	v12 =	vmul.f32 $5.000000000e-01, v12  }
0xbe: {  	v14 =	vsub.s32 $0x5F3759DF, v14  }
0xbf: {  	v15 =	vmul.f32 v14, v12  }
0xc0: {  	v13 =	vmul.f32 v8, v13  }
0xc1: {  	v15 =	vmul.f32 v14, v15  }
0xc2: {  	v13 =	vsub.f32 $1.500000000e+00, v13  }
0xc3: {  	v15 =	vsub.f32 $1.500000000e+00, v15  }
0xc4: {  	v56 =	vmul.f32 v8, v13  }
0xc5: {  	v57 =	vmul.f32 v9, v3;
	v14 =	vmul.f32 v14, v15  }
0xc6: {  	v58 =	vmul.f32 v56, v5  }
0xc7: {  	v13 =	vmul.f32 v57, v9;
	v16 =	vmul.f32 v14, v12  }
0xc8: {  	v11 =	vsub.f32 $1.500000000e+00, v11;
	v15 =	vmul.f32 v58, v56  }
0xc9: {  	v13 =	vsub.f32 $1.500000000e+00, v13;
	v16 =	vmul.f32 v16, v14  }
0xca: {  	v6 =	vmul.f32 v11, v6;
	v59 =	vsub.f32 $1.500000000e+00, v15  }
0xcb: {  	v10 =	vmul.f32 v10, v4;
	v60 =	vmul.f32 v13, v9;
	v61 =	vsub.f32 $1.500000000e+00, v16  }
0xcc: {  	v2 =	vmul.f32 v6, v2;
	v8 =	vmul.f32 v59, v56  }
0xcd: {  	v3 =	vmul.f32 v60, v3;
	v62 =	vmul.f32 v61, v14  }
0xce: {  	v2 =	vmul.f32 v2, v6;
	v5 =	vmul.f32 v8, v5  }
0xcf: {  	v10 =	vsub.f32 $1.500000000e+00, v10;
	v3 =	vmul.f32 v3, v60;
	v12 =	vmul.f32 v62, v12  }
0xd0: {  	v2 =	vsub.f32 $1.500000000e+00, v2;
	v5 =	vmul.f32 v5, v8  }
0xd1: {  	v4 =	vmul.f32 v10, v4;
	v3 =	vsub.f32 $1.500000000e+00, v3;
	v63 =	vmul.f32 v12, v62  }
0xd2: {  	[tilespmem:s10+$0xF580] =	vst v7;
	v2 =	vmul.f32 v2, v6;
	v5 =	vsub.f32 $1.500000000e+00, v5  }
0xd3: {  	[tilespmem:s26+$0xF580] =	vst v4;
	v3 =	vmul.f32 v3, v60;
	v4 =	vsub.f32 $1.500000000e+00, v63  }
0xd4: {  	[tilespmem:s12+$0xF580] =	vst v2;
	v2 =	vmul.f32 v5, v8  }
0xd5: {  	s16 =	simm.s32 $0x0;
	[tilespmem:s13+$0xF580] =	vst v3;
	v3 =	vmul.f32 v4, v62  }
0xd6: {  	[tilespmem:s14+$0xF580] =	vst v2;
	v2 =	vmov s16  }
0xd7: {  	[dreg:$0x19] =	wrdreg s5;
	[tilespmem:s25+$0xF580] =	vst v3;
	s25 =	simm.s32 $0x11  }
0xd8: {  	_ =	swait.ge [sflag:s25], $0x2800  }
0xd9: {  	[sflag:s25] =	ssyncset.done $0x0  }
0xda: {  	s13 =	simm.s32 $0xF580;
	[sflag:s25] =	ssyncadd.s32 $0xFFFFD800  }
0xdb: {  	s10 =	simm.s32 $0xCD80;
	v2 =	vld.idx.msk [tilespmem:v2+s13+$0x0], $0xffff  }
0xdc: {  	v4 =	vld [tilespmem:s10+$0x0];
	_ =	sdelay $0x1  }
0xdd: {  	s26 =	simm.s32 $0x1  }
0xde: {  	s12 =	simm.s32 $0x2;
	v3 =	vmov s26  }
.LBB2_6:
0xdf: {  	p1 =	sne.s32 s12, $0x27F  }
0xe0: {  	v2 =	vmul.f32 v4, v2;
	_ =	sdelay $0x1  }
0xe1: {  	[tilespmem:s10+$0x0] =	vst v2  }
.Ltmp2:
0xe2: {  	s10 =	sadd.s32 $0x10, s10;
	v2 =	vld.idx.msk [tilespmem:v3+s13+$0x0], $0xffff;
	(pc) =	sbr.rel @p1 .LBB2_6-.Ltmp2, $2  }
0xe3: {  	v4 =	vld [tilespmem:s10+$0x0];
	_ =	sdelay $0x2  }
0xe4: {  	v3 =	vmov s12;
	s12 =	sadd.s32 $0x1, s12  }
0xe5: {  	_ = 	snop  }
0xe6: {  	v2 =	vmul.f32 v4, v2;
	_ =	sdelay $0x1  }
0xe7: {  	[tilespmem:s10+$0x0] =	vst v2  }
0xe8: {  	s15 =	sadd.s32 $0x10, s10;
	v2 =	vld.idx.msk [tilespmem:v3+s13+$0x0], $0xffff  }
0xe9: {  	v3 =	vld [tilespmem:s15+$0x0];
	_ =	sdelay $0x4  }
0xea: {  	v2 =	vmul.f32 v3, v2;
	_ =	sdelay $0x1  }
0xeb: {  	s16 =	rddreg [dreg:$0xb];
	s5 =	simm.s32 $0xCD80;
	s25 =	simm.s32 $0x12;
	[tilespmem:s15+$0x0] =	vst v2  }
0xec: {  	[spmem:s16] =	stream.linear.scatter [tilespmem:s5], [sflag:$0x12], $0x2800, $0x38;
	[tilespmem:$0x13800] =	vst v63  }
0xed: {  	_ =	swait.ge [sflag:s25], $0x2800  }
0xee: {  	[sflag:s25] =	ssyncset.done $0x0  }
0xef: {  	s8 =	rddreg [dreg:$0xc];
	[sflag:s25] =	ssyncadd.s32 $0xFFFFD800  }
0xf0: {  	[spmem:s8] =	stream.linear.scatter [tilespmem:s5], [sflag:$0x12], $0x2800, $0x38;
	[tilespmem:$0x13800] =	vst v63  }
0xf1: {  	_ =	swait.ge [sflag:s25], $0x2800  }
0xf2: {  	s12 =	simm.s32 @!p0 $0xCD80;
	[sflag:s25] =	ssyncset.done $0x0  }
0xf3: {  	s10 =	simm.s32 @!p0 $0x0;
	s13 =	rddreg [dreg:$0xd];
	[sflag:s25] =	ssyncadd.s32 $0xFFFFD800  }
0xf4: {  	[hbm4b:s13+s10] =	stream.linear.scatter @!p0 [tilespmem:s12], [sflag:$0x12], $0x2800, $0x38;
	[tilespmem:$0x13800] =	vst v63  }
0xf5: {  	s12 =	simm.s32 @!p0 $0x12  }
0xf6: {  	_ =	swait.ge @!p0 [sflag:s12], $0x2800  }
0xf7: {  	[sflag:s12] =	ssyncset.done @!p0 $0x0  }
0xf8: {  	s13 =	simm.s32 @!p0 $0xF580;
	s14 =	rddreg [dreg:$0xe];
	[sflag:s12] =	ssyncadd.s32 @!p0 $0xFFFFD800  }
0xf9: {  	[hbm4b:s14+s10] =	stream.linear.scatter @!p0 [tilespmem:s13], [sflag:$0x12], $0x280, $0x38;
	[tilespmem:$0x13800] =	vst v63  }
0xfa: {  	_ =	swait.ge @!p0 [sflag:s12], $0x280  }
0xfb: {  	[sflag:s12] =	ssyncset.done @!p0 $0x0  }
0xfc: {  	[sflag:s12] =	ssyncadd.s32 @!p0 $0xFFFFFD80  }
0xfd: {  	s26 =	simm.s32 $0xA580;
	s13 =	simm.s32 $0xF800;
	[bflag:$0x0] =	sbarrier.arrive $0xFFFF  }
0xfe: {  	[tilespmem:s13], [sflag:$0x1] =	stream.indirect.gather [spmem:s3], $0x10, s26, s30, $0xb8;
	[tilespmem:$0x13800] =	vst v63  }
0xff: {  	s8 =	simm.s32 $0xA600;
	s25 =	simm.s32 $0x10000  }
0x100: {  	[tilespmem:s25], [sflag:$0x2] =	stream.indirect.gather [spmem:s3], $0x10, s8, s30, $0xb8;
	[tilespmem:$0x13800] =	vst v63  }
0x101: {  	s9 =	simm.s32 $0xA680;
	s16 =	simm.s32 $0x10800  }
0x102: {  	[tilespmem:s16], [sflag:$0x3] =	stream.indirect.gather [spmem:s3], $0x10, s9, s30, $0xb8;
	[tilespmem:$0x13800] =	vst v63  }
0x103: {  	s11 =	simm.s32 $0xA700;
	s14 =	simm.s32 $0x11000  }
0x104: {  	[tilespmem:s14], [sflag:$0x4] =	stream.indirect.gather [spmem:s3], $0x10, s11, s30, $0xb8;
	[tilespmem:$0x13800] =	vst v63  }
0x105: {  	s15 =	simm.s32 $0x11800;
	s12 =	simm.s32 $0xA780  }
0x106: {  	[tilespmem:s15], [sflag:$0x5] =	stream.indirect.gather [spmem:s3], $0x10, s12, s30, $0xb8;
	[tilespmem:$0x13800] =	vst v63  }
0x107: {  	s26 =	simm.s32 $0xA800  }
0x108: {  	[tilespmem:s28], [sflag:$0x6] =	stream.indirect.gather [spmem:s3], $0x10, s26, s30, $0xb8;
	[tilespmem:$0x13800] =	vst v63  }
0x109: {  	s5 =	simm.s32 $0xA880  }
0x10a: {  	[tilespmem:s17], [sflag:$0x7] =	stream.indirect.gather [spmem:s3], $0x10, s5, s30, $0xb8;
	[tilespmem:$0x13800] =	vst v63  }
0x10b: {  	s8 =	simm.s32 $0xA900  }
0x10c: {  	[tilespmem:s29], [sflag:$0x8] =	stream.indirect.gather [spmem:s3], $0x10, s8, s30, $0xb8;
	[tilespmem:$0x13800] =	vst v63  }
0x10d: {  	_ =	swait.ge [sflag:s18], $0x800  }
0x10e: {  	s9 =	rddreg [dreg:$0x6];
	[sflag:s18] =	ssyncset.done $0x0  }
0x10f: {  	[sflag:s18] =	ssyncadd.s32 $0xFFFFF800;
	s10 =	sadd.s32 $0x0, s9  }
0x110: {  	[spmem:s4] =	stream.indirect.scatter.add.f32 [tilespmem:s13], [sflag:$0x9], $0x10, s10, s30, $0xb8;
	[tilespmem:$0x13800] =	vst v63  }
0x111: {  	_ =	swait.ge [sflag:s19], $0x800  }
0x112: {  	[sflag:s19] =	ssyncset.done $0x0  }
0x113: {  	s11 =	sadd.s32 $0x80, s10;
	[sflag:s19] =	ssyncadd.s32 $0xFFFFF800  }
0x114: {  	[spmem:s4] =	stream.indirect.scatter.add.f32 [tilespmem:s25], [sflag:$0xA], $0x10, s11, s30, $0xb8;
	[tilespmem:$0x13800] =	vst v63  }
0x115: {  	_ =	swait.ge [sflag:s20], $0x800  }
0x116: {  	[sflag:s20] =	ssyncset.done $0x0  }
0x117: {  	s26 =	sadd.s32 $0x100, s10;
	[sflag:s20] =	ssyncadd.s32 $0xFFFFF800  }
0x118: {  	[spmem:s4] =	stream.indirect.scatter.add.f32 [tilespmem:s16], [sflag:$0xB], $0x10, s26, s30, $0xb8;
	[tilespmem:$0x13800] =	vst v63  }
0x119: {  	_ =	swait.ge [sflag:s21], $0x800  }
0x11a: {  	[sflag:s21] =	ssyncset.done $0x0  }
0x11b: {  	s5 =	sadd.s32 $0x180, s10;
	[sflag:s21] =	ssyncadd.s32 $0xFFFFF800  }
0x11c: {  	[spmem:s4] =	stream.indirect.scatter.add.f32 [tilespmem:s14], [sflag:$0xC], $0x10, s5, s30, $0xb8;
	[tilespmem:$0x13800] =	vst v63  }
0x11d: {  	_ =	swait.ge [sflag:s22], $0x800  }
0x11e: {  	[sflag:s22] =	ssyncset.done $0x0  }
0x11f: {  	s8 =	sadd.s32 $0x200, s10;
	[sflag:s22] =	ssyncadd.s32 $0xFFFFF800  }
0x120: {  	[spmem:s4] =	stream.indirect.scatter.add.f32 [tilespmem:s15], [sflag:$0xD], $0x10, s8, s30, $0xb8;
	[tilespmem:$0x13800] =	vst v63  }
0x121: {  	_ =	swait.ge [sflag:s23], $0x800  }
0x122: {  	[sflag:s23] =	ssyncset.done $0x0  }
0x123: {  	s9 =	sadd.s32 $0x280, s10;
	s5 =	simm.s32 $0x7;
	[sflag:s23] =	ssyncadd.s32 $0xFFFFF800  }
0x124: {  	[spmem:s4] =	stream.indirect.scatter.add.f32 [tilespmem:s28], [sflag:$0xE], $0x10, s9, s30, $0xb8;
	[tilespmem:$0x13800] =	vst v63  }
0x125: {  	_ =	swait.ge [sflag:s5], $0x800  }
0x126: {  	[sflag:s5] =	ssyncset.done $0x0  }
0x127: {  	s11 =	sadd.s32 $0x300, s10;
	[sflag:s5] =	ssyncadd.s32 $0xFFFFF800  }
0x128: {  	[spmem:s4] =	stream.indirect.scatter.add.f32 [tilespmem:s17], [sflag:$0xF], $0x10, s11, s30, $0xb8;
	[tilespmem:$0x13800] =	vst v63  }
0x129: {  	_ =	swait.ge [sflag:s24], $0x800  }
0x12a: {  	[sflag:s24] =	ssyncset.done $0x0  }
0x12b: {  	s10 =	sadd.s32 $0x380, s10;
	[sflag:s24] =	ssyncadd.s32 $0xFFFFF800  }
0x12c: {  	[spmem:s4] =	stream.indirect.scatter.add.f32 [tilespmem:s29], [sflag:$0x10], $0x10, s10, s30, $0xb8;
	[tilespmem:$0x13800] =	vst v63  }
0x12d: {  	_ =	swait.ge [sflag:s1], $0x800  }
0x12e: {  	[sflag:s1] =	ssyncset.done $0x0  }
0x12f: {  	s12 =	simm.s32 $0xA980;
	[sflag:s1] =	ssyncadd.s32 $0xFFFFF800  }
0x130: {  	[tilespmem:s13], [sflag:$0x1] =	stream.indirect.gather [spmem:s3], $0x10, s12, s30, $0xb8;
	[tilespmem:$0x13800] =	vst v63  }
0x131: {  	_ =	swait.ge [sflag:s0], $0x800  }
0x132: {  	[sflag:s0] =	ssyncset.done $0x0  }
0x133: {  	s26 =	simm.s32 $0xAA00;
	[sflag:s0] =	ssyncadd.s32 $0xFFFFF800  }
0x134: {  	[tilespmem:s25], [sflag:$0x2] =	stream.indirect.gather [spmem:s3], $0x10, s26, s30, $0xb8;
	[tilespmem:$0x13800] =	vst v63  }
0x135: {  	_ =	swait.ge [sflag:s6], $0x800  }
0x136: {  	[sflag:s6] =	ssyncset.done $0x0  }
0x137: {  	s8 =	simm.s32 $0xAA80;
	[sflag:s6] =	ssyncadd.s32 $0xFFFFF800  }
0x138: {  	[tilespmem:s16], [sflag:$0x3] =	stream.indirect.gather [spmem:s3], $0x10, s8, s30, $0xb8;
	[tilespmem:$0x13800] =	vst v63  }
0x139: {  	_ =	swait.ge [sflag:s7], $0x800  }
0x13a: {  	[sflag:s7] =	ssyncset.done $0x0  }
0x13b: {  	s9 =	simm.s32 $0xAB00;
	s8 =	simm.s32 $0xD;
	[sflag:s7] =	ssyncadd.s32 $0xFFFFF800  }
0x13c: {  	[tilespmem:s14], [sflag:$0x4] =	stream.indirect.gather [spmem:s3], $0x10, s9, s30, $0xb8;
	[tilespmem:$0x13800] =	vst v63  }
0x13d: {  	_ =	swait.ge [sflag:s8], $0x800  }
0x13e: {  	[sflag:s8] =	ssyncset.done $0x0  }
0x13f: {  	s11 =	simm.s32 $0xAB80;
	s9 =	simm.s32 $0xE;
	[sflag:s8] =	ssyncadd.s32 $0xFFFFF800  }
0x140: {  	[tilespmem:s15], [sflag:$0x5] =	stream.indirect.gather [spmem:s3], $0x10, s11, s30, $0xb8;
	[tilespmem:$0x13800] =	vst v63  }
0x141: {  	_ =	swait.ge [sflag:s9], $0x800  }
0x142: {  	[sflag:s9] =	ssyncset.done $0x0  }
0x143: {  	s12 =	simm.s32 $0xAC00;
	s11 =	simm.s32 $0xF;
	[sflag:s9] =	ssyncadd.s32 $0xFFFFF800  }
0x144: {  	[tilespmem:s28], [sflag:$0x6] =	stream.indirect.gather [spmem:s3], $0x10, s12, s30, $0xb8;
	[tilespmem:$0x13800] =	vst v63  }
0x145: {  	_ =	swait.ge [sflag:s11], $0x800  }
0x146: {  	[sflag:s11] =	ssyncset.done $0x0  }
0x147: {  	s26 =	simm.s32 $0xAC80;
	s12 =	simm.s32 $0x10;
	[sflag:s11] =	ssyncadd.s32 $0xFFFFF800  }
0x148: {  	[tilespmem:s17], [sflag:$0x7] =	stream.indirect.gather [spmem:s3], $0x10, s26, s30, $0xb8;
	[tilespmem:$0x13800] =	vst v63  }
0x149: {  	_ =	swait.ge [sflag:s12], $0x800  }
0x14a: {  	[sflag:s12] =	ssyncset.done $0x0  }
0x14b: {  	s10 =	simm.s32 $0xAD00;
	s26 =	simm.s32 $0x1000;
	[sflag:s12] =	ssyncadd.s32 $0xFFFFF800  }
.LBB2_8:
0x14c: {  	[tilespmem:s29], [sflag:$0x8] =	stream.indirect.gather [spmem:s3], $0x10, s10, s30, $0xb8;
	[tilespmem:$0x13800] =	vst v63  }
0x14d: {  	s10 =	smov.u32 s26;
	_ =	swait.ge [sflag:s18], $0x800  }
0x14e: {  	s10 =	sshra.s32 s10, $0x2;
	s12 =	rddreg [dreg:$0x6];
	[sflag:s18] =	ssyncset.done $0x0  }
0x14f: {  	[sflag:s18] =	ssyncadd.s32 $0xFFFFF800;
	s12 =	sadd.s32 s10, s12  }
0x150: {  	[spmem:s4] =	stream.indirect.scatter.add.f32 [tilespmem:s13], [sflag:$0x9], $0x10, s12, s30, $0xb8;
	[tilespmem:$0x13800] =	vst v63  }
0x151: {  	_ =	swait.ge [sflag:s19], $0x800  }
0x152: {  	[sflag:s19] =	ssyncset.done $0x0  }
0x153: {  	s13 =	sadd.s32 $0x80, s12;
	[sflag:s19] =	ssyncadd.s32 $0xFFFFF800  }
0x154: {  	[spmem:s4] =	stream.indirect.scatter.add.f32 [tilespmem:s25], [sflag:$0xA], $0x10, s13, s30, $0xb8;
	[tilespmem:$0x13800] =	vst v63  }
0x155: {  	_ =	swait.ge [sflag:s20], $0x800  }
0x156: {  	[sflag:s20] =	ssyncset.done $0x0  }
0x157: {  	s13 =	sadd.s32 $0x100, s12;
	[sflag:s20] =	ssyncadd.s32 $0xFFFFF800  }
0x158: {  	[spmem:s4] =	stream.indirect.scatter.add.f32 [tilespmem:s16], [sflag:$0xB], $0x10, s13, s30, $0xb8;
	[tilespmem:$0x13800] =	vst v63  }
0x159: {  	_ =	swait.ge [sflag:s21], $0x800  }
0x15a: {  	[sflag:s21] =	ssyncset.done $0x0  }
0x15b: {  	s13 =	sadd.s32 $0x180, s12;
	[sflag:s21] =	ssyncadd.s32 $0xFFFFF800  }
0x15c: {  	[spmem:s4] =	stream.indirect.scatter.add.f32 [tilespmem:s14], [sflag:$0xC], $0x10, s13, s30, $0xb8;
	[tilespmem:$0x13800] =	vst v63  }
0x15d: {  	_ =	swait.ge [sflag:s22], $0x800  }
0x15e: {  	[sflag:s22] =	ssyncset.done $0x0  }
0x15f: {  	s13 =	sadd.s32 $0x200, s12;
	[sflag:s22] =	ssyncadd.s32 $0xFFFFF800  }
0x160: {  	[spmem:s4] =	stream.indirect.scatter.add.f32 [tilespmem:s15], [sflag:$0xD], $0x10, s13, s30, $0xb8;
	[tilespmem:$0x13800] =	vst v63  }
0x161: {  	_ =	swait.ge [sflag:s23], $0x800  }
0x162: {  	[sflag:s23] =	ssyncset.done $0x0  }
0x163: {  	s13 =	sadd.s32 $0x280, s12;
	[sflag:s23] =	ssyncadd.s32 $0xFFFFF800  }
0x164: {  	[spmem:s4] =	stream.indirect.scatter.add.f32 [tilespmem:s28], [sflag:$0xE], $0x10, s13, s30, $0xb8;
	[tilespmem:$0x13800] =	vst v63  }
0x165: {  	_ =	swait.ge [sflag:s5], $0x800  }
0x166: {  	[sflag:s5] =	ssyncset.done $0x0  }
0x167: {  	s13 =	sadd.s32 $0x300, s12;
	[sflag:s5] =	ssyncadd.s32 $0xFFFFF800  }
0x168: {  	[spmem:s4] =	stream.indirect.scatter.add.f32 [tilespmem:s17], [sflag:$0xF], $0x10, s13, s30, $0xb8;
	[tilespmem:$0x13800] =	vst v63  }
0x169: {  	_ =	swait.ge [sflag:s24], $0x800  }
0x16a: {  	[sflag:s24] =	ssyncset.done $0x0  }
0x16b: {  	s12 =	sadd.s32 $0x380, s12;
	[sflag:s24] =	ssyncadd.s32 $0xFFFFF800  }
0x16c: {  	[spmem:s4] =	stream.indirect.scatter.add.f32 [tilespmem:s29], [sflag:$0x10], $0x10, s12, s30, $0xb8;
	[tilespmem:$0x13800] =	vst v63  }
0x16d: {  	_ =	swait.ge [sflag:s1], $0x800  }
0x16e: {  	[sflag:s1] =	ssyncset.done $0x0  }
0x16f: {  	s13 =	simm.s32 $0xF800;
	s12 =	sadd.s32 $0xA980, s10;
	[sflag:s1] =	ssyncadd.s32 $0xFFFFF800  }
0x170: {  	[tilespmem:s13], [sflag:$0x1] =	stream.indirect.gather [spmem:s3], $0x10, s12, s30, $0xb8;
	[tilespmem:$0x13800] =	vst v63  }
0x171: {  	_ =	swait.ge [sflag:s0], $0x800  }
0x172: {  	[sflag:s0] =	ssyncset.done $0x0  }
0x173: {  	s12 =	sadd.s32 $0xAA00, s10;
	[sflag:s0] =	ssyncadd.s32 $0xFFFFF800  }
0x174: {  	[tilespmem:s25], [sflag:$0x2] =	stream.indirect.gather [spmem:s3], $0x10, s12, s30, $0xb8;
	[tilespmem:$0x13800] =	vst v63  }
0x175: {  	_ =	swait.ge [sflag:s6], $0x800  }
0x176: {  	[sflag:s6] =	ssyncset.done $0x0  }
0x177: {  	s12 =	sadd.s32 $0xAA80, s10;
	[sflag:s6] =	ssyncadd.s32 $0xFFFFF800  }
0x178: {  	[tilespmem:s16], [sflag:$0x3] =	stream.indirect.gather [spmem:s3], $0x10, s12, s30, $0xb8;
	[tilespmem:$0x13800] =	vst v63  }
0x179: {  	_ =	swait.ge [sflag:s7], $0x800  }
0x17a: {  	[sflag:s7] =	ssyncset.done $0x0  }
0x17b: {  	s12 =	sadd.s32 $0xAB00, s10;
	[sflag:s7] =	ssyncadd.s32 $0xFFFFF800  }
0x17c: {  	[tilespmem:s14], [sflag:$0x4] =	stream.indirect.gather [spmem:s3], $0x10, s12, s30, $0xb8;
	[tilespmem:$0x13800] =	vst v63  }
0x17d: {  	_ =	swait.ge [sflag:s8], $0x800  }
0x17e: {  	[sflag:s8] =	ssyncset.done $0x0  }
0x17f: {  	s12 =	sadd.s32 $0xAB80, s10;
	[sflag:s8] =	ssyncadd.s32 $0xFFFFF800  }
0x180: {  	[tilespmem:s15], [sflag:$0x5] =	stream.indirect.gather [spmem:s3], $0x10, s12, s30, $0xb8;
	[tilespmem:$0x13800] =	vst v63  }
0x181: {  	_ =	swait.ge [sflag:s9], $0x800  }
0x182: {  	[sflag:s9] =	ssyncset.done $0x0  }
0x183: {  	s12 =	sadd.s32 $0xAC00, s10;
	[sflag:s9] =	ssyncadd.s32 $0xFFFFF800  }
0x184: {  	[tilespmem:s28], [sflag:$0x6] =	stream.indirect.gather [spmem:s3], $0x10, s12, s30, $0xb8;
	[tilespmem:$0x13800] =	vst v63  }
0x185: {  	_ =	swait.ge [sflag:s11], $0x800  }
0x186: {  	[sflag:s11] =	ssyncset.done $0x0  }
0x187: {  	p1 =	sne.s32 s26, $0x8000;
	s12 =	sadd.s32 $0xAC80, s10;
	[sflag:s11] =	ssyncadd.s32 $0xFFFFF800  }
0x188: {  	[tilespmem:s17], [sflag:$0x7] =	stream.indirect.gather [spmem:s3], $0x10, s12, s30, $0xb8;
	[tilespmem:$0x13800] =	vst v63  }
.Ltmp3:
0x189: {  	_ = 	snop;
	(pc) =	sbr.rel @p1 .LBB2_8-.Ltmp3, $4  }
0x18a: {  	s12 =	simm.s32 $0x10  }
0x18b: {  	_ =	swait.ge [sflag:s12], $0x800  }
0x18c: {  	[sflag:s12] =	ssyncset.done $0x0  }
0x18d: {  	s26 =	sadd.s32 $0x1000, s26;
	s10 =	sadd.s32 $0xAD00, s10;
	[sflag:s12] =	ssyncadd.s32 $0xFFFFF800  }
0x18e: {  	[tilespmem:s29], [sflag:$0x8] =	stream.indirect.gather [spmem:s3], $0x10, s10, s30, $0xb8;
	[tilespmem:$0x13800] =	vst v63  }
0x18f: {  	_ =	swait.ge [sflag:s18], $0x800  }
0x190: {  	[sflag:s18] =	ssyncset.done $0x0  }
0x191: {  	s26 =	rddreg [dreg:$0x11];
	[sflag:s18] =	ssyncadd.s32 $0xFFFFF800  }
0x192: {  	[spmem:s4] =	stream.indirect.scatter.add.f32 [tilespmem:s13], [sflag:$0x9], $0x10, s26, s30, $0xb8;
	[tilespmem:$0x13800] =	vst v63  }
0x193: {  	_ =	swait.ge [sflag:s19], $0x800  }
0x194: {  	[sflag:s19] =	ssyncset.done $0x0  }
0x195: {  	s13 =	rddreg [dreg:$0x12];
	[sflag:s19] =	ssyncadd.s32 $0xFFFFF800  }
0x196: {  	[spmem:s4] =	stream.indirect.scatter.add.f32 [tilespmem:s25], [sflag:$0xA], $0x10, s13, s30, $0xb8;
	[tilespmem:$0x13800] =	vst v63  }
0x197: {  	_ =	swait.ge [sflag:s20], $0x800  }
0x198: {  	[sflag:s20] =	ssyncset.done $0x0  }
0x199: {  	s26 =	rddreg [dreg:$0x13];
	[sflag:s20] =	ssyncadd.s32 $0xFFFFF800  }
0x19a: {  	[spmem:s4] =	stream.indirect.scatter.add.f32 [tilespmem:s16], [sflag:$0xB], $0x10, s26, s30, $0xb8;
	[tilespmem:$0x13800] =	vst v63  }
0x19b: {  	_ =	swait.ge [sflag:s21], $0x800  }
0x19c: {  	[sflag:s21] =	ssyncset.done $0x0  }
0x19d: {  	s13 =	rddreg [dreg:$0x14];
	[sflag:s21] =	ssyncadd.s32 $0xFFFFF800  }
0x19e: {  	[spmem:s4] =	stream.indirect.scatter.add.f32 [tilespmem:s14], [sflag:$0xC], $0x10, s13, s30, $0xb8;
	[tilespmem:$0x13800] =	vst v63  }
0x19f: {  	_ =	swait.ge [sflag:s22], $0x800  }
0x1a0: {  	[sflag:s22] =	ssyncset.done $0x0  }
0x1a1: {  	s16 =	rddreg [dreg:$0x15];
	[sflag:s22] =	ssyncadd.s32 $0xFFFFF800  }
0x1a2: {  	[spmem:s4] =	stream.indirect.scatter.add.f32 [tilespmem:s15], [sflag:$0xD], $0x10, s16, s30, $0xb8;
	[tilespmem:$0x13800] =	vst v63  }
0x1a3: {  	_ =	swait.ge [sflag:s23], $0x800  }
0x1a4: {  	[sflag:s23] =	ssyncset.done $0x0  }
0x1a5: {  	s25 =	rddreg [dreg:$0x16];
	[sflag:s23] =	ssyncadd.s32 $0xFFFFF800  }
0x1a6: {  	[spmem:s4] =	stream.indirect.scatter.add.f32 [tilespmem:s28], [sflag:$0xE], $0x10, s25, s30, $0xb8;
	[tilespmem:$0x13800] =	vst v63  }
0x1a7: {  	_ =	swait.ge [sflag:s5], $0x800  }
0x1a8: {  	[sflag:s5] =	ssyncset.done $0x0  }
0x1a9: {  	s26 =	rddreg [dreg:$0x17];
	[sflag:s5] =	ssyncadd.s32 $0xFFFFF800  }
0x1aa: {  	[spmem:s4] =	stream.indirect.scatter.add.f32 [tilespmem:s17], [sflag:$0xF], $0x10, s26, s30, $0xb8;
	[tilespmem:$0x13800] =	vst v63  }
0x1ab: {  	_ =	swait.ge [sflag:s24], $0x800  }
0x1ac: {  	[sflag:s24] =	ssyncset.done $0x0  }
0x1ad: {  	s5 =	rddreg [dreg:$0x18];
	[sflag:s24] =	ssyncadd.s32 $0xFFFFF800  }
0x1ae: {  	[spmem:s4] =	stream.indirect.scatter.add.f32 [tilespmem:s29], [sflag:$0x10], $0x10, s5, s30, $0xb8;
	[tilespmem:$0x13800] =	vst v63  }
0x1af: {  	_ =	swait.ge [sflag:s1], $0x800  }
0x1b0: {  	[sflag:s1] =	ssyncset.done $0x0  }
0x1b1: {  	[sflag:s1] =	ssyncadd.s32 $0xFFFFF800  }
0x1b2: {  	_ =	swait.ge [sflag:s0], $0x800  }
0x1b3: {  	[sflag:s0] =	ssyncset.done $0x0  }
0x1b4: {  	[sflag:s0] =	ssyncadd.s32 $0xFFFFF800  }
0x1b5: {  	_ =	swait.ge [sflag:s6], $0x800  }
0x1b6: {  	[sflag:s6] =	ssyncset.done $0x0  }
0x1b7: {  	[sflag:s6] =	ssyncadd.s32 $0xFFFFF800  }
0x1b8: {  	_ =	swait.ge [sflag:s7], $0x800  }
0x1b9: {  	[sflag:s7] =	ssyncset.done $0x0  }
0x1ba: {  	[sflag:s7] =	ssyncadd.s32 $0xFFFFF800  }
0x1bb: {  	_ =	swait.ge [sflag:s8], $0x800  }
0x1bc: {  	[sflag:s8] =	ssyncset.done $0x0  }
0x1bd: {  	[sflag:s8] =	ssyncadd.s32 $0xFFFFF800  }
0x1be: {  	_ =	swait.ge [sflag:s9], $0x800  }
0x1bf: {  	[sflag:s9] =	ssyncset.done $0x0  }
0x1c0: {  	[sflag:s9] =	ssyncadd.s32 $0xFFFFF800  }
0x1c1: {  	_ =	swait.ge [sflag:s11], $0x800  }
0x1c2: {  	[sflag:s11] =	ssyncset.done $0x0  }
0x1c3: {  	[sflag:s11] =	ssyncadd.s32 $0xFFFFF800  }
0x1c4: {  	_ =	swait.ge [sflag:s12], $0x800  }
0x1c5: {  	[sflag:s12] =	ssyncset.done $0x0  }
0x1c6: {  	[sflag:s12] =	ssyncadd.s32 $0xFFFFF800  }
0x1c7: {  	s12 =	stileid.u32;
	[bflag:$0x0] =	sbarrier.arrive $0xFFFF  }
0x1c8: {  	s26 =	simm.s32 $0x12;
	s10 =	sshll.u32 s12, $0x6;
	s13 =	rddreg [dreg:$0xc]  }
0x1c9: {  	s10 =	sor.u32 $0x1C12, s10;
	s15 =	rddreg [dreg:$0xf];
	s14 =	sshrl.u32 s13, $0x3  }
0x1ca: {  	[hbm:s15], [sflag:s10] =	dma.local [spmem:s14], $0x500  }
0x1cb: {  	_ =	swait.ge [sflag:s26], $0x500  }
0x1cc: {  	s16 =	rddreg [dreg:$0x19]  }
0x1cd: {  	s25 =	rddreg [dreg:$0x10];
	s5 =	sadd.s32 $0x1, s16  }
0x1ce: {  	p1 =	sne.s32 s5, s25  }
.Ltmp4:
0x1cf: {  	_ = 	snop;
	(pc) =	sbr.rel @p1 .LBB2_1-.Ltmp4, $3  }
0x1d0: {  	_ =	sdelay $0x1  }
0x1d1: {  	s8 =	simm.s32 $0xCD80;
	[sflag:s26] =	ssyncset.done $0x0  }
0x1d2: {  	s11 =	simm.s32 $0xA580;
	s9 =	rddreg [dreg:$0xa];
	[sflag:s26] =	ssyncadd.s32 $0xFFFFFB00  }
0x1d3: {  	_ =	sfence.sel $0x180000  }
0x1d4: {  	[bflag:$0x0] =	sbarrier.arrive $0xFFFF  }
0x1d5: {  	_ =	strace $0x90000047  }
0x1d6: {  	s0 =	stileid.u32;
	[bflag:$0x2] =	sbarrier.arrive $0xFFFF  }
0x1d7: {  	p0 =	sne.s32 s0, $0x0;
	s0 =	rddreg [dreg:$0x5]  }
0x1d8: {  	s0 =	sadd.s32 @!p0 $0x100000, s0  }
0x1d9: {  	[sflag:s0] =	ssyncadd.tile.s32 @!p0 $0x1;
	_ =	shalt  }
.Lfunc_end2:
_tile_overlayer_lowered:
.L_overlay_start_2:
0x1da: {  	(tag) =	ssettag $0x2  }
0x1db: {  	s0 =	rddreg [dreg:$0x0];
	s2 =	stileid.u32  }
0x1dc: {  	s1 =	rddreg [dreg:$0x1];
	p0 =	sne.s32 s2, $0x0  }
0x1dd: {  	s3 =	rddreg [dreg:$0x2];
	[bflag:$0x3] =	sbarrier.arrive $0xFFFF;
	s2 =	simm.s32 @!p0 $0x1C12  }
0x1de: {  	[timem:s3], [sflag:s2] =	dma.local @!p0 [hbm:s0], s1  }
0x1df: {  	s0 =	simm.s32 @!p0 $0x12  }
0x1e0: {  	_ =	swait.ge @!p0 [sflag:s0], s1  }
0x1e1: {  	s1 =	ssub.s32 @!p0 $0x0, s1;
	[sflag:s0] =	ssyncset.done @!p0 $0x0  }
0x1e2: {  	[sflag:s0] =	ssyncadd.s32 @!p0 s1  }
0x1e3: {  	[bflag:$0x3] =	sbarrier.arrive $0xFFFF  }
0x1e4: {  	_ =	shalt  }

// kernel: kernel.9.cloned.1.call-start
scs
__scs_entry_jumppad:
0x0: {  	(pc) =	sbr.rel $0x88, $3  }
0x1: {  	(tag) =	ssettag $0x0;
	lr =	simm.s32 $0x1  }
0x2: {  	[smem:$0x3F9B] =	sst lr;
	_ =	strace $0xD0000000  }
0x3: {  	_ = 	snop  }
0x4: {  	_ = 	snop  }
0x5: {  	_ = 	snop  }
0x6: {  	_ = 	snop  }
0x7: {  	_ = 	snop  }
__scs_overlays_trampoline_lowered:
0x8: {  	[smem:$0x3FAA] =	sst s0  }
0x9: {  	[smem:$0x3FAB] =	sst s1  }
0xa: {  	[smem:$0x3FAC] =	sst s2  }
0xb: {  	[smem:$0x3FAD] =	sst s3  }
0xc: {  	[smem:$0x3FAE] =	sst s4  }
0xd: {  	[smem:$0x3FAF] =	sst s5  }
0xe: {  	[smem:$0x3FB0] =	sst s6  }
0xf: {  	[smem:$0x3FB1] =	sst s7  }
0x10: {  	[smem:$0x3FB2] =	sst s8  }
0x11: {  	[smem:$0x3FB3] =	sst s9;
	s0 =	simm.s32 @!p0 $0x0  }
0x12: {  	s1 =	sld [smem:$0x3F99];
	s0 =	simm.s32 @p0 $0x1  }
0x13: {  	[smem:$0x3FB4] =	sst s0;
	s0 =	simm.s32 @!p1 $0x0  }
0x14: {  	s2 =	sld [smem:$0x3F98];
	s0 =	simm.s32 @p1 $0x1  }
0x15: {  	[smem:$0x3FB5] =	sst s0;
	s0 =	simm.s32 @!p2 $0x0  }
0x16: {  	s3 =	sld [smem:$0x3FDB];
	s0 =	simm.s32 @p2 $0x1  }
0x17: {  	s4 =	simm.s32 $0x1BF5;
	[smem:$0x3FB7] =	sst s0  }
0x18: {  	s0 =	sld [smem:$0x3F9A];
	_ =	swait.ge [sflag:s4], $0x0  }
0x19: {  	s7 =	sld [smem:$0x3F9B]  }
0x1a: {  	s8 =	sadd.s32 $0xFFFFE003, lr  }
0x1b: {  	s9 =	sadd.s32 $0xFFFFFEF7, lr;
	s5 =	simm.s32 $0xFFFFFFFF;
	p2 =	slt.u32 s8, $0xFFFFF086  }
0x1c: {  	p1 =	slt.u32 s9, $0xF7A;
	s5 =	simm.s32 @!p2 $0x0  }
0x1d: {  	s5 =	simm.s32 @p1 $0x1;
	p0 =	seq.s32 s7, s2  }
0x1e: {  	s7 =	smul.u32 @!p0 $0xF7A, s2;
	p2 =	seq.s32 @!p0 s5, $0x0  }
0x1f: {  	s9 =	smul.u32 $0xF7A, s1;
	s8 =	simm.s32 @!p0 $0x1BF5;
	p2 =	por !p2, p0  }
0x20: {  	[sflag:s8] =	ssyncset.s32 @!p0 $0xFFFFF086;
	s6 =	sadd.s32 @!p0 s3, s7;
	s7 =	simm.s32 @!p0 $0x108  }
0x21: {  	s3 =	sadd.s32 s3, s9;
	s6 =	sadd.s32 @!p0 $0x88, s6;
	s7 =	simm.s32 @p2 $0x1082  }
0x22: {  	[simem:s7], [sflag:s8] =	dma.local @!p0 [hbm:s6], $0xF7A  }
0x23: {  	s9 =	sor.u32 $0xD0000000, s2;
	s6 =	simm.s32 $0x108;
	_ =	swait.ge @!p0 [sflag:s8], $0x0  }
0x24: {  	s3 =	sadd.s32 $0x88, s3;
	s6 =	simm.s32 @!p1 $0x1082;
	[sflag:s4] =	ssyncset.s32 $0xFFFFF086  }
0x25: {  	[simem:s6], [sflag:s4] =	dma.local [hbm:s3], $0xF7A  }
0x26: {  	[smem:$0x3F9B] =	sst s1;
	(tag) =	ssettag s2;
	_ =	strace s9  }
0x27: {  	s1 =	sld [smem:$0x3FAB]  }
0x28: {  	s2 =	sld [smem:$0x3FAC]  }
0x29: {  	s4 =	sld [smem:$0x3FAE]  }
0x2a: {  	p0 =	seq.s32 s5, $0x0;
	s5 =	sld [smem:$0x3FAF]  }
0x2b: {  	s6 =	sld [smem:$0x3FB0]  }
0x2c: {  	s7 =	sld [smem:$0x3FB1]  }
0x2d: {  	s3 =	simm.s32 $0x108;
	s8 =	sld [smem:$0x3FB2]  }
0x2e: {  	s3 =	simm.s32 @!p0 $0x1082;
	s9 =	sld [smem:$0x3FB3]  }
0x2f: {  	lr =	sadd.s32 s0, s3;
	s0 =	sld [smem:$0x3FAA]  }
0x30: {  	s3 =	sld [smem:$0x3FAD]  }
0x31: {  	[smem:$0x3FB6] =	sst s10  }
0x32: {  	s10 =	sld [smem:$0x3FB4];
	_ =	sdelay $0x3  }
0x33: {  	p0 =	seq.s32 s10, $0x1;
	s10 =	sld [smem:$0x3FB6];
	_ =	sdelay $0x3  }
0x34: {  	[smem:$0x3FB6] =	sst s10  }
0x35: {  	s10 =	sld [smem:$0x3FB5];
	_ =	sdelay $0x3  }
0x36: {  	p1 =	seq.s32 s10, $0x1;
	s10 =	sld [smem:$0x3FB6];
	_ =	sdelay $0x3  }
0x37: {  	[smem:$0x3FB6] =	sst s10  }
0x38: {  	s10 =	sld [smem:$0x3FB7]  }
0x39: {  	_ = 	snop;
	(pc) =	sbr.ind lr, $3  }
0x3a: {  	_ = 	snop  }
0x3b: {  	_ = 	snop  }
0x3c: {  	p2 =	seq.s32 s10, $0x1;
	s10 =	sld [smem:$0x3FB6]  }
0x3d: {  	_ =	shalt  }
0x3e: {  	_ =	shalt  }
0x3f: {  	_ =	shalt  }
0x40: {  	_ =	shalt  }
0x41: {  	_ =	shalt  }
0x42: {  	_ =	shalt  }
0x43: {  	_ =	shalt  }
0x44: {  	_ =	shalt  }
0x45: {  	_ =	shalt  }
0x46: {  	_ =	shalt  }
0x47: {  	_ =	shalt  }
0x48: {  	_ =	shalt  }
0x49: {  	_ =	shalt  }
0x4a: {  	_ =	shalt  }
0x4b: {  	_ =	shalt  }
0x4c: {  	_ =	shalt  }
0x4d: {  	_ =	shalt  }
0x4e: {  	_ =	shalt  }
0x4f: {  	_ =	shalt  }
0x50: {  	_ =	shalt  }
0x51: {  	_ =	shalt  }
0x52: {  	_ =	shalt  }
0x53: {  	_ =	shalt  }
0x54: {  	_ =	shalt  }
0x55: {  	_ =	shalt  }
0x56: {  	_ =	shalt  }
0x57: {  	_ =	shalt  }
0x58: {  	_ =	shalt  }
0x59: {  	_ =	shalt  }
0x5a: {  	_ =	shalt  }
0x5b: {  	_ =	shalt  }
0x5c: {  	_ =	shalt  }
0x5d: {  	_ =	shalt  }
0x5e: {  	_ =	shalt  }
0x5f: {  	_ =	shalt  }
0x60: {  	_ =	shalt  }
0x61: {  	_ =	shalt  }
0x62: {  	_ =	shalt  }
0x63: {  	_ =	shalt  }
0x64: {  	_ =	shalt  }
0x65: {  	_ =	shalt  }
0x66: {  	_ =	shalt  }
0x67: {  	_ =	shalt  }
0x68: {  	_ =	shalt  }
0x69: {  	_ =	shalt  }
0x6a: {  	_ =	shalt  }
0x6b: {  	_ =	shalt  }
0x6c: {  	_ =	shalt  }
0x6d: {  	_ =	shalt  }
0x6e: {  	_ =	shalt  }
0x6f: {  	_ =	shalt  }
0x70: {  	_ =	shalt  }
0x71: {  	_ =	shalt  }
0x72: {  	_ =	shalt  }
0x73: {  	_ =	shalt  }
0x74: {  	_ =	shalt  }
0x75: {  	_ =	shalt  }
0x76: {  	_ =	shalt  }
0x77: {  	_ =	shalt  }
0x78: {  	_ =	shalt  }
0x79: {  	_ =	shalt  }
0x7a: {  	_ =	shalt  }
0x7b: {  	_ =	shalt  }
0x7c: {  	_ =	shalt  }
0x7d: {  	_ =	shalt  }
0x7e: {  	_ =	shalt  }
0x7f: {  	_ =	shalt  }
0x80: {  	_ =	shalt  }
0x81: {  	_ =	shalt  }
0x82: {  	_ =	shalt  }
0x83: {  	_ =	shalt  }
0x84: {  	_ =	shalt  }
0x85: {  	_ =	shalt  }
0x86: {  	_ =	shalt  }
0x87: {  	_ =	shalt  }
.Lfunc_end0:
.L_simem_size_0:
called_computation.1_lowered:
.L_overlay_start_0:
0x88: {  	s2 =	sld [smem:$0x3FD9]  }
0x89: {  	s3 =	sld [smem:$0x3FFE];
	_ =	sdelay $0x1  }
0x8a: {  	s1 =	srdreg.scid  }
0x8b: {  	s0 =	sand.u32 $0x1, s1  }
0x8c: {  	s17 =	sshll.u32 s0, $0xA;
	s2 =	sadd.s32 s3, s2  }
0x8d: {  	s2 =	sadd.s32 s2, s17  }
0x8e: {  	[smem:$0x3FC2] =	sst s2  }
0x8f: {  	_ = 	snop  }
0x90: {  	s2 =	sld [smem:$0x3FC6]  }
0x91: {  	s18 =	sld [smem:$0x3FD0];
	(tm) =	ssettm $0x1  }
0x92: {  	s4 =	sld [smem:$0x3FFB];
	_ =	sdelay $0x3  }
0x93: {  	_ =	strace s4  }
0x94: {  	s4 =	sld [smem:$0x3FFC];
	_ =	sdelay $0x3  }
0x95: {  	_ =	strace s4  }
0x96: {  	s4 =	sld [smem:$0x3FFD];
	_ =	sdelay $0x3  }
0x97: {  	_ =	strace s4  }
0x98: {  	_ =	strace $0x8FFFFFFF  }
0x99: {  	s19 =	sld [smem:$0x3FDB];
	_ =	sdelay $0x1  }
0x9a: {  	s5 =	simm.s32 $_scs_section_size  }
0x9b: {  	s6 =	simm.s32 $_size__tile_overlayer_lowered;
	s7 =	simm.s32 $_tile_overlayer_lowered  }
0x9c: {  	s22 =	simm.s32 $0x1BFF;
	s21 =	sshll.u32 s7, $0x1;
	s4 =	sadd.s32 s5, s19  }
0x9d: {  	s8 =	simm.s32 $0x0;
	s20 =	sshll.u32 s6, $0x1;
	s6 =	sadd.s32 s21, s4  }
0x9e: {  	[timem:s8], [sflag:s22] =	dma.local [hbm:s6], s20  }
0x9f: {  	_ =	swait.ge [sflag:s22], s20  }
0xa0: {  	s5 =	ssub.s32 $0x0, s20;
	[sflag:s22] =	ssyncset.done $0x0  }
0xa1: {  	[sflag:s22] =	ssyncadd.s32 s5;
	_ =	sdelay $0x1  }
0xa2: {  	s23 =	simm.s32 $0x1B8B  }
0xa3: {  	_ =	swait.ge [sflag:s23], $0x1  }
0xa4: {  	[sflag:s23] =	ssyncset.done $0x0  }
0xa5: {  	s25 =	simm.s32 $0x1B8E;
	s24 =	sld [smem:$0x3FFE];
	[sflag:s23] =	ssyncadd.s32 $0xFFFFFFFF  }
0xa6: {  	s26 =	simm.s32 $execute0_lowered;
	[smem:$0x3FD2] =	sst s25  }
0xa7: {  	s6 =	sshll.u32 s26, $0x1;
	_ =	strace $0x80000049;
	[dreg:$0x1] =	wrdreg $0xFFFFFFFF  }
0xa8: {  	s28 =	simm.s32 $_size_execute0_lowered;
	s4 =	sadd.s32 s4, s6;
	[dreg:$0x0] =	wrdreg $0x0  }
0xa9: {  	s6 =	sshll.u32 s28, $0x1;
	[dreg:$0x2] =	wrdreg s4  }
0xaa: {  	[dreg:$0x3] =	wrdreg s6  }
0xab: {  	[dreg:$0x4] =	wrdreg $0xC0  }
0xac: {  	_ =	task [dreg:s8], $0x5FFFF  }
0xad: {  	[dreg:$0x1] =	wrdreg $0xFFFFFFFF  }
0xae: {  	[dreg:$0x0] =	wrdreg $0x60  }
0xaf: {  	[dreg:$0x2] =	wrdreg s24  }
0xb0: {  	[dreg:$0x3] =	wrdreg s18  }
0xb1: {  	[dreg:$0x4] =	wrdreg s2  }
0xb2: {  	[dreg:$0x5] =	wrdreg $0xA0100  }
0xb3: {  	[dreg:$0x6] =	wrdreg $0x78100  }
0xb4: {  	[dreg:$0x7] =	wrdreg $0x9  }
0xb5: {  	_ =	task.clear_ibuf [dreg:s8], $0x8FFFF;
	_ =	strace $0x90000049  }
0xb6: {  	s29 =	simm.s32 $0x9;
	_ =	strace $0x8000004B  }
0xb7: {  	_ =	swait.ge [sflag:s29], $0x1  }
0xb8: {  	[sflag:s29] =	ssyncadd.s32 $0xFFFFFFFF  }
0xb9: {  	_ =	strace $0x9000004B  }
0xba: {  	_ =	sfence  }
0xbb: {  	s30 =	sld [smem:$0x0];
	_ =	sdelay $0x2  }
0xbc: {  	s31 =	sshll.u32 s1, $0xD;
	s1 =	sshrl.u32 s1, $0x2  }
0xbd: {  	s3 =	sand.u32 $0x4000, s31;
	s1 =	sadd.s32 s1, s30  }
0xbe: {  	s0 =	sor.u32 s3, s0;
	s1 =	sshll.u32 s1, $0x11  }
0xbf: {  	s0 =	sor.u32 s1, s0  }
0xc0: {  	s0 =	sadd.s32 $0x8F2B, s0  }
0xc1: {  	[sflag:s0] =	ssyncadd.remote.s32 $0x1  }
0xc2: {  	_ =	sfence.sel $0xFFFF  }
0xc3: {  	[dreg:$0x0] =	wrdreg $0xFFFFFFFF;
	(pc) =	sbr.abs _section_cstart, $3  }
0xc4: {  	[dreg:$0x1] =	wrdreg $0xFFFFFFFF  }
0xc5: {  	_ =	task.clear_ibuf [dreg:s8], $0x2FFFF;
	_ =	strace $0x9FFFFFFF  }
0xc6: {  	(tm) =	ssettm $0x7FFFFFFF  }
0xc7: {  	_ =	shalt  }
tec
execute0_lowered:
.L_overlay_start_1:
0x0: {  	(tag) =	ssettag $0x1  }
0x1: {  	s0 =	rddreg [dreg:$0x0]  }
0x2: {  	s1 =	rddreg [dreg:$0x1]  }
0x3: {  	s2 =	rddreg [dreg:$0x3];
	s3 =	srdreg.scid  }
0x4: {  	s10 =	stileid.u32;
	s4 =	rddreg [dreg:$0x4]  }
0x5: {  	s8 =	simm.s32 $0x0;
	s18 =	simm.s32 $0x13290;
	s31 =	simm.s32 $0x13A90  }
0x6: {  	s29 =	simm.s32 $0x14290;
	s11 =	simm.s32 $0x9;
	s12 =	simm.s32 $0xA  }
0x7: {  	s14 =	simm.s32 $0xC;
	s15 =	simm.s32 $0xD;
	s16 =	simm.s32 $0xE  }
0x8: {  	s13 =	simm.s32 $0x13;
	s17 =	simm.s32 $0x0;
	s6 =	smul.u32 $0x2800, s10  }
0x9: {  	s3 =	sand.u32 $0x1, s3;
	s5 =	sshll.u32 s10, $0x1;
	s10 =	smul.u32 $0x50, s10  }
0xa: {  	[smem:$0x7FF] =	sst s8;
	s5 =	sor.u32 s3, s5;
	s7 =	smul.u32 $0x28000, s3  }
0xb: {  	_ =	strace $0x8000004A;
	s9 =	ssub.s32 $0x2, s3;
	p0 =	sne.s32 s3, $0x0  }
0xc: {  	s3 =	simm.s32 $0x12A90;
	s5 =	smul.u32 $0x500, s5;
	s19 =	sshrl.u32 s6, $0x3  }
0xd: {  	s20 =	sshrl.u32 s9, $0x1;
	s1 =	sadd.s32 s1, s10;
	s26 =	sadd.s32 s6, s2  }
0xe: {  	s10 =	simm.s32 $0x8;
	s7 =	sadd.s32 s6, s7;
	[dreg:$0x9] =	wrdreg s1  }
0xf: {  	s8 =	ssub.s32 s9, s20;
	[dreg:$0xc] =	wrdreg s26;
	s26 =	simm.s32 $0x80  }
0x10: {  	s1 =	simm.s32 $0x15290;
	s5 =	sadd.s32 s5, s0;
	s30 =	smax.u32 s8, $0x1  }
0x11: {  	s7 =	sshrl.u32 s7, $0x3;
	s24 =	sadd.s32 $0xB800, s5;
	[dreg:$0x10] =	wrdreg s30  }
0x12: {  	s7 =	sadd.s32 s7, s0;
	s25 =	sadd.s32 $0x1800, s5;
	[dreg:$0xa] =	wrdreg s24  }
0x13: {  	s0 =	sadd.s32 s19, s0;
	s19 =	sadd.s32 s6, s4;
	[dreg:$0xb] =	wrdreg s25  }
0x14: {  	s9 =	simm.s32 $0x7;
	s21 =	sadd.s32 $0x1A800, s0;
	[dreg:$0xd] =	wrdreg s19  }
0x15: {  	s20 =	simm.s32 $0xB;
	s22 =	sadd.s32 $0x1F800, s0;
	[dreg:$0x6] =	wrdreg s21  }
0x16: {  	s8 =	simm.s32 $0x6;
	s23 =	sadd.s32 $0x24800, s0;
	[dreg:$0x7] =	wrdreg s22  }
0x17: {  	s6 =	simm.s32 $0x4;
	s0 =	sadd.s32 $0x15800, s0;
	[dreg:$0x8] =	wrdreg s23  }
0x18: {  	s28 =	sadd.s32 $0x29800, s7;
	s7 =	simm.s32 $0x5;
	[dreg:$0xe] =	wrdreg s0  }
0x19: {  	s24 =	simm.s32 $0x12;
	[dreg:$0xf] =	wrdreg s28;
	s0 =	simm.s32 $0x14A90  }
0x1a: {  	s21 =	simm.s32 $0xF;
	s22 =	simm.s32 $0x10;
	s23 =	simm.s32 $0x11  }
.LBB2_1:
0x1b: {  	[dreg:$0x11] =	wrdreg s17  }
0x1c: {  	s19 =	simm.s32 $0x0;
	s5 =	rddreg [dreg:$0x6];
	s30 =	simm.s32 $0xF010  }
0x1d: {  	[tilespmem:s30], [sflag:$0x1] =	stream.linear.gather [hbm4b:s5+s19], $0x2800, $0x38;
	[tilespmem:$0x15A90] =	vst v63  }
0x1e: {  	s25 =	simm.s32 $0x2800;
	s17 =	rddreg [dreg:$0x7]  }
0x1f: {  	[tilespmem:s25], [sflag:$0x2] =	stream.linear.gather [hbm4b:s17+s19], $0x2800, $0x38;
	[tilespmem:$0x15A90] =	vst v63  }
0x20: {  	s5 =	simm.s32 $0x5000;
	s30 =	rddreg [dreg:$0x8]  }
0x21: {  	[tilespmem:s5], [sflag:$0x3] =	stream.linear.gather [hbm4b:s30+s19], $0x2800, $0x38;
	[tilespmem:$0x15A90] =	vst v63  }
0x22: {  	s28 =	simm.s32 $0x11810;
	s30 =	rddreg [dreg:$0x9]  }
0x23: {  	[tilespmem:s28], [sflag:$0x14] =	stream.linear.gather [hbm4b:s30+s19], $0x280, $0x38;
	[tilespmem:$0x15A90] =	vst v63  }
0x24: {  	s17 =	rddreg [dreg:$0x2];
	s19 =	simm.s32 $0x7800;
	s30 =	simm.s32 $0x0  }
0x25: {  	[tilespmem:s19], [sflag:$0x15] =	stream.linear.gather [hbm4b:s17+s30], $0x10, $0x38;
	[tilespmem:$0x15A90] =	vst v63  }
0x26: {  	s19 =	simm.s32 $0x15  }
0x27: {  	_ =	swait.ge [sflag:s19], $0x10  }
0x28: {  	s30 =	simm.s32 $0x0;
	[sflag:s19] =	ssyncset.done $0x0  }
0x29: {  	s17 =	rddreg [dreg:$0xa];
	[sflag:s19] =	ssyncadd.s32 $0xFFFFFFF0;
	s19 =	simm.s32 $0xC810  }
0x2a: {  	[tilespmem:s19], [sflag:$0x15] =	stream.linear.gather [hbm4b:s17+s30], $0x2800, $0x38;
	[tilespmem:$0x15A90] =	vst v63  }
0x2b: {  	s30 =	simm.s32 $0x15  }
0x2c: {  	_ =	swait.ge [sflag:s30], $0x2800  }
0x2d: {  	s19 =	simm.s32 $0x0;
	[sflag:s30] =	ssyncset.done $0x0  }
0x2e: {  	s17 =	rddreg [dreg:$0xb];
	[sflag:s30] =	ssyncadd.s32 $0xFFFFD800;
	s30 =	simm.s32 $0x15  }
0x2f: {  	[tilespmem:s19], [sflag:$0x15] =	stream.linear.gather [hbm4b:s17+s19], $0x2800, $0x38;
	[tilespmem:$0x15A90] =	vst v63  }
0x30: {  	_ =	swait.ge [sflag:s30], $0x2800  }
0x31: {  	[sflag:s30] =	ssyncset.done $0x0  }
0x32: {  	s19 =	simm.s32 $0x1;
	[sflag:s30] =	ssyncadd.s32 $0xFFFFD800  }
0x33: {  	_ =	swait.ge [sflag:s19], $0x2800  }
0x34: {  	[sflag:s19] =	ssyncset.done $0x0  }
0x35: {  	s30 =	simm.s32 $0x2;
	[sflag:s19] =	ssyncadd.s32 $0xFFFFD800  }
0x36: {  	_ =	swait.ge [sflag:s30], $0x2800  }
0x37: {  	[sflag:s30] =	ssyncset.done $0x0  }
0x38: {  	s19 =	simm.s32 $0x3;
	[sflag:s30] =	ssyncadd.s32 $0xFFFFD800  }
0x39: {  	_ =	swait.ge [sflag:s19], $0x2800  }
0x3a: {  	[sflag:s19] =	ssyncset.done $0x0  }
0x3b: {  	s30 =	simm.s32 $0x14;
	[sflag:s19] =	ssyncadd.s32 $0xFFFFD800  }
0x3c: {  	_ =	swait.ge [sflag:s30], $0x280  }
0x3d: {  	s19 =	simm.s32 $0x0;
	[sflag:s30] =	ssyncset.done $0x0  }
0x3e: {  	v0 =	vmov s19;
	s19 =	simm.s32 $0xF010;
	[sflag:s30] =	ssyncadd.s32 $0xFFFFFD80  }
0x3f: {  	v1 =	vld [tilespmem:s19+$0x0]  }
0x40: {  	v2 =	vld [tilespmem:s25+$0x0];
	_ =	sdelay $0x1  }
0x41: {  	v3 =	vld [tilespmem:s5+$0x0];
	_ =	sdelay $0x1  }
0x42: {  	v4 =	vld.idx.msk [tilespmem:v0+s28+$0x0], $0xffff  }
0x43: {  	v1 =	vadd.f32 v2, v1  }
0x44: {  	v0 =	vld [tilespmem:$0x7800]  }
0x45: {  	v1 =	vsub.f32 v1, v3;
	_ =	sdelay $0x1  }
0x46: {  	v1 =	vmul.f32 v1, v4;
	_ =	sdelay $0x1  }
0x47: {  	v1 =	vadd.f32 v1, v0;
	_ =	sdelay $0x1  }
0x48: {  	v1 =	vmax.f32 v1, $0.0e+00  }
0x49: {  	v2 =	vmul.f32 v1, v4  }
0x4a: {  	s30 =	simm.s32 $0x1  }
0x4b: {  	s17 =	simm.s32 $0x2;
	v1 =	vmov s30;
	[tilespmem:s19+$0x0] =	vst v2;
	s19 =	simm.s32 $0xF020  }
.LBB2_2:
0x4c: {  	p1 =	sne.s32 s17, $0x27F;
	v2 =	vld [tilespmem:s19+$0x0];
	s25 =	sadd.s32 $0x10, s25  }
0x4d: {  	v3 =	vld [tilespmem:s25+$0x0]  }
0x4e: {  	s5 =	sadd.s32 $0x10, s5  }
0x4f: {  	v4 =	vld [tilespmem:s5+$0x0]  }
0x50: {  	v1 =	vld.idx.msk [tilespmem:v1+s28+$0x0], $0xffff;
	_ =	sdelay $0x1  }
0x51: {  	v2 =	vadd.f32 v3, v2;
	_ =	sdelay $0x1  }
0x52: {  	v2 =	vsub.f32 v2, v4;
	_ =	sdelay $0x1  }
0x53: {  	v2 =	vmul.f32 v2, v1;
	_ =	sdelay $0x1  }
0x54: {  	v2 =	vadd.f32 v2, v0  }
.Ltmp0:
0x55: {  	(pc) =	sbr.rel @p1 .LBB2_2-.Ltmp0, $3  }
0x56: {  	v2 =	vmax.f32 v2, $0.0e+00  }
0x57: {  	v2 =	vmul.f32 v2, v1;
	_ =	sdelay $0x1  }
0x58: {  	v1 =	vmov s17;
	s17 =	sadd.s32 $0x1, s17;
	[tilespmem:s19+$0x0] =	vst v2;
	s19 =	sadd.s32 $0x10, s19  }
0x59: {  	s17 =	sadd.s32 $0x10, s25;
	v3 =	vld [tilespmem:s19+$0x0]  }
0x5a: {  	v2 =	vld [tilespmem:s17+$0x0]  }
0x5b: {  	s5 =	sadd.s32 $0x10, s5  }
0x5c: {  	v4 =	vld [tilespmem:s5+$0x0];
	_ =	sdelay $0x1  }
0x5d: {  	v1 =	vld.idx.msk [tilespmem:v1+s28+$0x0], $0xffff  }
0x5e: {  	v2 =	vadd.f32 v2, v3;
	_ =	sdelay $0x1  }
0x5f: {  	v2 =	vsub.f32 v2, v4;
	_ =	sdelay $0x1  }
0x60: {  	v2 =	vmul.f32 v2, v1;
	_ =	sdelay $0x1  }
0x61: {  	v0 =	vadd.f32 v2, v0;
	_ =	sdelay $0x1  }
0x62: {  	v0 =	vmax.f32 v0, $0.0e+00  }
0x63: {  	v0 =	vmul.f32 v0, v1;
	_ =	sdelay $0x1  }
0x64: {  	s25 =	simm.s32 $0xF010;
	s28 =	simm.s32 $0x15;
	[tilespmem:s19+$0x0] =	vst v0;
	s19 =	rddreg [dreg:$0xc]  }
0x65: {  	[spmem:s19] =	stream.linear.scatter [tilespmem:s25], [sflag:$0x15], $0x2800, $0x38;
	[tilespmem:$0x15A90] =	vst v63  }
0x66: {  	_ =	swait.ge [sflag:s28], $0x2800  }
0x67: {  	[sflag:s28] =	ssyncset.done $0x0  }
0x68: {  	s19 =	rddreg [dreg:$0xd];
	[sflag:s28] =	ssyncadd.s32 $0xFFFFD800  }
0x69: {  	[spmem:s19] =	stream.linear.scatter [tilespmem:s25], [sflag:$0x15], $0x2800, $0x38;
	[tilespmem:$0x15A90] =	vst v63  }
0x6a: {  	_ =	swait.ge [sflag:s28], $0x2800  }
0x6b: {  	s5 =	simm.s32 @!p0 $0x0;
	[sflag:s28] =	ssyncset.done $0x0  }
0x6c: {  	s17 =	simm.s32 @!p0 $0xF010;
	s25 =	rddreg [dreg:$0xe];
	[sflag:s28] =	ssyncadd.s32 $0xFFFFD800  }
0x6d: {  	[hbm4b:s25+s5] =	stream.linear.scatter @!p0 [tilespmem:s17], [sflag:$0x15], $0x2800, $0x38;
	[tilespmem:$0x15A90] =	vst v63  }
0x6e: {  	s5 =	simm.s32 @!p0 $0x15  }
0x6f: {  	_ =	swait.ge @!p0 [sflag:s5], $0x2800  }
0x70: {  	[sflag:s5] =	ssyncset.done @!p0 $0x0  }
0x71: {  	[sflag:s5] =	ssyncadd.s32 @!p0 $0xFFFFD800  }
0x72: {  	s19 =	simm.s32 $0x11A90;
	s25 =	simm.s32 $0xC810;
	[bflag:$0x0] =	sbarrier.arrive $0xFFFF  }
0x73: {  	[tilespmem:s19], [sflag:$0x4] =	stream.indirect.gather [spmem:s2], $0x10, s25, s26, $0xb8;
	[tilespmem:$0x15A90] =	vst v63  }
0x74: {  	s30 =	simm.s32 $0x12290;
	s17 =	simm.s32 $0xC890  }
0x75: {  	[tilespmem:s30], [sflag:$0x5] =	stream.indirect.gather [spmem:s2], $0x10, s17, s26, $0xb8;
	[tilespmem:$0x15A90] =	vst v63  }
0x76: {  	s25 =	simm.s32 $0xC910  }
0x77: {  	[tilespmem:s3], [sflag:$0x6] =	stream.indirect.gather [spmem:s2], $0x10, s25, s26, $0xb8;
	[tilespmem:$0x15A90] =	vst v63  }
0x78: {  	s17 =	simm.s32 $0xC990  }
0x79: {  	[tilespmem:s18], [sflag:$0x7] =	stream.indirect.gather [spmem:s2], $0x10, s17, s26, $0xb8;
	[tilespmem:$0x15A90] =	vst v63  }
0x7a: {  	s25 =	simm.s32 $0xCA10  }
0x7b: {  	[tilespmem:s31], [sflag:$0x8] =	stream.indirect.gather [spmem:s2], $0x10, s25, s26, $0xb8;
	[tilespmem:$0x15A90] =	vst v63  }
0x7c: {  	s17 =	simm.s32 $0xCA90  }
0x7d: {  	[tilespmem:s29], [sflag:$0x9] =	stream.indirect.gather [spmem:s2], $0x10, s17, s26, $0xb8;
	[tilespmem:$0x15A90] =	vst v63  }
0x7e: {  	s25 =	simm.s32 $0xCB10  }
0x7f: {  	[tilespmem:s0], [sflag:$0xA] =	stream.indirect.gather [spmem:s2], $0x10, s25, s26, $0xb8;
	[tilespmem:$0x15A90] =	vst v63  }
0x80: {  	s17 =	simm.s32 $0xCB90  }
0x81: {  	[tilespmem:s1], [sflag:$0xB] =	stream.indirect.gather [spmem:s2], $0x10, s17, s26, $0xb8;
	[tilespmem:$0x15A90] =	vst v63  }
0x82: {  	_ =	swait.ge [sflag:s6], $0x800  }
0x83: {  	[sflag:s6] =	ssyncset.done $0x0  }
0x84: {  	s25 =	simm.s32 $0x0;
	[sflag:s6] =	ssyncadd.s32 $0xFFFFF800  }
0x85: {  	[spmem:s4] =	stream.indirect.scatter.add.f32 [tilespmem:s19], [sflag:$0xC], $0x10, s25, s26, $0xb8;
	[tilespmem:$0x15A90] =	vst v63  }
0x86: {  	_ =	swait.ge [sflag:s7], $0x800  }
0x87: {  	[sflag:s7] =	ssyncset.done $0x0  }
0x88: {  	s17 =	simm.s32 $0x80;
	[sflag:s7] =	ssyncadd.s32 $0xFFFFF800  }
0x89: {  	[spmem:s4] =	stream.indirect.scatter.add.f32 [tilespmem:s30], [sflag:$0xD], $0x10, s17, s26, $0xb8;
	[tilespmem:$0x15A90] =	vst v63  }
0x8a: {  	_ =	swait.ge [sflag:s8], $0x800  }
0x8b: {  	[sflag:s8] =	ssyncset.done $0x0  }
0x8c: {  	s25 =	simm.s32 $0x100;
	[sflag:s8] =	ssyncadd.s32 $0xFFFFF800  }
0x8d: {  	[spmem:s4] =	stream.indirect.scatter.add.f32 [tilespmem:s3], [sflag:$0xE], $0x10, s25, s26, $0xb8;
	[tilespmem:$0x15A90] =	vst v63  }
0x8e: {  	_ =	swait.ge [sflag:s9], $0x800  }
0x8f: {  	[sflag:s9] =	ssyncset.done $0x0  }
0x90: {  	s17 =	simm.s32 $0x180;
	[sflag:s9] =	ssyncadd.s32 $0xFFFFF800  }
0x91: {  	[spmem:s4] =	stream.indirect.scatter.add.f32 [tilespmem:s18], [sflag:$0xF], $0x10, s17, s26, $0xb8;
	[tilespmem:$0x15A90] =	vst v63  }
0x92: {  	_ =	swait.ge [sflag:s10], $0x800  }
0x93: {  	[sflag:s10] =	ssyncset.done $0x0  }
0x94: {  	s25 =	simm.s32 $0x200;
	[sflag:s10] =	ssyncadd.s32 $0xFFFFF800  }
0x95: {  	[spmem:s4] =	stream.indirect.scatter.add.f32 [tilespmem:s31], [sflag:$0x10], $0x10, s25, s26, $0xb8;
	[tilespmem:$0x15A90] =	vst v63  }
0x96: {  	_ =	swait.ge [sflag:s11], $0x800  }
0x97: {  	[sflag:s11] =	ssyncset.done $0x0  }
0x98: {  	s17 =	simm.s32 $0x280;
	[sflag:s11] =	ssyncadd.s32 $0xFFFFF800  }
0x99: {  	[spmem:s4] =	stream.indirect.scatter.add.f32 [tilespmem:s29], [sflag:$0x11], $0x10, s17, s26, $0xb8;
	[tilespmem:$0x15A90] =	vst v63  }
0x9a: {  	_ =	swait.ge [sflag:s12], $0x800  }
0x9b: {  	[sflag:s12] =	ssyncset.done $0x0  }
0x9c: {  	s25 =	simm.s32 $0x300;
	[sflag:s12] =	ssyncadd.s32 $0xFFFFF800  }
0x9d: {  	[spmem:s4] =	stream.indirect.scatter.add.f32 [tilespmem:s0], [sflag:$0x12], $0x10, s25, s26, $0xb8;
	[tilespmem:$0x15A90] =	vst v63  }
0x9e: {  	_ =	swait.ge [sflag:s20], $0x800  }
0x9f: {  	[sflag:s20] =	ssyncset.done $0x0  }
0xa0: {  	s17 =	simm.s32 $0x380;
	[sflag:s20] =	ssyncadd.s32 $0xFFFFF800  }
0xa1: {  	[spmem:s4] =	stream.indirect.scatter.add.f32 [tilespmem:s1], [sflag:$0x13], $0x10, s17, s26, $0xb8;
	[tilespmem:$0x15A90] =	vst v63  }
0xa2: {  	_ =	swait.ge [sflag:s14], $0x800  }
0xa3: {  	[sflag:s14] =	ssyncset.done $0x0  }
0xa4: {  	s25 =	simm.s32 $0xCC10;
	[sflag:s14] =	ssyncadd.s32 $0xFFFFF800  }
0xa5: {  	[tilespmem:s19], [sflag:$0x4] =	stream.indirect.gather [spmem:s2], $0x10, s25, s26, $0xb8;
	[tilespmem:$0x15A90] =	vst v63  }
0xa6: {  	_ =	swait.ge [sflag:s15], $0x800  }
0xa7: {  	[sflag:s15] =	ssyncset.done $0x0  }
0xa8: {  	s17 =	simm.s32 $0xCC90;
	[sflag:s15] =	ssyncadd.s32 $0xFFFFF800  }
0xa9: {  	[tilespmem:s30], [sflag:$0x5] =	stream.indirect.gather [spmem:s2], $0x10, s17, s26, $0xb8;
	[tilespmem:$0x15A90] =	vst v63  }
0xaa: {  	_ =	swait.ge [sflag:s16], $0x800  }
0xab: {  	[sflag:s16] =	ssyncset.done $0x0  }
0xac: {  	s25 =	simm.s32 $0xCD10;
	[sflag:s16] =	ssyncadd.s32 $0xFFFFF800  }
0xad: {  	[tilespmem:s3], [sflag:$0x6] =	stream.indirect.gather [spmem:s2], $0x10, s25, s26, $0xb8;
	[tilespmem:$0x15A90] =	vst v63  }
0xae: {  	_ =	swait.ge [sflag:s21], $0x800  }
0xaf: {  	[sflag:s21] =	ssyncset.done $0x0  }
0xb0: {  	s17 =	simm.s32 $0xCD90;
	[sflag:s21] =	ssyncadd.s32 $0xFFFFF800  }
0xb1: {  	[tilespmem:s18], [sflag:$0x7] =	stream.indirect.gather [spmem:s2], $0x10, s17, s26, $0xb8;
	[tilespmem:$0x15A90] =	vst v63  }
0xb2: {  	_ =	swait.ge [sflag:s22], $0x800  }
0xb3: {  	[sflag:s22] =	ssyncset.done $0x0  }
0xb4: {  	s25 =	simm.s32 $0xCE10;
	[sflag:s22] =	ssyncadd.s32 $0xFFFFF800  }
0xb5: {  	[tilespmem:s31], [sflag:$0x8] =	stream.indirect.gather [spmem:s2], $0x10, s25, s26, $0xb8;
	[tilespmem:$0x15A90] =	vst v63  }
0xb6: {  	_ =	swait.ge [sflag:s23], $0x800  }
0xb7: {  	[sflag:s23] =	ssyncset.done $0x0  }
0xb8: {  	s17 =	simm.s32 $0xCE90;
	[sflag:s23] =	ssyncadd.s32 $0xFFFFF800  }
0xb9: {  	[tilespmem:s29], [sflag:$0x9] =	stream.indirect.gather [spmem:s2], $0x10, s17, s26, $0xb8;
	[tilespmem:$0x15A90] =	vst v63  }
0xba: {  	_ =	swait.ge [sflag:s24], $0x800  }
0xbb: {  	[sflag:s24] =	ssyncset.done $0x0  }
0xbc: {  	s25 =	simm.s32 $0xCF10;
	[sflag:s24] =	ssyncadd.s32 $0xFFFFF800  }
0xbd: {  	[tilespmem:s0], [sflag:$0xA] =	stream.indirect.gather [spmem:s2], $0x10, s25, s26, $0xb8;
	[tilespmem:$0x15A90] =	vst v63  }
0xbe: {  	_ =	swait.ge [sflag:s13], $0x800  }
0xbf: {  	[sflag:s13] =	ssyncset.done $0x0  }
0xc0: {  	s5 =	simm.s32 $0x1000;
	s17 =	simm.s32 $0xCF90;
	[sflag:s13] =	ssyncadd.s32 $0xFFFFF800  }
.LBB2_4:
0xc1: {  	[tilespmem:s1], [sflag:$0xB] =	stream.indirect.gather [spmem:s2], $0x10, s17, s26, $0xb8;
	[tilespmem:$0x15A90] =	vst v63  }
0xc2: {  	s17 =	smov.u32 s5  }
0xc3: {  	p1 =	sne.s32 s5, $0x8000;
	s5 =	sadd.s32 $0x1000, s5;
	_ =	swait.ge [sflag:s6], $0x800  }
0xc4: {  	[sflag:s6] =	ssyncset.done $0x0  }
0xc5: {  	s25 =	sshra.s32 s17, $0x2;
	[sflag:s6] =	ssyncadd.s32 $0xFFFFF800  }
0xc6: {  	[spmem:s4] =	stream.indirect.scatter.add.f32 [tilespmem:s19], [sflag:$0xC], $0x10, s25, s26, $0xb8;
	[tilespmem:$0x15A90] =	vst v63  }
0xc7: {  	_ =	swait.ge [sflag:s7], $0x800  }
0xc8: {  	[sflag:s7] =	ssyncset.done $0x0  }
0xc9: {  	s17 =	sadd.s32 $0x80, s25;
	[sflag:s7] =	ssyncadd.s32 $0xFFFFF800  }
0xca: {  	[spmem:s4] =	stream.indirect.scatter.add.f32 [tilespmem:s30], [sflag:$0xD], $0x10, s17, s26, $0xb8;
	[tilespmem:$0x15A90] =	vst v63  }
0xcb: {  	_ =	swait.ge [sflag:s8], $0x800  }
0xcc: {  	[sflag:s8] =	ssyncset.done $0x0  }
0xcd: {  	s17 =	sadd.s32 $0x100, s25;
	[sflag:s8] =	ssyncadd.s32 $0xFFFFF800  }
0xce: {  	[spmem:s4] =	stream.indirect.scatter.add.f32 [tilespmem:s3], [sflag:$0xE], $0x10, s17, s26, $0xb8;
	[tilespmem:$0x15A90] =	vst v63  }
0xcf: {  	_ =	swait.ge [sflag:s9], $0x800  }
0xd0: {  	[sflag:s9] =	ssyncset.done $0x0  }
0xd1: {  	s17 =	sadd.s32 $0x180, s25;
	[sflag:s9] =	ssyncadd.s32 $0xFFFFF800  }
0xd2: {  	[spmem:s4] =	stream.indirect.scatter.add.f32 [tilespmem:s18], [sflag:$0xF], $0x10, s17, s26, $0xb8;
	[tilespmem:$0x15A90] =	vst v63  }
0xd3: {  	_ =	swait.ge [sflag:s10], $0x800  }
0xd4: {  	[sflag:s10] =	ssyncset.done $0x0  }
0xd5: {  	s17 =	sadd.s32 $0x200, s25;
	[sflag:s10] =	ssyncadd.s32 $0xFFFFF800  }
0xd6: {  	[spmem:s4] =	stream.indirect.scatter.add.f32 [tilespmem:s31], [sflag:$0x10], $0x10, s17, s26, $0xb8;
	[tilespmem:$0x15A90] =	vst v63  }
0xd7: {  	_ =	swait.ge [sflag:s11], $0x800  }
0xd8: {  	[sflag:s11] =	ssyncset.done $0x0  }
0xd9: {  	s17 =	sadd.s32 $0x280, s25;
	[sflag:s11] =	ssyncadd.s32 $0xFFFFF800  }
0xda: {  	[spmem:s4] =	stream.indirect.scatter.add.f32 [tilespmem:s29], [sflag:$0x11], $0x10, s17, s26, $0xb8;
	[tilespmem:$0x15A90] =	vst v63  }
0xdb: {  	_ =	swait.ge [sflag:s12], $0x800  }
0xdc: {  	[sflag:s12] =	ssyncset.done $0x0  }
0xdd: {  	s17 =	sadd.s32 $0x300, s25;
	[sflag:s12] =	ssyncadd.s32 $0xFFFFF800  }
0xde: {  	[spmem:s4] =	stream.indirect.scatter.add.f32 [tilespmem:s0], [sflag:$0x12], $0x10, s17, s26, $0xb8;
	[tilespmem:$0x15A90] =	vst v63  }
0xdf: {  	_ =	swait.ge [sflag:s20], $0x800  }
0xe0: {  	[sflag:s20] =	ssyncset.done $0x0  }
0xe1: {  	s17 =	sadd.s32 $0x380, s25;
	[sflag:s20] =	ssyncadd.s32 $0xFFFFF800  }
0xe2: {  	[spmem:s4] =	stream.indirect.scatter.add.f32 [tilespmem:s1], [sflag:$0x13], $0x10, s17, s26, $0xb8;
	[tilespmem:$0x15A90] =	vst v63  }
0xe3: {  	_ =	swait.ge [sflag:s14], $0x800  }
0xe4: {  	[sflag:s14] =	ssyncset.done $0x0  }
0xe5: {  	s17 =	sadd.s32 $0xCC10, s25;
	[sflag:s14] =	ssyncadd.s32 $0xFFFFF800  }
0xe6: {  	[tilespmem:s19], [sflag:$0x4] =	stream.indirect.gather [spmem:s2], $0x10, s17, s26, $0xb8;
	[tilespmem:$0x15A90] =	vst v63  }
0xe7: {  	_ =	swait.ge [sflag:s15], $0x800  }
0xe8: {  	[sflag:s15] =	ssyncset.done $0x0  }
0xe9: {  	s17 =	sadd.s32 $0xCC90, s25;
	[sflag:s15] =	ssyncadd.s32 $0xFFFFF800  }
0xea: {  	[tilespmem:s30], [sflag:$0x5] =	stream.indirect.gather [spmem:s2], $0x10, s17, s26, $0xb8;
	[tilespmem:$0x15A90] =	vst v63  }
0xeb: {  	_ =	swait.ge [sflag:s16], $0x800  }
0xec: {  	[sflag:s16] =	ssyncset.done $0x0  }
0xed: {  	s17 =	sadd.s32 $0xCD10, s25;
	[sflag:s16] =	ssyncadd.s32 $0xFFFFF800  }
0xee: {  	[tilespmem:s3], [sflag:$0x6] =	stream.indirect.gather [spmem:s2], $0x10, s17, s26, $0xb8;
	[tilespmem:$0x15A90] =	vst v63  }
0xef: {  	_ =	swait.ge [sflag:s21], $0x800  }
0xf0: {  	[sflag:s21] =	ssyncset.done $0x0  }
0xf1: {  	s17 =	sadd.s32 $0xCD90, s25;
	[sflag:s21] =	ssyncadd.s32 $0xFFFFF800  }
0xf2: {  	[tilespmem:s18], [sflag:$0x7] =	stream.indirect.gather [spmem:s2], $0x10, s17, s26, $0xb8;
	[tilespmem:$0x15A90] =	vst v63  }
0xf3: {  	_ =	swait.ge [sflag:s22], $0x800  }
0xf4: {  	[sflag:s22] =	ssyncset.done $0x0  }
0xf5: {  	s17 =	sadd.s32 $0xCE10, s25;
	[sflag:s22] =	ssyncadd.s32 $0xFFFFF800  }
0xf6: {  	[tilespmem:s31], [sflag:$0x8] =	stream.indirect.gather [spmem:s2], $0x10, s17, s26, $0xb8;
	[tilespmem:$0x15A90] =	vst v63  }
0xf7: {  	_ =	swait.ge [sflag:s23], $0x800  }
0xf8: {  	[sflag:s23] =	ssyncset.done $0x0  }
0xf9: {  	s17 =	sadd.s32 $0xCE90, s25;
	[sflag:s23] =	ssyncadd.s32 $0xFFFFF800  }
0xfa: {  	[tilespmem:s29], [sflag:$0x9] =	stream.indirect.gather [spmem:s2], $0x10, s17, s26, $0xb8;
	[tilespmem:$0x15A90] =	vst v63  }
0xfb: {  	_ =	swait.ge [sflag:s24], $0x800  }
0xfc: {  	[sflag:s24] =	ssyncset.done $0x0  }
.Ltmp1:
0xfd: {  	s17 =	sadd.s32 $0xCF10, s25;
	[sflag:s24] =	ssyncadd.s32 $0xFFFFF800;
	(pc) =	sbr.rel @p1 .LBB2_4-.Ltmp1, $4  }
0xfe: {  	[tilespmem:s0], [sflag:$0xA] =	stream.indirect.gather [spmem:s2], $0x10, s17, s26, $0xb8;
	[tilespmem:$0x15A90] =	vst v63  }
0xff: {  	_ =	swait.ge [sflag:s13], $0x800  }
0x100: {  	[sflag:s13] =	ssyncset.done $0x0  }
0x101: {  	s17 =	sadd.s32 $0xCF90, s25;
	[sflag:s13] =	ssyncadd.s32 $0xFFFFF800  }
0x102: {  	[tilespmem:s1], [sflag:$0xB] =	stream.indirect.gather [spmem:s2], $0x10, s17, s26, $0xb8;
	[tilespmem:$0x15A90] =	vst v63  }
0x103: {  	_ =	swait.ge [sflag:s6], $0x800  }
0x104: {  	[sflag:s6] =	ssyncset.done $0x0  }
0x105: {  	s5 =	simm.s32 $0x2400;
	[sflag:s6] =	ssyncadd.s32 $0xFFFFF800  }
0x106: {  	[spmem:s4] =	stream.indirect.scatter.add.f32 [tilespmem:s19], [sflag:$0xC], $0x10, s5, s26, $0xb8;
	[tilespmem:$0x15A90] =	vst v63  }
0x107: {  	_ =	swait.ge [sflag:s7], $0x800  }
0x108: {  	[sflag:s7] =	ssyncset.done $0x0  }
0x109: {  	s17 =	simm.s32 $0x2480;
	[sflag:s7] =	ssyncadd.s32 $0xFFFFF800  }
0x10a: {  	[spmem:s4] =	stream.indirect.scatter.add.f32 [tilespmem:s30], [sflag:$0xD], $0x10, s17, s26, $0xb8;
	[tilespmem:$0x15A90] =	vst v63  }
0x10b: {  	_ =	swait.ge [sflag:s8], $0x800  }
0x10c: {  	[sflag:s8] =	ssyncset.done $0x0  }
0x10d: {  	s19 =	simm.s32 $0x2500;
	[sflag:s8] =	ssyncadd.s32 $0xFFFFF800  }
0x10e: {  	[spmem:s4] =	stream.indirect.scatter.add.f32 [tilespmem:s3], [sflag:$0xE], $0x10, s19, s26, $0xb8;
	[tilespmem:$0x15A90] =	vst v63  }
0x10f: {  	_ =	swait.ge [sflag:s9], $0x800  }
0x110: {  	[sflag:s9] =	ssyncset.done $0x0  }
0x111: {  	s25 =	simm.s32 $0x2580;
	[sflag:s9] =	ssyncadd.s32 $0xFFFFF800  }
0x112: {  	[spmem:s4] =	stream.indirect.scatter.add.f32 [tilespmem:s18], [sflag:$0xF], $0x10, s25, s26, $0xb8;
	[tilespmem:$0x15A90] =	vst v63  }
0x113: {  	_ =	swait.ge [sflag:s10], $0x800  }
0x114: {  	[sflag:s10] =	ssyncset.done $0x0  }
0x115: {  	s30 =	simm.s32 $0x2600;
	[sflag:s10] =	ssyncadd.s32 $0xFFFFF800  }
0x116: {  	[spmem:s4] =	stream.indirect.scatter.add.f32 [tilespmem:s31], [sflag:$0x10], $0x10, s30, s26, $0xb8;
	[tilespmem:$0x15A90] =	vst v63  }
0x117: {  	_ =	swait.ge [sflag:s11], $0x800  }
0x118: {  	[sflag:s11] =	ssyncset.done $0x0  }
0x119: {  	s17 =	simm.s32 $0x2680;
	[sflag:s11] =	ssyncadd.s32 $0xFFFFF800  }
0x11a: {  	[spmem:s4] =	stream.indirect.scatter.add.f32 [tilespmem:s29], [sflag:$0x11], $0x10, s17, s26, $0xb8;
	[tilespmem:$0x15A90] =	vst v63  }
0x11b: {  	_ =	swait.ge [sflag:s12], $0x800  }
0x11c: {  	[sflag:s12] =	ssyncset.done $0x0  }
0x11d: {  	s19 =	simm.s32 $0x2700;
	[sflag:s12] =	ssyncadd.s32 $0xFFFFF800  }
0x11e: {  	[spmem:s4] =	stream.indirect.scatter.add.f32 [tilespmem:s0], [sflag:$0x12], $0x10, s19, s26, $0xb8;
	[tilespmem:$0x15A90] =	vst v63  }
0x11f: {  	_ =	swait.ge [sflag:s20], $0x800  }
0x120: {  	[sflag:s20] =	ssyncset.done $0x0  }
0x121: {  	s25 =	simm.s32 $0x2780;
	[sflag:s20] =	ssyncadd.s32 $0xFFFFF800  }
0x122: {  	[spmem:s4] =	stream.indirect.scatter.add.f32 [tilespmem:s1], [sflag:$0x13], $0x10, s25, s26, $0xb8;
	[tilespmem:$0x15A90] =	vst v63  }
0x123: {  	_ =	swait.ge [sflag:s14], $0x800  }
0x124: {  	[sflag:s14] =	ssyncset.done $0x0  }
0x125: {  	[sflag:s14] =	ssyncadd.s32 $0xFFFFF800  }
0x126: {  	_ =	swait.ge [sflag:s15], $0x800  }
0x127: {  	[sflag:s15] =	ssyncset.done $0x0  }
0x128: {  	[sflag:s15] =	ssyncadd.s32 $0xFFFFF800  }
0x129: {  	_ =	swait.ge [sflag:s16], $0x800  }
0x12a: {  	[sflag:s16] =	ssyncset.done $0x0  }
0x12b: {  	[sflag:s16] =	ssyncadd.s32 $0xFFFFF800  }
0x12c: {  	_ =	swait.ge [sflag:s21], $0x800  }
0x12d: {  	[sflag:s21] =	ssyncset.done $0x0  }
0x12e: {  	[sflag:s21] =	ssyncadd.s32 $0xFFFFF800  }
0x12f: {  	_ =	swait.ge [sflag:s22], $0x800  }
0x130: {  	[sflag:s22] =	ssyncset.done $0x0  }
0x131: {  	[sflag:s22] =	ssyncadd.s32 $0xFFFFF800  }
0x132: {  	_ =	swait.ge [sflag:s23], $0x800  }
0x133: {  	[sflag:s23] =	ssyncset.done $0x0  }
0x134: {  	[sflag:s23] =	ssyncadd.s32 $0xFFFFF800  }
0x135: {  	_ =	swait.ge [sflag:s24], $0x800  }
0x136: {  	[sflag:s24] =	ssyncset.done $0x0  }
0x137: {  	[sflag:s24] =	ssyncadd.s32 $0xFFFFF800  }
0x138: {  	_ =	swait.ge [sflag:s13], $0x800  }
0x139: {  	[sflag:s13] =	ssyncset.done $0x0  }
0x13a: {  	[sflag:s13] =	ssyncadd.s32 $0xFFFFF800  }
0x13b: {  	s30 =	stileid.u32;
	[bflag:$0x0] =	sbarrier.arrive $0xFFFF  }
0x13c: {  	s5 =	sshll.u32 s30, $0x6;
	s17 =	rddreg [dreg:$0xd]  }
0x13d: {  	s5 =	sor.u32 $0x1C15, s5;
	s25 =	rddreg [dreg:$0xf];
	s19 =	sshrl.u32 s17, $0x3  }
0x13e: {  	[hbm:s25], [sflag:s5] =	dma.local [spmem:s19], $0x500  }
0x13f: {  	_ =	swait.ge [sflag:s28], $0x500  }
0x140: {  	s25 =	rddreg [dreg:$0x11]  }
0x141: {  	s30 =	rddreg [dreg:$0x10];
	s17 =	sadd.s32 $0x1, s25  }
0x142: {  	p1 =	sne.s32 s17, s30  }
.Ltmp2:
0x143: {  	_ = 	snop;
	(pc) =	sbr.rel @p1 .LBB2_1-.Ltmp2, $3  }
0x144: {  	_ =	sdelay $0x1  }
0x145: {  	[sflag:s28] =	ssyncset.done $0x0  }
0x146: {  	[sflag:s28] =	ssyncadd.s32 $0xFFFFFB00  }
0x147: {  	_ =	sfence.sel $0x180000  }
0x148: {  	[bflag:$0x0] =	sbarrier.arrive $0xFFFF  }
0x149: {  	_ =	strace $0x9000004A  }
0x14a: {  	s0 =	stileid.u32;
	[bflag:$0x2] =	sbarrier.arrive $0xFFFF  }
0x14b: {  	p0 =	sne.s32 s0, $0x0;
	s0 =	rddreg [dreg:$0x5]  }
0x14c: {  	s0 =	sadd.s32 @!p0 $0x100000, s0  }
0x14d: {  	[sflag:s0] =	ssyncadd.tile.s32 @!p0 $0x1;
	_ =	shalt  }
.Lfunc_end2:
_tile_overlayer_lowered:
.L_overlay_start_2:
0x14e: {  	(tag) =	ssettag $0x2  }
0x14f: {  	s0 =	rddreg [dreg:$0x0];
	s2 =	stileid.u32  }
0x150: {  	s1 =	rddreg [dreg:$0x1];
	p0 =	sne.s32 s2, $0x0  }
0x151: {  	s3 =	rddreg [dreg:$0x2];
	[bflag:$0x3] =	sbarrier.arrive $0xFFFF;
	s2 =	simm.s32 @!p0 $0x1C15  }
0x152: {  	[timem:s3], [sflag:s2] =	dma.local @!p0 [hbm:s0], s1  }
0x153: {  	s0 =	simm.s32 @!p0 $0x15  }
0x154: {  	_ =	swait.ge @!p0 [sflag:s0], s1  }
0x155: {  	s1 =	ssub.s32 @!p0 $0x0, s1;
	[sflag:s0] =	ssyncset.done @!p0 $0x0  }
0x156: {  	[sflag:s0] =	ssyncadd.s32 @!p0 s1  }
0x157: {  	[bflag:$0x3] =	sbarrier.arrive $0xFFFF  }
0x158: {  	_ =	shalt  }

</sc_bundles>
